<compile_context>
chip_gen: v7x
topology: tpu7x:2x2x1
jax: 0.10.2.dev20260603
libtpu: 0.0.44.dev20260713+nightly
codegen_flags: <defaults>
</compile_context>

<pallas_src>
import functools

import jax
import jax.numpy as jnp
from jax import lax
from jax.experimental import pallas as pl
from jax.experimental.pallas import tpu as pltpu
from jax.experimental.pallas import tpu_sc as plsc

N = 10000
E = 320000
D_IN = 128
D_H = 128
D_OUT = 40
D2H = D_H // 2
D_OP = 48
D2O = D_OP // 2

NC = 2
NS = 16
EPT = E // NS
CH = 160
K2 = EPT // CH
N_PAD = 10112
RPT = N_PAD // NS
NBUF = 4
LOOK = 3
E_PAD = NC * NS * 80 * 128

_UNTILED = pltpu.CompilerParams(use_tc_tiling_on_sc=False)


def _mesh():
    return plsc.VectorSubcoreMesh(
        core_axis_name="c", subcore_axis_name="s", num_cores=NC, num_subcores=NS
    )


CHD = 128
KD = E_PAD // (NC * NS * CHD)


@functools.cache
def _make_degree():
    return functools.partial(
        pl.kernel,
        out_type=jax.ShapeDtypeStruct((NC * N_PAD,), jnp.float32),
        mesh=_mesh(),
        scratch_types=[
            pltpu.VMEM((KD, CHD), jnp.int32),
            pltpu.VMEM((CHD,), jnp.float32),
            pltpu.VMEM((RPT,), jnp.float32),
            pltpu.VMEM_SHARED((N_PAD,), jnp.float32),
            pltpu.SemaphoreType.DMA,
        ],
    )(_sc_degree_body)


def _sc_degree_body(dst_hbm, out_hbm, didx, ones_v, zbuf, acc, sem):
    c = lax.axis_index("c")
    s = lax.axis_index("s")
    wid = c * NS + s

    pltpu.sync_copy(dst_hbm.at[wid], didx)

    for i in range(CHD // 16):
        ones_v[pl.ds(i * 16, 16)] = jnp.ones((16,), jnp.float32)

    def zfill(i, _):
        zbuf[pl.ds(i * 16, 16)] = jnp.zeros((16,), jnp.float32)
        return 0

    lax.fori_loop(0, RPT // 16, zfill, 0)
    zbuf[pl.ds(RPT - 16, 16)] = jnp.zeros((16,), jnp.float32)

    pltpu.sync_copy(zbuf, acc.at[pl.ds(s * RPT, RPT)])
    plsc.subcore_barrier()

    def body(jj, _):
        descs = [
            pltpu.async_copy(ones_v, acc.at[didx.at[jj * 8 + b]], sem, add=True)
            for b in range(8)
        ]
        for d in descs:
            d.wait()
        return 0

    lax.fori_loop(0, KD // 8, body, 0)
    plsc.subcore_barrier()
    pltpu.sync_copy(acc.at[pl.ds(s * RPT, RPT)], zbuf)
    pltpu.sync_copy(zbuf, out_hbm.at[pl.ds(c * N_PAD + s * RPT, RPT)])


@functools.cache
def _make_scatter(D2):
    @functools.partial(
        pl.kernel,
        out_type=jax.ShapeDtypeStruct((NC * N_PAD, D2), jnp.float32),
        compiler_params=_UNTILED,
        mesh=_mesh(),
        scratch_types=[
            pltpu.VMEM((EPT,), jnp.int32),
            pltpu.VMEM((EPT,), jnp.int32),
            pltpu.VMEM((NBUF, CH, D2), jnp.float32),
            pltpu.VMEM_SHARED((N_PAD, D2), jnp.float32),
            pltpu.SemaphoreType.DMA,
            pltpu.SemaphoreType.DMA,
            pltpu.SemaphoreType.DMA,
            pltpu.SemaphoreType.DMA,
            pltpu.SemaphoreType.DMA,
            pltpu.SemaphoreType.DMA,
            pltpu.SemaphoreType.DMA,
            pltpu.SemaphoreType.DMA,
            pltpu.SemaphoreType.DMA,
            pltpu.SemaphoreType.DMA,
            pltpu.SemaphoreType.DMA,
        ],
    )
    def scatter(ei_hbm, h_hbm, out_hbm, sidx, didx, rows, acc,
                sem_z, sg0, sg1, sg2, sg3, sg4, ss0, ss1, ss2, ss3, ss4):
        c = lax.axis_index("c")
        s = lax.axis_index("s")
        sg = (sg0, sg1, sg2, sg3, sg4)
        ss = (ss0, ss1, ss2, ss3, ss4)

        pltpu.sync_copy(ei_hbm.at[0, pl.ds(s * EPT, EPT)], sidx)
        pltpu.sync_copy(ei_hbm.at[1, pl.ds(s * EPT, EPT)], didx)

        off = c * N_PAD

        def obody(i, _):
            sidx[pl.ds(i * 16, 16)] = sidx[pl.ds(i * 16, 16)] + off
            return 0

        lax.fori_loop(0, EPT // 16, obody, 0)

        col_offs = list(range(0, D2 - 15, 16))
        if D2 % 16:
            col_offs.append(D2 - 16)
        for r in range(8):
            for o in col_offs:
                rows[0, r, pl.ds(o, 16)] = jnp.zeros((16,), jnp.float32)

        def zbody(r, _):
            pltpu.async_copy(rows.at[0, pl.ds(0, 8)],
                             acc.at[pl.ds(s * RPT + r * 8, 8)], sem_z)
            return 0

        lax.fori_loop(0, RPT // 8, zbody, 0)

        def zdrain(r, _):
            pltpu.make_async_copy(rows.at[0, pl.ds(0, 8)],
                                  acc.at[pl.ds(s * RPT + r * 8, 8)], sem_z).wait()
            return 0

        lax.fori_loop(0, RPT // 8, zdrain, 0)
        plsc.subcore_barrier()

        def gath(j, b):
            pltpu.async_copy(h_hbm.at[sidx.at[pl.ds(j * CH, CH)]], rows.at[b], sg[b])

        def gwait(j, b):
            pltpu.make_async_copy(
                h_hbm.at[sidx.at[pl.ds(j * CH, CH)]], rows.at[b], sg[b]).wait()

        def scat(j, b):
            pltpu.async_copy(rows.at[b], acc.at[didx.at[pl.ds(j * CH, CH)]],
                             ss[b], add=True)

        def swaitf(j, b):
            pltpu.make_async_copy(
                rows.at[b], acc.at[didx.at[pl.ds(j * CH, CH)]], ss[b]).wait()

        for m in range(LOOK):
            gath(m, m % NBUF)

        def step(j, slot, do_swait, do_gath):
            gwait(j, slot)
            scat(j, slot)
            ms = (slot + LOOK) % NBUF
            if do_swait:
                swaitf(j - (NBUF - LOOK), ms)
            if do_gath:
                gath(j + LOOK, ms)

        peel = max(NBUF - LOOK, 1)
        blocks = (K2 - LOOK - peel) // NBUF
        tail0 = peel + NBUF * blocks

        for j in range(peel):
            step(j, j % NBUF, j >= NBUF - LOOK, j + LOOK < K2)

        def body(jj, _):
            for b in range(NBUF):
                step(peel + jj * NBUF + b, (peel + b) % NBUF, True, True)
            return 0

        lax.fori_loop(0, blocks, body, 0)

        for j in range(tail0, K2):
            step(j, j % NBUF, j >= NBUF - LOOK, j + LOOK < K2)
        for j in range(K2 - (NBUF - LOOK), K2):
            swaitf(j, j % NBUF)

        plsc.subcore_barrier()
        pltpu.sync_copy(acc.at[pl.ds(s * RPT, RPT)],
                        out_hbm.at[pl.ds(c * N_PAD + s * RPT, RPT)])

    return scatter


def _tc1_body(x_ref, w_ref, degp_ref, hp_ref, s_ref):
    deg = degp_ref[0] + degp_ref[1] + 1.0
    sv = lax.rsqrt(jnp.maximum(deg, 1.0))
    s_ref[...] = sv
    h = jnp.dot(x_ref[...], w_ref[...], preferred_element_type=jnp.float32)
    hs = h * sv[:N]
    z = jnp.zeros((N_PAD - N, D2H), jnp.float32)
    hp_ref[:N] = hs[:, :D2H]
    hp_ref[N:N_PAD] = z
    hp_ref[N_PAD:N_PAD + N] = hs[:, D2H:]
    hp_ref[N_PAD + N:] = z


def _tc1(x, W1, degp):
    return pl.pallas_call(
        _tc1_body,
        out_shape=(
            jax.ShapeDtypeStruct((NC * N_PAD, D2H), jnp.float32),
            jax.ShapeDtypeStruct((N_PAD, 1), jnp.float32),
        ),
    )(x, W1, degp)


def _tc2_body(aggp_ref, hp_ref, s_ref, b1_ref, g1_ref, be1_ref, w2_ref, h2p_ref):
    sN = s_ref[:N]
    left = aggp_ref[:N] + hp_ref[:N]
    right = aggp_ref[N_PAD:N_PAD + N] + hp_ref[N_PAD:N_PAD + N]
    a = sN * jnp.concatenate([left, right], axis=1) + b1_ref[...]
    mean = jnp.mean(a, axis=0, keepdims=True)
    cen = a - mean
    var = jnp.mean(cen * cen, axis=0, keepdims=True)
    h1 = jnp.maximum(g1_ref[...] * cen * lax.rsqrt(var + 1e-5) + be1_ref[...], 0.0)
    h2 = jnp.dot(h1, w2_ref[...], preferred_element_type=jnp.float32)
    h2s = h2 * sN
    z = jnp.zeros((N_PAD - N, D2O), jnp.float32)
    h2p_ref[:N] = h2s[:, :D2O]
    h2p_ref[N:N_PAD] = z
    h2p_ref[N_PAD:N_PAD + N] = h2s[:, D2O:]
    h2p_ref[N_PAD + N:] = z


def _tc2(aggp, hp, s, b1, g1, be1, W2):
    return pl.pallas_call(
        _tc2_body,
        out_shape=jax.ShapeDtypeStruct((NC * N_PAD, D2O), jnp.float32),
    )(aggp, hp, s, b1, g1, be1, W2)


def _tc3_body(agg2p_ref, h2p_ref, s_ref, b2_ref, out_ref):
    left = agg2p_ref[:N] + h2p_ref[:N]
    right = agg2p_ref[N_PAD:N_PAD + N] + h2p_ref[N_PAD:N_PAD + N]
    o = (s_ref[:N] * jnp.concatenate([left, right], axis=1))[:, :D_OUT] + b2_ref[...]
    m = jnp.max(o, axis=1, keepdims=True)
    lse = jnp.log(jnp.sum(jnp.exp(o - m), axis=1, keepdims=True))
    out_ref[...] = o - m - lse


def _tc3(agg2p, h2p, s, b2):
    return pl.pallas_call(
        _tc3_body,
        out_shape=jax.ShapeDtypeStruct((N, D_OUT), jnp.float32),
    )(agg2p, h2p, s, b2)


def kernel(x, W1, b1, gamma1, beta1, W2, b2, edge_index):
    pad = jnp.full((E_PAD - E,), N, jnp.int32)
    dstp_deg = jnp.concatenate([edge_index[1], pad]).reshape(NC * NS, KD, CHD)

    degp = _make_degree()(dstp_deg).reshape(NC, N_PAD, 1)
    hp, s = _tc1(x, W1, degp)
    aggp = _make_scatter(D2H)(edge_index, hp)
    W2p = jnp.pad(W2, ((0, 0), (0, D_OP - D_OUT)))
    h2p = _tc2(aggp, hp, s, b1.reshape(1, D_H), gamma1.reshape(1, D_H),
               beta1.reshape(1, D_H), W2p)
    agg2p = _make_scatter(D2O)(edge_index, h2p)
    return _tc3(agg2p, h2p, s, b2.reshape(1, D_OUT))

# --- scband reference (transcript-rebuilt; emitter-appended) ---
"""Pipeline reference for scband-supernet-33045478375878 (READ-ONLY COPY).

The authoritative reference and input builder live on the scoring server;
editing this copy changes nothing except your own understanding.
"""

import jax, jax.numpy as jnp
import numpy as np

N = 10000
E = 320000
D_IN = 128
D_H = 128
D_OUT = 40


def setup_inputs(seed: int = 0) -> dict:
    key = jax.random.key(seed)
    ks = jax.random.split(key, 8)
    x = jax.random.normal(ks[0], (N, D_IN), dtype=jnp.float32)
    edge_index = jax.random.randint(ks[1], (2, E), 0, N, dtype=jnp.int32)
    W1 = jax.random.normal(ks[2], (D_IN, D_H), dtype=jnp.float32) * (1.0 / np.sqrt(D_IN))
    b1 = jnp.zeros((D_H,), dtype=jnp.float32)
    gamma1 = jnp.ones((D_H,), dtype=jnp.float32)
    beta1 = jnp.zeros((D_H,), dtype=jnp.float32)
    W2 = jax.random.normal(ks[3], (D_H, D_OUT), dtype=jnp.float32) * (1.0 / np.sqrt(D_H))
    b2 = jnp.zeros((D_OUT,), dtype=jnp.float32)
    return {"x": x, "W1": W1, "b1": b1, "gamma1": gamma1, "beta1": beta1, "W2": W2, "b2": b2, "edge_index": edge_index}


def gcn_conv(x, W, b, edge_index):
    # GCNConv with self-loops and symmetric normalization
    n = x.shape[0]
    loop = jnp.arange(n, dtype=edge_index.dtype)
    src = jnp.concatenate([edge_index[0], loop])
    dst = jnp.concatenate([edge_index[1], loop])
    h = x @ W
    deg = jnp.zeros((n,), dtype=x.dtype).at[dst].add(1.0)
    dinv = jax.lax.rsqrt(jnp.maximum(deg, 1.0))
    norm = dinv[src] * dinv[dst]
    msg = h[src] * norm[:, None]
    out = jnp.zeros((n, h.shape[1]), dtype=x.dtype).at[dst].add(msg)
    return out + b


def batch_norm(h, gamma, beta, eps=1e-5):
    mean = h.mean(axis=0)
    var = h.var(axis=0)
    return gamma * (h - mean) * jax.lax.rsqrt(var + eps) + beta


def reference(x, W1, b1, gamma1, beta1, W2, b2, edge_index):
    # layer 0: Conv('gcn', pos=2) -> gcn conv, batchnorm, relu (dropout is identity in eval)
    h = gcn_conv(x, W1, b1, edge_index)
    h = batch_norm(h, gamma1, beta1)
    h = jax.nn.relu(h)
    # layer 1: Conv('gcn', pos=0) -> plain gcn conv
    o = gcn_conv(h, W2, b2, edge_index)
    return jax.nn.log_softmax(o, axis=-1)

if __name__ == "__main__":
    import jax
    _d = setup_inputs()
    print(jax.jit(kernel)(*tuple(_d.values())))

</pallas_src>

<mosaic_0001>
#map = affine_map<(d0, d1) -> (0, 0)>
module attributes {stable_mosaic.version = 14 : i64} {
  func.func @scatter(%arg0: i32, %arg1: i32, %arg2: memref<2x320000xi32, #tpu.memory_space<hbm>>, %arg3: memref<20224x64xf32, #tpu.memory_space<hbm>>, %arg4: memref<20224x64xf32, #tpu.memory_space<hbm>>, %arg5: memref<20000xi32, #tpu.memory_space<vmem>>, %arg6: memref<20000xi32, #tpu.memory_space<vmem>>, %arg7: memref<4x160x64xf32, #tpu.memory_space<vmem>>, %arg8: memref<10112x64xf32, #tpu.memory_space<vmem_shared>>, %arg9: memref<!tpu.dma_semaphore, #tpu.memory_space<semaphore_mem>>, %arg10: memref<!tpu.dma_semaphore, #tpu.memory_space<semaphore_mem>>, %arg11: memref<!tpu.dma_semaphore, #tpu.memory_space<semaphore_mem>>, %arg12: memref<!tpu.dma_semaphore, #tpu.memory_space<semaphore_mem>>, %arg13: memref<!tpu.dma_semaphore, #tpu.memory_space<semaphore_mem>>, %arg14: memref<!tpu.dma_semaphore, #tpu.memory_space<semaphore_mem>>, %arg15: memref<!tpu.dma_semaphore, #tpu.memory_space<semaphore_mem>>, %arg16: memref<!tpu.dma_semaphore, #tpu.memory_space<semaphore_mem>>, %arg17: memref<!tpu.dma_semaphore, #tpu.memory_space<semaphore_mem>>, %arg18: memref<!tpu.dma_semaphore, #tpu.memory_space<semaphore_mem>>, %arg19: memref<!tpu.dma_semaphore, #tpu.memory_space<semaphore_mem>>) attributes {dimension_semantics = [#tpu.dimension_semantics<core_parallel>, #tpu.dimension_semantics<subcore_parallel>], iteration_bounds = array<i64: 2, 16>, scalar_prefetch = 0 : i64, scratch_operands = 15 : i64, tpu.core_type = #tpu.core_type<sc_vector_subcore>, window_params = [{transform_indices = #map}, {transform_indices = #map}, {transform_indices = #map}]} {
    %mul3A = arith.constant 20000 : i32
    %mul3A_0 = arith.muli %arg1, %mul3A : i32
    %run_scoped3A = arith.constant 0 : i32
    "tpu.region"() ({
      %run_scoped3A_556 = tpu.sem_alloc : memref<!tpu.dma_semaphore, #tpu.memory_space<semaphore_mem>>
      %dma_start3A_557 = tpu.memref_slice %arg2[%run_scoped3A, %mul3A_0] : memref<2x320000xi32, #tpu.memory_space<hbm>> -> memref<1x20000xi32, #tpu.memory_space<hbm>>
      %dma_start3A_558 = tpu.memref_squeeze %dma_start3A_557 : memref<1x20000xi32, #tpu.memory_space<hbm>> -> memref<20000xi32, #tpu.memory_space<hbm>>
      %dma_start3A_559 = tpu.memref_slice %arg2[%run_scoped3A, %mul3A_0] : memref<2x320000xi32, #tpu.memory_space<hbm>> -> memref<1x20000xi32, #tpu.memory_space<hbm>>
      %dma_start3A_560 = tpu.memref_squeeze %dma_start3A_559 : memref<1x20000xi32, #tpu.memory_space<hbm>> -> memref<20000xi32, #tpu.memory_space<hbm>>
      tpu.enqueue_dma source(%dma_start3A_560 : memref<20000xi32, #tpu.memory_space<hbm>>) target(%arg5 : memref<20000xi32, #tpu.memory_space<vmem>>) target_semaphore(%run_scoped3A_556 : memref<!tpu.dma_semaphore, #tpu.memory_space<semaphore_mem>>)
      %dma_wait3A_561 = tpu.memref_slice %arg2[%run_scoped3A, %mul3A_0] : memref<2x320000xi32, #tpu.memory_space<hbm>> -> memref<1x20000xi32, #tpu.memory_space<hbm>>
      %dma_wait3A_562 = tpu.memref_squeeze %dma_wait3A_561 : memref<1x20000xi32, #tpu.memory_space<hbm>> -> memref<20000xi32, #tpu.memory_space<hbm>>
      %dma_wait3A_563 = tpu.memref_slice %arg2[%run_scoped3A, %mul3A_0] : memref<2x320000xi32, #tpu.memory_space<hbm>> -> memref<1x20000xi32, #tpu.memory_space<hbm>>
      %dma_wait3A_564 = tpu.memref_squeeze %dma_wait3A_563 : memref<1x20000xi32, #tpu.memory_space<hbm>> -> memref<20000xi32, #tpu.memory_space<hbm>>
      tpu.wait_dma2 semaphore(%run_scoped3A_556 : memref<!tpu.dma_semaphore, #tpu.memory_space<semaphore_mem>>) src(%dma_wait3A_564 : memref<20000xi32, #tpu.memory_space<hbm>>) dst(%arg5 : memref<20000xi32, #tpu.memory_space<vmem>>)
      tpu.yield
    }) : () -> ()
    %mul3A_1 = arith.constant 20000 : i32
    %mul3A_2 = arith.muli %arg1, %mul3A_1 : i32
    %run_scoped3A_3 = arith.constant 1 : i32
    "tpu.region"() ({
      %run_scoped3A_556 = tpu.sem_alloc : memref<!tpu.dma_semaphore, #tpu.memory_space<semaphore_mem>>
      %dma_start3A_557 = tpu.memref_slice %arg2[%run_scoped3A_3, %mul3A_2] : memref<2x320000xi32, #tpu.memory_space<hbm>> -> memref<1x20000xi32, #tpu.memory_space<hbm>>
      %dma_start3A_558 = tpu.memref_squeeze %dma_start3A_557 : memref<1x20000xi32, #tpu.memory_space<hbm>> -> memref<20000xi32, #tpu.memory_space<hbm>>
      %dma_start3A_559 = tpu.memref_slice %arg2[%run_scoped3A_3, %mul3A_2] : memref<2x320000xi32, #tpu.memory_space<hbm>> -> memref<1x20000xi32, #tpu.memory_space<hbm>>
      %dma_start3A_560 = tpu.memref_squeeze %dma_start3A_559 : memref<1x20000xi32, #tpu.memory_space<hbm>> -> memref<20000xi32, #tpu.memory_space<hbm>>
      tpu.enqueue_dma source(%dma_start3A_560 : memref<20000xi32, #tpu.memory_space<hbm>>) target(%arg6 : memref<20000xi32, #tpu.memory_space<vmem>>) target_semaphore(%run_scoped3A_556 : memref<!tpu.dma_semaphore, #tpu.memory_space<semaphore_mem>>)
      %dma_wait3A_561 = tpu.memref_slice %arg2[%run_scoped3A_3, %mul3A_2] : memref<2x320000xi32, #tpu.memory_space<hbm>> -> memref<1x20000xi32, #tpu.memory_space<hbm>>
      %dma_wait3A_562 = tpu.memref_squeeze %dma_wait3A_561 : memref<1x20000xi32, #tpu.memory_space<hbm>> -> memref<20000xi32, #tpu.memory_space<hbm>>
      %dma_wait3A_563 = tpu.memref_slice %arg2[%run_scoped3A_3, %mul3A_2] : memref<2x320000xi32, #tpu.memory_space<hbm>> -> memref<1x20000xi32, #tpu.memory_space<hbm>>
      %dma_wait3A_564 = tpu.memref_squeeze %dma_wait3A_563 : memref<1x20000xi32, #tpu.memory_space<hbm>> -> memref<20000xi32, #tpu.memory_space<hbm>>
      tpu.wait_dma2 semaphore(%run_scoped3A_556 : memref<!tpu.dma_semaphore, #tpu.memory_space<semaphore_mem>>) src(%dma_wait3A_564 : memref<20000xi32, #tpu.memory_space<hbm>>) dst(%arg6 : memref<20000xi32, #tpu.memory_space<vmem>>)
      tpu.yield
    }) : () -> ()
    %mul3A_4 = arith.constant 10112 : i32
    %mul3A_5 = arith.muli %arg0, %mul3A_4 : i32
    %scan3A = arith.constant 0 : i32
    %scan3A_6 = arith.constant 0 : i32
    %scan3A_7 = arith.constant 1250 : i32
    %scan3A_8 = arith.addi %scan3A_6, %scan3A_7 : i32
    %scan3A_9 = arith.constant 1 : i32
    %scan3A_10 = scf.for %scan3A_556 = %scan3A_6 to %scan3A_8 step %scan3A_9 iter_args(%scan3A_557 = %scan3A) -> (i32)  : i32 {
      %mul3A_558 = arith.constant 16 : i32
      %mul3A_559 = arith.muli %scan3A_556, %mul3A_558 : i32
      %get3A = arith.index_cast %mul3A_559 : i32 to index
      %get3A_560 = tpu.vector_load %arg5[%get3A] {strides = array<i32>} : memref<20000xi32, #tpu.memory_space<vmem>>, vector<16xi32>,
      %get3A_561 = vector.shape_cast %get3A_560 : vector<16xi32> to vector<16xi32>
      %add3A_562 = vector.broadcast %mul3A_5 : i32 to vector<16xi32>
      %add3A_563 = arith.addi %get3A_561, %add3A_562 : vector<16xi32>
      %mul3A_564 = arith.constant 16 : i32
      %mul3A_565 = arith.muli %scan3A_556, %mul3A_564 : i32
      %swap3A_566 = arith.index_cast %mul3A_565 : i32 to index
      %swap3A_567 = tpu.vector_load %arg5[%swap3A_566] {strides = array<i32>} : memref<20000xi32, #tpu.memory_space<vmem>>, vector<16xi32>,
      %swap3A_568 = vector.shape_cast %swap3A_567 : vector<16xi32> to vector<16xi32>
      %swap3A_569 = vector.shape_cast %add3A_563 : vector<16xi32> to vector<16xi32>
      tpu.vector_store %arg5[%swap3A_566], %swap3A_569 {strides = array<i32>} : memref<20000xi32, #tpu.memory_space<vmem>>, vector<16xi32>,
      %scan3A_570 = arith.constant 0 : i32
      scf.yield %scan3A_570 : i32
    }
    %scan3A_11 = arith.constant 1250 : i32
    %broadcast_in_dim3A = arith.constant 0.000000e+00 : f32
    %broadcast_in_dim3A_12 = vector.broadcast %broadcast_in_dim3A : f32 to vector<16xf32>
    %swap3A = arith.constant 0 : i32
    %swap3A_13 = arith.constant 0 : i32
    %swap3A_14 = arith.index_cast %swap3A : i32 to index
    %swap3A_15 = arith.index_cast %swap3A_13 : i32 to index
    %swap3A_16 = arith.constant 0 : index
    %swap3A_17 = tpu.vector_load %arg7[%swap3A_14, %swap3A_15, %swap3A_16] {strides = array<i32>} : memref<4x160x64xf32, #tpu.memory_space<vmem>>, vector<1x1x16xf32>,
    %swap3A_18 = vector.shape_cast %swap3A_17 : vector<1x1x16xf32> to vector<16xf32>
    %swap3A_19 = vector.shape_cast %broadcast_in_dim3A_12 : vector<16xf32> to vector<1x1x16xf32>
    tpu.vector_store %arg7[%swap3A_14, %swap3A_15, %swap3A_16], %swap3A_19 {strides = array<i32>} : memref<4x160x64xf32, #tpu.memory_space<vmem>>, vector<1x1x16xf32>,
    %broadcast_in_dim3A_20 = arith.constant 0.000000e+00 : f32
    %broadcast_in_dim3A_21 = vector.broadcast %broadcast_in_dim3A_20 : f32 to vector<16xf32>
    %swap3A_22 = arith.constant 0 : i32
    %swap3A_23 = arith.constant 0 : i32
    %swap3A_24 = arith.index_cast %swap3A_22 : i32 to index
    %swap3A_25 = arith.index_cast %swap3A_23 : i32 to index
    %swap3A_26 = arith.constant 16 : index
    %swap3A_27 = tpu.vector_load %arg7[%swap3A_24, %swap3A_25, %swap3A_26] {strides = array<i32>} : memref<4x160x64xf32, #tpu.memory_space<vmem>>, vector<1x1x16xf32>,
    %swap3A_28 = vector.shape_cast %swap3A_27 : vector<1x1x16xf32> to vector<16xf32>
    %swap3A_29 = vector.shape_cast %broadcast_in_dim3A_21 : vector<16xf32> to vector<1x1x16xf32>
    tpu.vector_store %arg7[%swap3A_24, %swap3A_25, %swap3A_26], %swap3A_29 {strides = array<i32>} : memref<4x160x64xf32, #tpu.memory_space<vmem>>, vector<1x1x16xf32>,
    %broadcast_in_dim3A_30 = arith.constant 0.000000e+00 : f32
    %broadcast_in_dim3A_31 = vector.broadcast %broadcast_in_dim3A_30 : f32 to vector<16xf32>
    %swap3A_32 = arith.constant 0 : i32
    %swap3A_33 = arith.constant 0 : i32
    %swap3A_34 = arith.index_cast %swap3A_32 : i32 to index
    %swap3A_35 = arith.index_cast %swap3A_33 : i32 to index
    %swap3A_36 = arith.constant 32 : index
    %swap3A_37 = tpu.vector_load %arg7[%swap3A_34, %swap3A_35, %swap3A_36] {strides = array<i32>} : memref<4x160x64xf32, #tpu.memory_space<vmem>>, vector<1x1x16xf32>,
    %swap3A_38 = vector.shape_cast %swap3A_37 : vector<1x1x16xf32> to vector<16xf32>
    %swap3A_39 = vector.shape_cast %broadcast_in_dim3A_31 : vector<16xf32> to vector<1x1x16xf32>
    tpu.vector_store %arg7[%swap3A_34, %swap3A_35, %swap3A_36], %swap3A_39 {strides = array<i32>} : memref<4x160x64xf32, #tpu.memory_space<vmem>>, vector<1x1x16xf32>,
    %broadcast_in_dim3A_40 = arith.constant 0.000000e+00 : f32
    %broadcast_in_dim3A_41 = vector.broadcast %broadcast_in_dim3A_40 : f32 to vector<16xf32>
    %swap3A_42 = arith.constant 0 : i32
    %swap3A_43 = arith.constant 0 : i32
    %swap3A_44 = arith.index_cast %swap3A_42 : i32 to index
    %swap3A_45 = arith.index_cast %swap3A_43 : i32 to index
    %swap3A_46 = arith.constant 48 : index
    %swap3A_47 = tpu.vector_load %arg7[%swap3A_44, %swap3A_45, %swap3A_46] {strides = array<i32>} : memref<4x160x64xf32, #tpu.memory_space<vmem>>, vector<1x1x16xf32>,
    %swap3A_48 = vector.shape_cast %swap3A_47 : vector<1x1x16xf32> to vector<16xf32>
    %swap3A_49 = vector.shape_cast %broadcast_in_dim3A_41 : vector<16xf32> to vector<1x1x16xf32>
    tpu.vector_store %arg7[%swap3A_44, %swap3A_45, %swap3A_46], %swap3A_49 {strides = array<i32>} : memref<4x160x64xf32, #tpu.memory_space<vmem>>, vector<1x1x16xf32>,
    %broadcast_in_dim3A_50 = arith.constant 0.000000e+00 : f32
    %broadcast_in_dim3A_51 = vector.broadcast %broadcast_in_dim3A_50 : f32 to vector<16xf32>
    %swap3A_52 = arith.constant 0 : i32
    %swap3A_53 = arith.constant 1 : i32
    %swap3A_54 = arith.index_cast %swap3A_52 : i32 to index
    %swap3A_55 = arith.index_cast %swap3A_53 : i32 to index
    %swap3A_56 = arith.constant 0 : index
    %swap3A_57 = tpu.vector_load %arg7[%swap3A_54, %swap3A_55, %swap3A_56] {strides = array<i32>} : memref<4x160x64xf32, #tpu.memory_space<vmem>>, vector<1x1x16xf32>,
    %swap3A_58 = vector.shape_cast %swap3A_57 : vector<1x1x16xf32> to vector<16xf32>
    %swap3A_59 = vector.shape_cast %broadcast_in_dim3A_51 : vector<16xf32> to vector<1x1x16xf32>
    tpu.vector_store %arg7[%swap3A_54, %swap3A_55, %swap3A_56], %swap3A_59 {strides = array<i32>} : memref<4x160x64xf32, #tpu.memory_space<vmem>>, vector<1x1x16xf32>,
    %broadcast_in_dim3A_60 = arith.constant 0.000000e+00 : f32
    %broadcast_in_dim3A_61 = vector.broadcast %broadcast_in_dim3A_60 : f32 to vector<16xf32>
    %swap3A_62 = arith.constant 0 : i32
    %swap3A_63 = arith.constant 1 : i32
    %swap3A_64 = arith.index_cast %swap3A_62 : i32 to index
    %swap3A_65 = arith.index_cast %swap3A_63 : i32 to index
    %swap3A_66 = arith.constant 16 : index
    %swap3A_67 = tpu.vector_load %arg7[%swap3A_64, %swap3A_65, %swap3A_66] {strides = array<i32>} : memref<4x160x64xf32, #tpu.memory_space<vmem>>, vector<1x1x16xf32>,
    %swap3A_68 = vector.shape_cast %swap3A_67 : vector<1x1x16xf32> to vector<16xf32>
    %swap3A_69 = vector.shape_cast %broadcast_in_dim3A_61 : vector<16xf32> to vector<1x1x16xf32>
    tpu.vector_store %arg7[%swap3A_64, %swap3A_65, %swap3A_66], %swap3A_69 {strides = array<i32>} : memref<4x160x64xf32, #tpu.memory_space<vmem>>, vector<1x1x16xf32>,
    %broadcast_in_dim3A_70 = arith.constant 0.000000e+00 : f32
    %broadcast_in_dim3A_71 = vector.broadcast %broadcast_in_dim3A_70 : f32 to vector<16xf32>
    %swap3A_72 = arith.constant 0 : i32
    %swap3A_73 = arith.constant 1 : i32
    %swap3A_74 = arith.index_cast %swap3A_72 : i32 to index
    %swap3A_75 = arith.index_cast %swap3A_73 : i32 to index
    %swap3A_76 = arith.constant 32 : index
    %swap3A_77 = tpu.vector_load %arg7[%swap3A_74, %swap3A_75, %swap3A_76] {strides = array<i32>} : memref<4x160x64xf32, #tpu.memory_space<vmem>>, vector<1x1x16xf32>,
    %swap3A_78 = vector.shape_cast %swap3A_77 : vector<1x1x16xf32> to vector<16xf32>
    %swap3A_79 = vector.shape_cast %broadcast_in_dim3A_71 : vector<16xf32> to vector<1x1x16xf32>
    tpu.vector_store %arg7[%swap3A_74, %swap3A_75, %swap3A_76], %swap3A_79 {strides = array<i32>} : memref<4x160x64xf32, #tpu.memory_space<vmem>>, vector<1x1x16xf32>,
    %broadcast_in_dim3A_80 = arith.constant 0.000000e+00 : f32
    %broadcast_in_dim3A_81 = vector.broadcast %broadcast_in_dim3A_80 : f32 to vector<16xf32>
    %swap3A_82 = arith.constant 0 : i32
    %swap3A_83 = arith.constant 1 : i32
    %swap3A_84 = arith.index_cast %swap3A_82 : i32 to index
    %swap3A_85 = arith.index_cast %swap3A_83 : i32 to index
    %swap3A_86 = arith.constant 48 : index
    %swap3A_87 = tpu.vector_load %arg7[%swap3A_84, %swap3A_85, %swap3A_86] {strides = array<i32>} : memref<4x160x64xf32, #tpu.memory_space<vmem>>, vector<1x1x16xf32>,
    %swap3A_88 = vector.shape_cast %swap3A_87 : vector<1x1x16xf32> to vector<16xf32>
    %swap3A_89 = vector.shape_cast %broadcast_in_dim3A_81 : vector<16xf32> to vector<1x1x16xf32>
    tpu.vector_store %arg7[%swap3A_84, %swap3A_85, %swap3A_86], %swap3A_89 {strides = array<i32>} : memref<4x160x64xf32, #tpu.memory_space<vmem>>, vector<1x1x16xf32>,
    %broadcast_in_dim3A_90 = arith.constant 0.000000e+00 : f32
    %broadcast_in_dim3A_91 = vector.broadcast %broadcast_in_dim3A_90 : f32 to vector<16xf32>
    %swap3A_92 = arith.constant 0 : i32
    %swap3A_93 = arith.constant 2 : i32
    %swap3A_94 = arith.index_cast %swap3A_92 : i32 to index
    %swap3A_95 = arith.index_cast %swap3A_93 : i32 to index
    %swap3A_96 = arith.constant 0 : index
    %swap3A_97 = tpu.vector_load %arg7[%swap3A_94, %swap3A_95, %swap3A_96] {strides = array<i32>} : memref<4x160x64xf32, #tpu.memory_space<vmem>>, vector<1x1x16xf32>,
    %swap3A_98 = vector.shape_cast %swap3A_97 : vector<1x1x16xf32> to vector<16xf32>
    %swap3A_99 = vector.shape_cast %broadcast_in_dim3A_91 : vector<16xf32> to vector<1x1x16xf32>
    tpu.vector_store %arg7[%swap3A_94, %swap3A_95, %swap3A_96], %swap3A_99 {strides = array<i32>} : memref<4x160x64xf32, #tpu.memory_space<vmem>>, vector<1x1x16xf32>,
    %broadcast_in_dim3A_100 = arith.constant 0.000000e+00 : f32
    %broadcast_in_dim3A_101 = vector.broadcast %broadcast_in_dim3A_100 : f32 to vector<16xf32>
    %swap3A_102 = arith.constant 0 : i32
    %swap3A_103 = arith.constant 2 : i32
    %swap3A_104 = arith.index_cast %swap3A_102 : i32 to index
    %swap3A_105 = arith.index_cast %swap3A_103 : i32 to index
    %swap3A_106 = arith.constant 16 : index
    %swap3A_107 = tpu.vector_load %arg7[%swap3A_104, %swap3A_105, %swap3A_106] {strides = array<i32>} : memref<4x160x64xf32, #tpu.memory_space<vmem>>, vector<1x1x16xf32>,
    %swap3A_108 = vector.shape_cast %swap3A_107 : vector<1x1x16xf32> to vector<16xf32>
    %swap3A_109 = vector.shape_cast %broadcast_in_dim3A_101 : vector<16xf32> to vector<1x1x16xf32>
    tpu.vector_store %arg7[%swap3A_104, %swap3A_105, %swap3A_106], %swap3A_109 {strides = array<i32>} : memref<4x160x64xf32, #tpu.memory_space<vmem>>, vector<1x1x16xf32>,
    %broadcast_in_dim3A_110 = arith.constant 0.000000e+00 : f32
    %broadcast_in_dim3A_111 = vector.broadcast %broadcast_in_dim3A_110 : f32 to vector<16xf32>
    %swap3A_112 = arith.constant 0 : i32
    %swap3A_113 = arith.constant 2 : i32
    %swap3A_114 = arith.index_cast %swap3A_112 : i32 to index
    %swap3A_115 = arith.index_cast %swap3A_113 : i32 to index
    %swap3A_116 = arith.constant 32 : index
    %swap3A_117 = tpu.vector_load %arg7[%swap3A_114, %swap3A_115, %swap3A_116] {strides = array<i32>} : memref<4x160x64xf32, #tpu.memory_space<vmem>>, vector<1x1x16xf32>,
    %swap3A_118 = vector.shape_cast %swap3A_117 : vector<1x1x16xf32> to vector<16xf32>
    %swap3A_119 = vector.shape_cast %broadcast_in_dim3A_111 : vector<16xf32> to vector<1x1x16xf32>
    tpu.vector_store %arg7[%swap3A_114, %swap3A_115, %swap3A_116], %swap3A_119 {strides = array<i32>} : memref<4x160x64xf32, #tpu.memory_space<vmem>>, vector<1x1x16xf32>,
    %broadcast_in_dim3A_120 = arith.constant 0.000000e+00 : f32
    %broadcast_in_dim3A_121 = vector.broadcast %broadcast_in_dim3A_120 : f32 to vector<16xf32>
    %swap3A_122 = arith.constant 0 : i32
    %swap3A_123 = arith.constant 2 : i32
    %swap3A_124 = arith.index_cast %swap3A_122 : i32 to index
    %swap3A_125 = arith.index_cast %swap3A_123 : i32 to index
    %swap3A_126 = arith.constant 48 : index
    %swap3A_127 = tpu.vector_load %arg7[%swap3A_124, %swap3A_125, %swap3A_126] {strides = array<i32>} : memref<4x160x64xf32, #tpu.memory_space<vmem>>, vector<1x1x16xf32>,
    %swap3A_128 = vector.shape_cast %swap3A_127 : vector<1x1x16xf32> to vector<16xf32>
    %swap3A_129 = vector.shape_cast %broadcast_in_dim3A_121 : vector<16xf32> to vector<1x1x16xf32>
    tpu.vector_store %arg7[%swap3A_124, %swap3A_125, %swap3A_126], %swap3A_129 {strides = array<i32>} : memref<4x160x64xf32, #tpu.memory_space<vmem>>, vector<1x1x16xf32>,
    %broadcast_in_dim3A_130 = arith.constant 0.000000e+00 : f32
    %broadcast_in_dim3A_131 = vector.broadcast %broadcast_in_dim3A_130 : f32 to vector<16xf32>
    %swap3A_132 = arith.constant 0 : i32
    %swap3A_133 = arith.constant 3 : i32
    %swap3A_134 = arith.index_cast %swap3A_132 : i32 to index
    %swap3A_135 = arith.index_cast %swap3A_133 : i32 to index
    %swap3A_136 = arith.constant 0 : index
    %swap3A_137 = tpu.vector_load %arg7[%swap3A_134, %swap3A_135, %swap3A_136] {strides = array<i32>} : memref<4x160x64xf32, #tpu.memory_space<vmem>>, vector<1x1x16xf32>,
    %swap3A_138 = vector.shape_cast %swap3A_137 : vector<1x1x16xf32> to vector<16xf32>
    %swap3A_139 = vector.shape_cast %broadcast_in_dim3A_131 : vector<16xf32> to vector<1x1x16xf32>
    tpu.vector_store %arg7[%swap3A_134, %swap3A_135, %swap3A_136], %swap3A_139 {strides = array<i32>} : memref<4x160x64xf32, #tpu.memory_space<vmem>>, vector<1x1x16xf32>,
    %broadcast_in_dim3A_140 = arith.constant 0.000000e+00 : f32
    %broadcast_in_dim3A_141 = vector.broadcast %broadcast_in_dim3A_140 : f32 to vector<16xf32>
    %swap3A_142 = arith.constant 0 : i32
    %swap3A_143 = arith.constant 3 : i32
    %swap3A_144 = arith.index_cast %swap3A_142 : i32 to index
    %swap3A_145 = arith.index_cast %swap3A_143 : i32 to index
    %swap3A_146 = arith.constant 16 : index
    %swap3A_147 = tpu.vector_load %arg7[%swap3A_144, %swap3A_145, %swap3A_146] {strides = array<i32>} : memref<4x160x64xf32, #tpu.memory_space<vmem>>, vector<1x1x16xf32>,
    %swap3A_148 = vector.shape_cast %swap3A_147 : vector<1x1x16xf32> to vector<16xf32>
    %swap3A_149 = vector.shape_cast %broadcast_in_dim3A_141 : vector<16xf32> to vector<1x1x16xf32>
    tpu.vector_store %arg7[%swap3A_144, %swap3A_145, %swap3A_146], %swap3A_149 {strides = array<i32>} : memref<4x160x64xf32, #tpu.memory_space<vmem>>, vector<1x1x16xf32>,
    %broadcast_in_dim3A_150 = arith.constant 0.000000e+00 : f32
    %broadcast_in_dim3A_151 = vector.broadcast %broadcast_in_dim3A_150 : f32 to vector<16xf32>
    %swap3A_152 = arith.constant 0 : i32
    %swap3A_153 = arith.constant 3 : i32
    %swap3A_154 = arith.index_cast %swap3A_152 : i32 to index
    %swap3A_155 = arith.index_cast %swap3A_153 : i32 to index
    %swap3A_156 = arith.constant 32 : index
    %swap3A_157 = tpu.vector_load %arg7[%swap3A_154, %swap3A_155, %swap3A_156] {strides = array<i32>} : memref<4x160x64xf32, #tpu.memory_space<vmem>>, vector<1x1x16xf32>,
    %swap3A_158 = vector.shape_cast %swap3A_157 : vector<1x1x16xf32> to vector<16xf32>
    %swap3A_159 = vector.shape_cast %broadcast_in_dim3A_151 : vector<16xf32> to vector<1x1x16xf32>
    tpu.vector_store %arg7[%swap3A_154, %swap3A_155, %swap3A_156], %swap3A_159 {strides = array<i32>} : memref<4x160x64xf32, #tpu.memory_space<vmem>>, vector<1x1x16xf32>,
    %broadcast_in_dim3A_160 = arith.constant 0.000000e+00 : f32
    %broadcast_in_dim3A_161 = vector.broadcast %broadcast_in_dim3A_160 : f32 to vector<16xf32>
    %swap3A_162 = arith.constant 0 : i32
    %swap3A_163 = arith.constant 3 : i32
    %swap3A_164 = arith.index_cast %swap3A_162 : i32 to index
    %swap3A_165 = arith.index_cast %swap3A_163 : i32 to index
    %swap3A_166 = arith.constant 48 : index
    %swap3A_167 = tpu.vector_load %arg7[%swap3A_164, %swap3A_165, %swap3A_166] {strides = array<i32>} : memref<4x160x64xf32, #tpu.memory_space<vmem>>, vector<1x1x16xf32>,
    %swap3A_168 = vector.shape_cast %swap3A_167 : vector<1x1x16xf32> to vector<16xf32>
    %swap3A_169 = vector.shape_cast %broadcast_in_dim3A_161 : vector<16xf32> to vector<1x1x16xf32>
    tpu.vector_store %arg7[%swap3A_164, %swap3A_165, %swap3A_166], %swap3A_169 {strides = array<i32>} : memref<4x160x64xf32, #tpu.memory_space<vmem>>, vector<1x1x16xf32>,
    %broadcast_in_dim3A_170 = arith.constant 0.000000e+00 : f32
    %broadcast_in_dim3A_171 = vector.broadcast %broadcast_in_dim3A_170 : f32 to vector<16xf32>
    %swap3A_172 = arith.constant 0 : i32
    %swap3A_173 = arith.constant 4 : i32
    %swap3A_174 = arith.index_cast %swap3A_172 : i32 to index
    %swap3A_175 = arith.index_cast %swap3A_173 : i32 to index
    %swap3A_176 = arith.constant 0 : index
    %swap3A_177 = tpu.vector_load %arg7[%swap3A_174, %swap3A_175, %swap3A_176] {strides = array<i32>} : memref<4x160x64xf32, #tpu.memory_space<vmem>>, vector<1x1x16xf32>,
    %swap3A_178 = vector.shape_cast %swap3A_177 : vector<1x1x16xf32> to vector<16xf32>
    %swap3A_179 = vector.shape_cast %broadcast_in_dim3A_171 : vector<16xf32> to vector<1x1x16xf32>
    tpu.vector_store %arg7[%swap3A_174, %swap3A_175, %swap3A_176], %swap3A_179 {strides = array<i32>} : memref<4x160x64xf32, #tpu.memory_space<vmem>>, vector<1x1x16xf32>,
    %broadcast_in_dim3A_180 = arith.constant 0.000000e+00 : f32
    %broadcast_in_dim3A_181 = vector.broadcast %broadcast_in_dim3A_180 : f32 to vector<16xf32>
    %swap3A_182 = arith.constant 0 : i32
    %swap3A_183 = arith.constant 4 : i32
    %swap3A_184 = arith.index_cast %swap3A_182 : i32 to index
    %swap3A_185 = arith.index_cast %swap3A_183 : i32 to index
    %swap3A_186 = arith.constant 16 : index
    %swap3A_187 = tpu.vector_load %arg7[%swap3A_184, %swap3A_185, %swap3A_186] {strides = array<i32>} : memref<4x160x64xf32, #tpu.memory_space<vmem>>, vector<1x1x16xf32>,
    %swap3A_188 = vector.shape_cast %swap3A_187 : vector<1x1x16xf32> to vector<16xf32>
    %swap3A_189 = vector.shape_cast %broadcast_in_dim3A_181 : vector<16xf32> to vector<1x1x16xf32>
    tpu.vector_store %arg7[%swap3A_184, %swap3A_185, %swap3A_186], %swap3A_189 {strides = array<i32>} : memref<4x160x64xf32, #tpu.memory_space<vmem>>, vector<1x1x16xf32>,
    %broadcast_in_dim3A_190 = arith.constant 0.000000e+00 : f32
    %broadcast_in_dim3A_191 = vector.broadcast %broadcast_in_dim3A_190 : f32 to vector<16xf32>
    %swap3A_192 = arith.constant 0 : i32
    %swap3A_193 = arith.constant 4 : i32
    %swap3A_194 = arith.index_cast %swap3A_192 : i32 to index
    %swap3A_195 = arith.index_cast %swap3A_193 : i32 to index
    %swap3A_196 = arith.constant 32 : index
    %swap3A_197 = tpu.vector_load %arg7[%swap3A_194, %swap3A_195, %swap3A_196] {strides = array<i32>} : memref<4x160x64xf32, #tpu.memory_space<vmem>>, vector<1x1x16xf32>,
    %swap3A_198 = vector.shape_cast %swap3A_197 : vector<1x1x16xf32> to vector<16xf32>
    %swap3A_199 = vector.shape_cast %broadcast_in_dim3A_191 : vector<16xf32> to vector<1x1x16xf32>
    tpu.vector_store %arg7[%swap3A_194, %swap3A_195, %swap3A_196], %swap3A_199 {strides = array<i32>} : memref<4x160x64xf32, #tpu.memory_space<vmem>>, vector<1x1x16xf32>,
    %broadcast_in_dim3A_200 = arith.constant 0.000000e+00 : f32
    %broadcast_in_dim3A_201 = vector.broadcast %broadcast_in_dim3A_200 : f32 to vector<16xf32>
    %swap3A_202 = arith.constant 0 : i32
    %swap3A_203 = arith.constant 4 : i32
    %swap3A_204 = arith.index_cast %swap3A_202 : i32 to index
    %swap3A_205 = arith.index_cast %swap3A_203 : i32 to index
    %swap3A_206 = arith.constant 48 : index
    %swap3A_207 = tpu.vector_load %arg7[%swap3A_204, %swap3A_205, %swap3A_206] {strides = array<i32>} : memref<4x160x64xf32, #tpu.memory_space<vmem>>, vector<1x1x16xf32>,
    %swap3A_208 = vector.shape_cast %swap3A_207 : vector<1x1x16xf32> to vector<16xf32>
    %swap3A_209 = vector.shape_cast %broadcast_in_dim3A_201 : vector<16xf32> to vector<1x1x16xf32>
    tpu.vector_store %arg7[%swap3A_204, %swap3A_205, %swap3A_206], %swap3A_209 {strides = array<i32>} : memref<4x160x64xf32, #tpu.memory_space<vmem>>, vector<1x1x16xf32>,
    %broadcast_in_dim3A_210 = arith.constant 0.000000e+00 : f32
    %broadcast_in_dim3A_211 = vector.broadcast %broadcast_in_dim3A_210 : f32 to vector<16xf32>
    %swap3A_212 = arith.constant 0 : i32
    %swap3A_213 = arith.constant 5 : i32
    %swap3A_214 = arith.index_cast %swap3A_212 : i32 to index
    %swap3A_215 = arith.index_cast %swap3A_213 : i32 to index
    %swap3A_216 = arith.constant 0 : index
    %swap3A_217 = tpu.vector_load %arg7[%swap3A_214, %swap3A_215, %swap3A_216] {strides = array<i32>} : memref<4x160x64xf32, #tpu.memory_space<vmem>>, vector<1x1x16xf32>,
    %swap3A_218 = vector.shape_cast %swap3A_217 : vector<1x1x16xf32> to vector<16xf32>
    %swap3A_219 = vector.shape_cast %broadcast_in_dim3A_211 : vector<16xf32> to vector<1x1x16xf32>
    tpu.vector_store %arg7[%swap3A_214, %swap3A_215, %swap3A_216], %swap3A_219 {strides = array<i32>} : memref<4x160x64xf32, #tpu.memory_space<vmem>>, vector<1x1x16xf32>,
    %broadcast_in_dim3A_220 = arith.constant 0.000000e+00 : f32
    %broadcast_in_dim3A_221 = vector.broadcast %broadcast_in_dim3A_220 : f32 to vector<16xf32>
    %swap3A_222 = arith.constant 0 : i32
    %swap3A_223 = arith.constant 5 : i32
    %swap3A_224 = arith.index_cast %swap3A_222 : i32 to index
    %swap3A_225 = arith.index_cast %swap3A_223 : i32 to index
    %swap3A_226 = arith.constant 16 : index
    %swap3A_227 = tpu.vector_load %arg7[%swap3A_224, %swap3A_225, %swap3A_226] {strides = array<i32>} : memref<4x160x64xf32, #tpu.memory_space<vmem>>, vector<1x1x16xf32>,
    %swap3A_228 = vector.shape_cast %swap3A_227 : vector<1x1x16xf32> to vector<16xf32>
    %swap3A_229 = vector.shape_cast %broadcast_in_dim3A_221 : vector<16xf32> to vector<1x1x16xf32>
    tpu.vector_store %arg7[%swap3A_224, %swap3A_225, %swap3A_226], %swap3A_229 {strides = array<i32>} : memref<4x160x64xf32, #tpu.memory_space<vmem>>, vector<1x1x16xf32>,
    %broadcast_in_dim3A_230 = arith.constant 0.000000e+00 : f32
    %broadcast_in_dim3A_231 = vector.broadcast %broadcast_in_dim3A_230 : f32 to vector<16xf32>
    %swap3A_232 = arith.constant 0 : i32
    %swap3A_233 = arith.constant 5 : i32
    %swap3A_234 = arith.index_cast %swap3A_232 : i32 to index
    %swap3A_235 = arith.index_cast %swap3A_233 : i32 to index
    %swap3A_236 = arith.constant 32 : index
    %swap3A_237 = tpu.vector_load %arg7[%swap3A_234, %swap3A_235, %swap3A_236] {strides = array<i32>} : memref<4x160x64xf32, #tpu.memory_space<vmem>>, vector<1x1x16xf32>,
    %swap3A_238 = vector.shape_cast %swap3A_237 : vector<1x1x16xf32> to vector<16xf32>
    %swap3A_239 = vector.shape_cast %broadcast_in_dim3A_231 : vector<16xf32> to vector<1x1x16xf32>
    tpu.vector_store %arg7[%swap3A_234, %swap3A_235, %swap3A_236], %swap3A_239 {strides = array<i32>} : memref<4x160x64xf32, #tpu.memory_space<vmem>>, vector<1x1x16xf32>,
    %broadcast_in_dim3A_240 = arith.constant 0.000000e+00 : f32
    %broadcast_in_dim3A_241 = vector.broadcast %broadcast_in_dim3A_240 : f32 to vector<16xf32>
    %swap3A_242 = arith.constant 0 : i32
    %swap3A_243 = arith.constant 5 : i32
    %swap3A_244 = arith.index_cast %swap3A_242 : i32 to index
    %swap3A_245 = arith.index_cast %swap3A_243 : i32 to index
    %swap3A_246 = arith.constant 48 : index
    %swap3A_247 = tpu.vector_load %arg7[%swap3A_244, %swap3A_245, %swap3A_246] {strides = array<i32>} : memref<4x160x64xf32, #tpu.memory_space<vmem>>, vector<1x1x16xf32>,
    %swap3A_248 = vector.shape_cast %swap3A_247 : vector<1x1x16xf32> to vector<16xf32>
    %swap3A_249 = vector.shape_cast %broadcast_in_dim3A_241 : vector<16xf32> to vector<1x1x16xf32>
    tpu.vector_store %arg7[%swap3A_244, %swap3A_245, %swap3A_246], %swap3A_249 {strides = array<i32>} : memref<4x160x64xf32, #tpu.memory_space<vmem>>, vector<1x1x16xf32>,
    %broadcast_in_dim3A_250 = arith.constant 0.000000e+00 : f32
    %broadcast_in_dim3A_251 = vector.broadcast %broadcast_in_dim3A_250 : f32 to vector<16xf32>
    %swap3A_252 = arith.constant 0 : i32
    %swap3A_253 = arith.constant 6 : i32
    %swap3A_254 = arith.index_cast %swap3A_252 : i32 to index
    %swap3A_255 = arith.index_cast %swap3A_253 : i32 to index
    %swap3A_256 = arith.constant 0 : index
    %swap3A_257 = tpu.vector_load %arg7[%swap3A_254, %swap3A_255, %swap3A_256] {strides = array<i32>} : memref<4x160x64xf32, #tpu.memory_space<vmem>>, vector<1x1x16xf32>,
    %swap3A_258 = vector.shape_cast %swap3A_257 : vector<1x1x16xf32> to vector<16xf32>
    %swap3A_259 = vector.shape_cast %broadcast_in_dim3A_251 : vector<16xf32> to vector<1x1x16xf32>
    tpu.vector_store %arg7[%swap3A_254, %swap3A_255, %swap3A_256], %swap3A_259 {strides = array<i32>} : memref<4x160x64xf32, #tpu.memory_space<vmem>>, vector<1x1x16xf32>,
    %broadcast_in_dim3A_260 = arith.constant 0.000000e+00 : f32
    %broadcast_in_dim3A_261 = vector.broadcast %broadcast_in_dim3A_260 : f32 to vector<16xf32>
    %swap3A_262 = arith.constant 0 : i32
    %swap3A_263 = arith.constant 6 : i32
    %swap3A_264 = arith.index_cast %swap3A_262 : i32 to index
    %swap3A_265 = arith.index_cast %swap3A_263 : i32 to index
    %swap3A_266 = arith.constant 16 : index
    %swap3A_267 = tpu.vector_load %arg7[%swap3A_264, %swap3A_265, %swap3A_266] {strides = array<i32>} : memref<4x160x64xf32, #tpu.memory_space<vmem>>, vector<1x1x16xf32>,
    %swap3A_268 = vector.shape_cast %swap3A_267 : vector<1x1x16xf32> to vector<16xf32>
    %swap3A_269 = vector.shape_cast %broadcast_in_dim3A_261 : vector<16xf32> to vector<1x1x16xf32>
    tpu.vector_store %arg7[%swap3A_264, %swap3A_265, %swap3A_266], %swap3A_269 {strides = array<i32>} : memref<4x160x64xf32, #tpu.memory_space<vmem>>, vector<1x1x16xf32>,
    %broadcast_in_dim3A_270 = arith.constant 0.000000e+00 : f32
    %broadcast_in_dim3A_271 = vector.broadcast %broadcast_in_dim3A_270 : f32 to vector<16xf32>
    %swap3A_272 = arith.constant 0 : i32
    %swap3A_273 = arith.constant 6 : i32
    %swap3A_274 = arith.index_cast %swap3A_272 : i32 to index
    %swap3A_275 = arith.index_cast %swap3A_273 : i32 to index
    %swap3A_276 = arith.constant 32 : index
    %swap3A_277 = tpu.vector_load %arg7[%swap3A_274, %swap3A_275, %swap3A_276] {strides = array<i32>} : memref<4x160x64xf32, #tpu.memory_space<vmem>>, vector<1x1x16xf32>,
    %swap3A_278 = vector.shape_cast %swap3A_277 : vector<1x1x16xf32> to vector<16xf32>
    %swap3A_279 = vector.shape_cast %broadcast_in_dim3A_271 : vector<16xf32> to vector<1x1x16xf32>
    tpu.vector_store %arg7[%swap3A_274, %swap3A_275, %swap3A_276], %swap3A_279 {strides = array<i32>} : memref<4x160x64xf32, #tpu.memory_space<vmem>>, vector<1x1x16xf32>,
    %broadcast_in_dim3A_280 = arith.constant 0.000000e+00 : f32
    %broadcast_in_dim3A_281 = vector.broadcast %broadcast_in_dim3A_280 : f32 to vector<16xf32>
    %swap3A_282 = arith.constant 0 : i32
    %swap3A_283 = arith.constant 6 : i32
    %swap3A_284 = arith.index_cast %swap3A_282 : i32 to index
    %swap3A_285 = arith.index_cast %swap3A_283 : i32 to index
    %swap3A_286 = arith.constant 48 : index
    %swap3A_287 = tpu.vector_load %arg7[%swap3A_284, %swap3A_285, %swap3A_286] {strides = array<i32>} : memref<4x160x64xf32, #tpu.memory_space<vmem>>, vector<1x1x16xf32>,
    %swap3A_288 = vector.shape_cast %swap3A_287 : vector<1x1x16xf32> to vector<16xf32>
    %swap3A_289 = vector.shape_cast %broadcast_in_dim3A_281 : vector<16xf32> to vector<1x1x16xf32>
    tpu.vector_store %arg7[%swap3A_284, %swap3A_285, %swap3A_286], %swap3A_289 {strides = array<i32>} : memref<4x160x64xf32, #tpu.memory_space<vmem>>, vector<1x1x16xf32>,
    %broadcast_in_dim3A_290 = arith.constant 0.000000e+00 : f32
    %broadcast_in_dim3A_291 = vector.broadcast %broadcast_in_dim3A_290 : f32 to vector<16xf32>
    %swap3A_292 = arith.constant 0 : i32
    %swap3A_293 = arith.constant 7 : i32
    %swap3A_294 = arith.index_cast %swap3A_292 : i32 to index
    %swap3A_295 = arith.index_cast %swap3A_293 : i32 to index
    %swap3A_296 = arith.constant 0 : index
    %swap3A_297 = tpu.vector_load %arg7[%swap3A_294, %swap3A_295, %swap3A_296] {strides = array<i32>} : memref<4x160x64xf32, #tpu.memory_space<vmem>>, vector<1x1x16xf32>,
    %swap3A_298 = vector.shape_cast %swap3A_297 : vector<1x1x16xf32> to vector<16xf32>
    %swap3A_299 = vector.shape_cast %broadcast_in_dim3A_291 : vector<16xf32> to vector<1x1x16xf32>
    tpu.vector_store %arg7[%swap3A_294, %swap3A_295, %swap3A_296], %swap3A_299 {strides = array<i32>} : memref<4x160x64xf32, #tpu.memory_space<vmem>>, vector<1x1x16xf32>,
    %broadcast_in_dim3A_300 = arith.constant 0.000000e+00 : f32
    %broadcast_in_dim3A_301 = vector.broadcast %broadcast_in_dim3A_300 : f32 to vector<16xf32>
    %swap3A_302 = arith.constant 0 : i32
    %swap3A_303 = arith.constant 7 : i32
    %swap3A_304 = arith.index_cast %swap3A_302 : i32 to index
    %swap3A_305 = arith.index_cast %swap3A_303 : i32 to index
    %swap3A_306 = arith.constant 16 : index
    %swap3A_307 = tpu.vector_load %arg7[%swap3A_304, %swap3A_305, %swap3A_306] {strides = array<i32>} : memref<4x160x64xf32, #tpu.memory_space<vmem>>, vector<1x1x16xf32>,
    %swap3A_308 = vector.shape_cast %swap3A_307 : vector<1x1x16xf32> to vector<16xf32>
    %swap3A_309 = vector.shape_cast %broadcast_in_dim3A_301 : vector<16xf32> to vector<1x1x16xf32>
    tpu.vector_store %arg7[%swap3A_304, %swap3A_305, %swap3A_306], %swap3A_309 {strides = array<i32>} : memref<4x160x64xf32, #tpu.memory_space<vmem>>, vector<1x1x16xf32>,
    %broadcast_in_dim3A_310 = arith.constant 0.000000e+00 : f32
    %broadcast_in_dim3A_311 = vector.broadcast %broadcast_in_dim3A_310 : f32 to vector<16xf32>
    %swap3A_312 = arith.constant 0 : i32
    %swap3A_313 = arith.constant 7 : i32
    %swap3A_314 = arith.index_cast %swap3A_312 : i32 to index
    %swap3A_315 = arith.index_cast %swap3A_313 : i32 to index
    %swap3A_316 = arith.constant 32 : index
    %swap3A_317 = tpu.vector_load %arg7[%swap3A_314, %swap3A_315, %swap3A_316] {strides = array<i32>} : memref<4x160x64xf32, #tpu.memory_space<vmem>>, vector<1x1x16xf32>,
    %swap3A_318 = vector.shape_cast %swap3A_317 : vector<1x1x16xf32> to vector<16xf32>
    %swap3A_319 = vector.shape_cast %broadcast_in_dim3A_311 : vector<16xf32> to vector<1x1x16xf32>
    tpu.vector_store %arg7[%swap3A_314, %swap3A_315, %swap3A_316], %swap3A_319 {strides = array<i32>} : memref<4x160x64xf32, #tpu.memory_space<vmem>>, vector<1x1x16xf32>,
    %broadcast_in_dim3A_320 = arith.constant 0.000000e+00 : f32
    %broadcast_in_dim3A_321 = vector.broadcast %broadcast_in_dim3A_320 : f32 to vector<16xf32>
    %swap3A_322 = arith.constant 0 : i32
    %swap3A_323 = arith.constant 7 : i32
    %swap3A_324 = arith.index_cast %swap3A_322 : i32 to index
    %swap3A_325 = arith.index_cast %swap3A_323 : i32 to index
    %swap3A_326 = arith.constant 48 : index
    %swap3A_327 = tpu.vector_load %arg7[%swap3A_324, %swap3A_325, %swap3A_326] {strides = array<i32>} : memref<4x160x64xf32, #tpu.memory_space<vmem>>, vector<1x1x16xf32>,
    %swap3A_328 = vector.shape_cast %swap3A_327 : vector<1x1x16xf32> to vector<16xf32>
    %swap3A_329 = vector.shape_cast %broadcast_in_dim3A_321 : vector<16xf32> to vector<1x1x16xf32>
    tpu.vector_store %arg7[%swap3A_324, %swap3A_325, %swap3A_326], %swap3A_329 {strides = array<i32>} : memref<4x160x64xf32, #tpu.memory_space<vmem>>, vector<1x1x16xf32>,
    %scan3A_330 = arith.constant 0 : i32
    %scan3A_331 = arith.constant 0 : i32
    %scan3A_332 = arith.constant 79 : i32
    %scan3A_333 = arith.addi %scan3A_331, %scan3A_332 : i32
    %scan3A_334 = arith.constant 1 : i32
    %scan3A_335 = scf.for %scan3A_556 = %scan3A_331 to %scan3A_333 step %scan3A_334 iter_args(%scan3A_557 = %scan3A_330) -> (i32)  : i32 {
      %mul3A_558 = arith.constant 632 : i32
      %mul3A_559 = arith.muli %arg1, %mul3A_558 : i32
      %mul3A_560 = arith.constant 8 : i32
      %mul3A_561 = arith.muli %scan3A_556, %mul3A_560 : i32
      %add3A_562 = arith.addi %mul3A_559, %mul3A_561 : i32
      %dma_start3A_563 = arith.constant 0 : i32
      %dma_start3A_564 = arith.constant 0 : i32
      %dma_start3A_565 = arith.constant 0 : i32
      %dma_start3A_566 = tpu.memref_slice %arg7[%dma_start3A_563, %dma_start3A_564, %dma_start3A_565] : memref<4x160x64xf32, #tpu.memory_space<vmem>> -> memref<1x8x64xf32, #tpu.memory_space<vmem>>
      %dma_start3A_567 = tpu.memref_squeeze %dma_start3A_566 : memref<1x8x64xf32, #tpu.memory_space<vmem>> -> memref<8x64xf32, #tpu.memory_space<vmem>>
      %dma_start3A_568 = arith.constant 0 : i32
      %dma_start3A_569 = tpu.memref_slice %arg8[%add3A_562, %dma_start3A_568] : memref<10112x64xf32, #tpu.memory_space<vmem_shared>> -> memref<8x64xf32, #tpu.memory_space<vmem_shared>>
      %dma_start3A_570 = arith.constant 0 : i32
      %dma_start3A_571 = tpu.memref_slice %arg8[%add3A_562, %dma_start3A_570] : memref<10112x64xf32, #tpu.memory_space<vmem_shared>> -> memref<8x64xf32, #tpu.memory_space<vmem_shared>>
      %dma_start3A_572 = arith.constant 0 : i32
      %dma_start3A_573 = arith.constant 0 : i32
      %dma_start3A_574 = tpu.memref_slice %arg7[%dma_start3A_563, %dma_start3A_572, %dma_start3A_573] : memref<4x160x64xf32, #tpu.memory_space<vmem>> -> memref<1x8x64xf32, #tpu.memory_space<vmem>>
      %dma_start3A_575 = tpu.memref_squeeze %dma_start3A_574 : memref<1x8x64xf32, #tpu.memory_space<vmem>> -> memref<8x64xf32, #tpu.memory_space<vmem>>
      tpu.enqueue_dma source(%dma_start3A_575 : memref<8x64xf32, #tpu.memory_space<vmem>>) target(%dma_start3A_571 : memref<8x64xf32, #tpu.memory_space<vmem_shared>>) target_semaphore(%arg9 : memref<!tpu.dma_semaphore, #tpu.memory_space<semaphore_mem>>)
      %scan3A_576 = arith.constant 0 : i32
      scf.yield %scan3A_576 : i32
    }
    %scan3A_336 = arith.constant 79 : i32
    %scan3A_337 = arith.constant 0 : i32
    %scan3A_338 = arith.constant 0 : i32
    %scan3A_339 = arith.constant 79 : i32
    %scan3A_340 = arith.addi %scan3A_338, %scan3A_339 : i32
    %scan3A_341 = arith.constant 1 : i32
    %scan3A_342 = scf.for %scan3A_556 = %scan3A_338 to %scan3A_340 step %scan3A_341 iter_args(%scan3A_557 = %scan3A_337) -> (i32)  : i32 {
      %mul3A_558 = arith.constant 632 : i32
      %mul3A_559 = arith.muli %arg1, %mul3A_558 : i32
      %mul3A_560 = arith.constant 8 : i32
      %mul3A_561 = arith.muli %scan3A_556, %mul3A_560 : i32
      %add3A_562 = arith.addi %mul3A_559, %mul3A_561 : i32
      %dma_wait3A_563 = arith.constant 0 : i32
      %dma_wait3A_564 = arith.constant 0 : i32
      %dma_wait3A_565 = arith.constant 0 : i32
      %dma_wait3A_566 = tpu.memref_slice %arg7[%dma_wait3A_563, %dma_wait3A_564, %dma_wait3A_565] : memref<4x160x64xf32, #tpu.memory_space<vmem>> -> memref<1x8x64xf32, #tpu.memory_space<vmem>>
      %dma_wait3A_567 = tpu.memref_squeeze %dma_wait3A_566 : memref<1x8x64xf32, #tpu.memory_space<vmem>> -> memref<8x64xf32, #tpu.memory_space<vmem>>
      %dma_wait3A_568 = arith.constant 0 : i32
      %dma_wait3A_569 = tpu.memref_slice %arg8[%add3A_562, %dma_wait3A_568] : memref<10112x64xf32, #tpu.memory_space<vmem_shared>> -> memref<8x64xf32, #tpu.memory_space<vmem_shared>>
      %dma_wait3A_570 = arith.constant 0 : i32
      %dma_wait3A_571 = tpu.memref_slice %arg8[%add3A_562, %dma_wait3A_570] : memref<10112x64xf32, #tpu.memory_space<vmem_shared>> -> memref<8x64xf32, #tpu.memory_space<vmem_shared>>
      %dma_wait3A_572 = arith.constant 0 : i32
      %dma_wait3A_573 = arith.constant 0 : i32
      %dma_wait3A_574 = tpu.memref_slice %arg7[%dma_wait3A_563, %dma_wait3A_572, %dma_wait3A_573] : memref<4x160x64xf32, #tpu.memory_space<vmem>> -> memref<1x8x64xf32, #tpu.memory_space<vmem>>
      %dma_wait3A_575 = tpu.memref_squeeze %dma_wait3A_574 : memref<1x8x64xf32, #tpu.memory_space<vmem>> -> memref<8x64xf32, #tpu.memory_space<vmem>>
      tpu.wait_dma2 semaphore(%arg9 : memref<!tpu.dma_semaphore, #tpu.memory_space<semaphore_mem>>) src(%dma_wait3A_575 : memref<8x64xf32, #tpu.memory_space<vmem>>) dst(%dma_wait3A_571 : memref<8x64xf32, #tpu.memory_space<vmem_shared>>)
      %scan3A_576 = arith.constant 0 : i32
      scf.yield %scan3A_576 : i32
    }
    %scan3A_343 = arith.constant 79 : i32
    %barrier3A = arith.constant 0 : index
    tpu.barrier barrier_id(%barrier3A)
    %dma_start3A = arith.constant 0 : i32
    %dma_start3A_344 = arith.constant 0 : i32
    %dma_start3A_345 = arith.constant 0 : i32
    %dma_start3A_346 = tpu.memref_slice %arg7[%dma_start3A, %dma_start3A_344, %dma_start3A_345] : memref<4x160x64xf32, #tpu.memory_space<vmem>> -> memref<1x160x64xf32, #tpu.memory_space<vmem>>
    %dma_start3A_347 = tpu.memref_squeeze %dma_start3A_346 : memref<1x160x64xf32, #tpu.memory_space<vmem>> -> memref<160x64xf32, #tpu.memory_space<vmem>>
    %dma_start3A_348 = arith.constant 0 : i32
    %dma_start3A_349 = tpu.memref_slice %arg5[%dma_start3A_348] : memref<20000xi32, #tpu.memory_space<vmem>> -> memref<160xi32, #tpu.memory_space<vmem>>
    %dma_start3A_350 = arith.constant 0 : i32
    %dma_start3A_351 = arith.constant 0 : i32
    %dma_start3A_352 = tpu.memref_slice %arg3[%dma_start3A_350, %dma_start3A_351] : memref<20224x64xf32, #tpu.memory_space<hbm>> -> memref<20224x64xf32, #tpu.memory_space<hbm>>
    tpu.enqueue_indirect_dma source(%dma_start3A_352 : memref<20224x64xf32, #tpu.memory_space<hbm>>) target(%dma_start3A_347 : memref<160x64xf32, #tpu.memory_space<vmem>>) offsets(%dma_start3A_349 : memref<160xi32, #tpu.memory_space<vmem>>) semaphore(%arg10 : memref<!tpu.dma_semaphore, #tpu.memory_space<semaphore_mem>>)
    %dma_start3A_353 = arith.constant 1 : i32
    %dma_start3A_354 = arith.constant 0 : i32
    %dma_start3A_355 = arith.constant 0 : i32
    %dma_start3A_356 = tpu.memref_slice %arg7[%dma_start3A_353, %dma_start3A_354, %dma_start3A_355] : memref<4x160x64xf32, #tpu.memory_space<vmem>> -> memref<1x160x64xf32, #tpu.memory_space<vmem>>
    %dma_start3A_357 = tpu.memref_squeeze %dma_start3A_356 : memref<1x160x64xf32, #tpu.memory_space<vmem>> -> memref<160x64xf32, #tpu.memory_space<vmem>>
    %dma_start3A_358 = arith.constant 160 : i32
    %dma_start3A_359 = tpu.memref_slice %arg5[%dma_start3A_358] : memref<20000xi32, #tpu.memory_space<vmem>> -> memref<160xi32, #tpu.memory_space<vmem>>
    %dma_start3A_360 = arith.constant 0 : i32
    %dma_start3A_361 = arith.constant 0 : i32
    %dma_start3A_362 = tpu.memref_slice %arg3[%dma_start3A_360, %dma_start3A_361] : memref<20224x64xf32, #tpu.memory_space<hbm>> -> memref<20224x64xf32, #tpu.memory_space<hbm>>
    tpu.enqueue_indirect_dma source(%dma_start3A_362 : memref<20224x64xf32, #tpu.memory_space<hbm>>) target(%dma_start3A_357 : memref<160x64xf32, #tpu.memory_space<vmem>>) offsets(%dma_start3A_359 : memref<160xi32, #tpu.memory_space<vmem>>) semaphore(%arg11 : memref<!tpu.dma_semaphore, #tpu.memory_space<semaphore_mem>>)
    %dma_start3A_363 = arith.constant 2 : i32
    %dma_start3A_364 = arith.constant 0 : i32
    %dma_start3A_365 = arith.constant 0 : i32
    %dma_start3A_366 = tpu.memref_slice %arg7[%dma_start3A_363, %dma_start3A_364, %dma_start3A_365] : memref<4x160x64xf32, #tpu.memory_space<vmem>> -> memref<1x160x64xf32, #tpu.memory_space<vmem>>
    %dma_start3A_367 = tpu.memref_squeeze %dma_start3A_366 : memref<1x160x64xf32, #tpu.memory_space<vmem>> -> memref<160x64xf32, #tpu.memory_space<vmem>>
    %dma_start3A_368 = arith.constant 320 : i32
    %dma_start3A_369 = tpu.memref_slice %arg5[%dma_start3A_368] : memref<20000xi32, #tpu.memory_space<vmem>> -> memref<160xi32, #tpu.memory_space<vmem>>
    %dma_start3A_370 = arith.constant 0 : i32
    %dma_start3A_371 = arith.constant 0 : i32
    %dma_start3A_372 = tpu.memref_slice %arg3[%dma_start3A_370, %dma_start3A_371] : memref<20224x64xf32, #tpu.memory_space<hbm>> -> memref<20224x64xf32, #tpu.memory_space<hbm>>
    tpu.enqueue_indirect_dma source(%dma_start3A_372 : memref<20224x64xf32, #tpu.memory_space<hbm>>) target(%dma_start3A_367 : memref<160x64xf32, #tpu.memory_space<vmem>>) offsets(%dma_start3A_369 : memref<160xi32, #tpu.memory_space<vmem>>) semaphore(%arg12 : memref<!tpu.dma_semaphore, #tpu.memory_space<semaphore_mem>>)
    %dma_wait3A = arith.constant 0 : i32
    %dma_wait3A_373 = arith.constant 0 : i32
    %dma_wait3A_374 = arith.constant 0 : i32
    %dma_wait3A_375 = tpu.memref_slice %arg7[%dma_wait3A, %dma_wait3A_373, %dma_wait3A_374] : memref<4x160x64xf32, #tpu.memory_space<vmem>> -> memref<1x160x64xf32, #tpu.memory_space<vmem>>
    %dma_wait3A_376 = tpu.memref_squeeze %dma_wait3A_375 : memref<1x160x64xf32, #tpu.memory_space<vmem>> -> memref<160x64xf32, #tpu.memory_space<vmem>>
    %dma_wait3A_377 = arith.constant 0 : i32
    %dma_wait3A_378 = tpu.memref_slice %arg5[%dma_wait3A_377] : memref<20000xi32, #tpu.memory_space<vmem>> -> memref<160xi32, #tpu.memory_space<vmem>>
    %dma_wait3A_379 = arith.constant 0 : i32
    %dma_wait3A_380 = arith.constant 0 : i32
    %dma_wait3A_381 = tpu.memref_slice %arg3[%dma_wait3A_379, %dma_wait3A_380] : memref<20224x64xf32, #tpu.memory_space<hbm>> -> memref<20224x64xf32, #tpu.memory_space<hbm>>
    tpu.wait_indirect_dma semaphore(%arg10 : memref<!tpu.dma_semaphore, #tpu.memory_space<semaphore_mem>>) src(%dma_wait3A_381 : memref<20224x64xf32, #tpu.memory_space<hbm>>) dst(%dma_wait3A_376 : memref<160x64xf32, #tpu.memory_space<vmem>>)
    %dma_start3A_382 = arith.constant 0 : i32
    %dma_start3A_383 = arith.constant 0 : i32
    %dma_start3A_384 = arith.constant 0 : i32
    %dma_start3A_385 = tpu.memref_slice %arg7[%dma_start3A_382, %dma_start3A_383, %dma_start3A_384] : memref<4x160x64xf32, #tpu.memory_space<vmem>> -> memref<1x160x64xf32, #tpu.memory_space<vmem>>
    %dma_start3A_386 = tpu.memref_squeeze %dma_start3A_385 : memref<1x160x64xf32, #tpu.memory_space<vmem>> -> memref<160x64xf32, #tpu.memory_space<vmem>>
    %dma_start3A_387 = arith.constant 0 : i32
    %dma_start3A_388 = tpu.memref_slice %arg6[%dma_start3A_387] : memref<20000xi32, #tpu.memory_space<vmem>> -> memref<160xi32, #tpu.memory_space<vmem>>
    %dma_start3A_389 = arith.constant 0 : i32
    %dma_start3A_390 = arith.constant 0 : i32
    %dma_start3A_391 = tpu.memref_slice %arg8[%dma_start3A_389, %dma_start3A_390] : memref<10112x64xf32, #tpu.memory_space<vmem_shared>> -> memref<10112x64xf32, #tpu.memory_space<vmem_shared>>
    tpu.enqueue_indirect_dma source(%dma_start3A_386 : memref<160x64xf32, #tpu.memory_space<vmem>>) target(%dma_start3A_391 : memref<10112x64xf32, #tpu.memory_space<vmem_shared>>) offsets(%dma_start3A_388 : memref<160xi32, #tpu.memory_space<vmem>>) semaphore(%arg15 : memref<!tpu.dma_semaphore, #tpu.memory_space<semaphore_mem>>) {add = true}
    %dma_start3A_392 = arith.constant 3 : i32
    %dma_start3A_393 = arith.constant 0 : i32
    %dma_start3A_394 = arith.constant 0 : i32
    %dma_start3A_395 = tpu.memref_slice %arg7[%dma_start3A_392, %dma_start3A_393, %dma_start3A_394] : memref<4x160x64xf32, #tpu.memory_space<vmem>> -> memref<1x160x64xf32, #tpu.memory_space<vmem>>
    %dma_start3A_396 = tpu.memref_squeeze %dma_start3A_395 : memref<1x160x64xf32, #tpu.memory_space<vmem>> -> memref<160x64xf32, #tpu.memory_space<vmem>>
    %dma_start3A_397 = arith.constant 480 : i32
    %dma_start3A_398 = tpu.memref_slice %arg5[%dma_start3A_397] : memref<20000xi32, #tpu.memory_space<vmem>> -> memref<160xi32, #tpu.memory_space<vmem>>
    %dma_start3A_399 = arith.constant 0 : i32
    %dma_start3A_400 = arith.constant 0 : i32
    %dma_start3A_401 = tpu.memref_slice %arg3[%dma_start3A_399, %dma_start3A_400] : memref<20224x64xf32, #tpu.memory_space<hbm>> -> memref<20224x64xf32, #tpu.memory_space<hbm>>
    tpu.enqueue_indirect_dma source(%dma_start3A_401 : memref<20224x64xf32, #tpu.memory_space<hbm>>) target(%dma_start3A_396 : memref<160x64xf32, #tpu.memory_space<vmem>>) offsets(%dma_start3A_398 : memref<160xi32, #tpu.memory_space<vmem>>) semaphore(%arg13 : memref<!tpu.dma_semaphore, #tpu.memory_space<semaphore_mem>>)
    %scan3A_402 = arith.constant 0 : i32
    %scan3A_403 = arith.constant 0 : i32
    %scan3A_404 = arith.constant 30 : i32
    %scan3A_405 = arith.addi %scan3A_403, %scan3A_404 : i32
    %scan3A_406 = arith.constant 1 : i32
    %scan3A_407 = scf.for %scan3A_556 = %scan3A_403 to %scan3A_405 step %scan3A_406 iter_args(%scan3A_557 = %scan3A_402) -> (i32)  : i32 {
      %mul3A_558 = arith.constant 4 : i32
      %mul3A_559 = arith.muli %scan3A_556, %mul3A_558 : i32
      %add3A_560 = arith.constant 1 : i32
      %add3A_561 = arith.addi %add3A_560, %mul3A_559 : i32
      %add3A_562 = arith.constant 0 : i32
      %add3A_563 = arith.addi %add3A_561, %add3A_562 : i32
      %mul3A_564 = arith.constant 160 : i32
      %mul3A_565 = arith.muli %add3A_563, %mul3A_564 : i32
      %dma_wait3A_566 = arith.constant 1 : i32
      %dma_wait3A_567 = arith.constant 0 : i32
      %dma_wait3A_568 = arith.constant 0 : i32
      %dma_wait3A_569 = tpu.memref_slice %arg7[%dma_wait3A_566, %dma_wait3A_567, %dma_wait3A_568] : memref<4x160x64xf32, #tpu.memory_space<vmem>> -> memref<1x160x64xf32, #tpu.memory_space<vmem>>
      %dma_wait3A_570 = tpu.memref_squeeze %dma_wait3A_569 : memref<1x160x64xf32, #tpu.memory_space<vmem>> -> memref<160x64xf32, #tpu.memory_space<vmem>>
      %dma_wait3A_571 = tpu.memref_slice %arg5[%mul3A_565] : memref<20000xi32, #tpu.memory_space<vmem>> -> memref<160xi32, #tpu.memory_space<vmem>>
      %dma_wait3A_572 = arith.constant 0 : i32
      %dma_wait3A_573 = arith.constant 0 : i32
      %dma_wait3A_574 = tpu.memref_slice %arg3[%dma_wait3A_572, %dma_wait3A_573] : memref<20224x64xf32, #tpu.memory_space<hbm>> -> memref<20224x64xf32, #tpu.memory_space<hbm>>
      tpu.wait_indirect_dma semaphore(%arg11 : memref<!tpu.dma_semaphore, #tpu.memory_space<semaphore_mem>>) src(%dma_wait3A_574 : memref<20224x64xf32, #tpu.memory_space<hbm>>) dst(%dma_wait3A_570 : memref<160x64xf32, #tpu.memory_space<vmem>>)
      %mul3A_575 = arith.constant 160 : i32
      %mul3A_576 = arith.muli %add3A_563, %mul3A_575 : i32
      %dma_start3A_577 = arith.constant 1 : i32
      %dma_start3A_578 = arith.constant 0 : i32
      %dma_start3A_579 = arith.constant 0 : i32
      %dma_start3A_580 = tpu.memref_slice %arg7[%dma_start3A_577, %dma_start3A_578, %dma_start3A_579] : memref<4x160x64xf32, #tpu.memory_space<vmem>> -> memref<1x160x64xf32, #tpu.memory_space<vmem>>
      %dma_start3A_581 = tpu.memref_squeeze %dma_start3A_580 : memref<1x160x64xf32, #tpu.memory_space<vmem>> -> memref<160x64xf32, #tpu.memory_space<vmem>>
      %dma_start3A_582 = tpu.memref_slice %arg6[%mul3A_576] : memref<20000xi32, #tpu.memory_space<vmem>> -> memref<160xi32, #tpu.memory_space<vmem>>
      %dma_start3A_583 = arith.constant 0 : i32
      %dma_start3A_584 = arith.constant 0 : i32
      %dma_start3A_585 = tpu.memref_slice %arg8[%dma_start3A_583, %dma_start3A_584] : memref<10112x64xf32, #tpu.memory_space<vmem_shared>> -> memref<10112x64xf32, #tpu.memory_space<vmem_shared>>
      tpu.enqueue_indirect_dma source(%dma_start3A_581 : memref<160x64xf32, #tpu.memory_space<vmem>>) target(%dma_start3A_585 : memref<10112x64xf32, #tpu.memory_space<vmem_shared>>) offsets(%dma_start3A_582 : memref<160xi32, #tpu.memory_space<vmem>>) semaphore(%arg16 : memref<!tpu.dma_semaphore, #tpu.memory_space<semaphore_mem>>) {add = true}
      %sub3A = arith.constant 1 : i32
      %sub3A_586 = arith.subi %add3A_563, %sub3A : i32
      %mul3A_587 = arith.constant 160 : i32
      %mul3A_588 = arith.muli %sub3A_586, %mul3A_587 : i32
      %dma_wait3A_589 = arith.constant 0 : i32
      %dma_wait3A_590 = arith.constant 0 : i32
      %dma_wait3A_591 = arith.constant 0 : i32
      %dma_wait3A_592 = tpu.memref_slice %arg7[%dma_wait3A_589, %dma_wait3A_590, %dma_wait3A_591] : memref<4x160x64xf32, #tpu.memory_space<vmem>> -> memref<1x160x64xf32, #tpu.memory_space<vmem>>
      %dma_wait3A_593 = tpu.memref_squeeze %dma_wait3A_592 : memref<1x160x64xf32, #tpu.memory_space<vmem>> -> memref<160x64xf32, #tpu.memory_space<vmem>>
      %dma_wait3A_594 = tpu.memref_slice %arg6[%mul3A_588] : memref<20000xi32, #tpu.memory_space<vmem>> -> memref<160xi32, #tpu.memory_space<vmem>>
      %dma_wait3A_595 = arith.constant 0 : i32
      %dma_wait3A_596 = arith.constant 0 : i32
      %dma_wait3A_597 = tpu.memref_slice %arg8[%dma_wait3A_595, %dma_wait3A_596] : memref<10112x64xf32, #tpu.memory_space<vmem_shared>> -> memref<10112x64xf32, #tpu.memory_space<vmem_shared>>
      tpu.wait_indirect_dma semaphore(%arg15 : memref<!tpu.dma_semaphore, #tpu.memory_space<semaphore_mem>>) src(%dma_wait3A_593 : memref<160x64xf32, #tpu.memory_space<vmem>>) dst(%dma_wait3A_597 : memref<10112x64xf32, #tpu.memory_space<vmem_shared>>)
      %add3A_598 = arith.constant 3 : i32
      %add3A_599 = arith.addi %add3A_563, %add3A_598 : i32
      %mul3A_600 = arith.constant 160 : i32
      %mul3A_601 = arith.muli %add3A_599, %mul3A_600 : i32
      %dma_start3A_602 = arith.constant 0 : i32
      %dma_start3A_603 = arith.constant 0 : i32
      %dma_start3A_604 = arith.constant 0 : i32
      %dma_start3A_605 = tpu.memref_slice %arg7[%dma_start3A_602, %dma_start3A_603, %dma_start3A_604] : memref<4x160x64xf32, #tpu.memory_space<vmem>> -> memref<1x160x64xf32, #tpu.memory_space<vmem>>
      %dma_start3A_606 = tpu.memref_squeeze %dma_start3A_605 : memref<1x160x64xf32, #tpu.memory_space<vmem>> -> memref<160x64xf32, #tpu.memory_space<vmem>>
      %dma_start3A_607 = tpu.memref_slice %arg5[%mul3A_601] : memref<20000xi32, #tpu.memory_space<vmem>> -> memref<160xi32, #tpu.memory_space<vmem>>
      %dma_start3A_608 = arith.constant 0 : i32
      %dma_start3A_609 = arith.constant 0 : i32
      %dma_start3A_610 = tpu.memref_slice %arg3[%dma_start3A_608, %dma_start3A_609] : memref<20224x64xf32, #tpu.memory_space<hbm>> -> memref<20224x64xf32, #tpu.memory_space<hbm>>
      tpu.enqueue_indirect_dma source(%dma_start3A_610 : memref<20224x64xf32, #tpu.memory_space<hbm>>) target(%dma_start3A_606 : memref<160x64xf32, #tpu.memory_space<vmem>>) offsets(%dma_start3A_607 : memref<160xi32, #tpu.memory_space<vmem>>) semaphore(%arg10 : memref<!tpu.dma_semaphore, #tpu.memory_space<semaphore_mem>>)
      %mul3A_611 = arith.constant 4 : i32
      %mul3A_612 = arith.muli %scan3A_556, %mul3A_611 : i32
      %add3A_613 = arith.constant 1 : i32
      %add3A_614 = arith.addi %add3A_613, %mul3A_612 : i32
      %add3A_615 = arith.constant 1 : i32
      %add3A_616 = arith.addi %add3A_614, %add3A_615 : i32
      %mul3A_617 = arith.constant 160 : i32
      %mul3A_618 = arith.muli %add3A_616, %mul3A_617 : i32
      %dma_wait3A_619 = arith.constant 2 : i32
      %dma_wait3A_620 = arith.constant 0 : i32
      %dma_wait3A_621 = arith.constant 0 : i32
      %dma_wait3A_622 = tpu.memref_slice %arg7[%dma_wait3A_619, %dma_wait3A_620, %dma_wait3A_621] : memref<4x160x64xf32, #tpu.memory_space<vmem>> -> memref<1x160x64xf32, #tpu.memory_space<vmem>>
      %dma_wait3A_623 = tpu.memref_squeeze %dma_wait3A_622 : memref<1x160x64xf32, #tpu.memory_space<vmem>> -> memref<160x64xf32, #tpu.memory_space<vmem>>
      %dma_wait3A_624 = tpu.memref_slice %arg5[%mul3A_618] : memref<20000xi32, #tpu.memory_space<vmem>> -> memref<160xi32, #tpu.memory_space<vmem>>
      %dma_wait3A_625 = arith.constant 0 : i32
      %dma_wait3A_626 = arith.constant 0 : i32
      %dma_wait3A_627 = tpu.memref_slice %arg3[%dma_wait3A_625, %dma_wait3A_626] : memref<20224x64xf32, #tpu.memory_space<hbm>> -> memref<20224x64xf32, #tpu.memory_space<hbm>>
      tpu.wait_indirect_dma semaphore(%arg12 : memref<!tpu.dma_semaphore, #tpu.memory_space<semaphore_mem>>) src(%dma_wait3A_627 : memref<20224x64xf32, #tpu.memory_space<hbm>>) dst(%dma_wait3A_623 : memref<160x64xf32, #tpu.memory_space<vmem>>)
      %mul3A_628 = arith.constant 160 : i32
      %mul3A_629 = arith.muli %add3A_616, %mul3A_628 : i32
      %dma_start3A_630 = arith.constant 2 : i32
      %dma_start3A_631 = arith.constant 0 : i32
      %dma_start3A_632 = arith.constant 0 : i32
      %dma_start3A_633 = tpu.memref_slice %arg7[%dma_start3A_630, %dma_start3A_631, %dma_start3A_632] : memref<4x160x64xf32, #tpu.memory_space<vmem>> -> memref<1x160x64xf32, #tpu.memory_space<vmem>>
      %dma_start3A_634 = tpu.memref_squeeze %dma_start3A_633 : memref<1x160x64xf32, #tpu.memory_space<vmem>> -> memref<160x64xf32, #tpu.memory_space<vmem>>
      %dma_start3A_635 = tpu.memref_slice %arg6[%mul3A_629] : memref<20000xi32, #tpu.memory_space<vmem>> -> memref<160xi32, #tpu.memory_space<vmem>>
      %dma_start3A_636 = arith.constant 0 : i32
      %dma_start3A_637 = arith.constant 0 : i32
      %dma_start3A_638 = tpu.memref_slice %arg8[%dma_start3A_636, %dma_start3A_637] : memref<10112x64xf32, #tpu.memory_space<vmem_shared>> -> memref<10112x64xf32, #tpu.memory_space<vmem_shared>>
      tpu.enqueue_indirect_dma source(%dma_start3A_634 : memref<160x64xf32, #tpu.memory_space<vmem>>) target(%dma_start3A_638 : memref<10112x64xf32, #tpu.memory_space<vmem_shared>>) offsets(%dma_start3A_635 : memref<160xi32, #tpu.memory_space<vmem>>) semaphore(%arg17 : memref<!tpu.dma_semaphore, #tpu.memory_space<semaphore_mem>>) {add = true}
      %sub3A_639 = arith.constant 1 : i32
      %sub3A_640 = arith.subi %add3A_616, %sub3A_639 : i32
      %mul3A_641 = arith.constant 160 : i32
      %mul3A_642 = arith.muli %sub3A_640, %mul3A_641 : i32
      %dma_wait3A_643 = arith.constant 1 : i32
      %dma_wait3A_644 = arith.constant 0 : i32
      %dma_wait3A_645 = arith.constant 0 : i32
      %dma_wait3A_646 = tpu.memref_slice %arg7[%dma_wait3A_643, %dma_wait3A_644, %dma_wait3A_645] : memref<4x160x64xf32, #tpu.memory_space<vmem>> -> memref<1x160x64xf32, #tpu.memory_space<vmem>>
      %dma_wait3A_647 = tpu.memref_squeeze %dma_wait3A_646 : memref<1x160x64xf32, #tpu.memory_space<vmem>> -> memref<160x64xf32, #tpu.memory_space<vmem>>
      %dma_wait3A_648 = tpu.memref_slice %arg6[%mul3A_642] : memref<20000xi32, #tpu.memory_space<vmem>> -> memref<160xi32, #tpu.memory_space<vmem>>
      %dma_wait3A_649 = arith.constant 0 : i32
      %dma_wait3A_650 = arith.constant 0 : i32
      %dma_wait3A_651 = tpu.memref_slice %arg8[%dma_wait3A_649, %dma_wait3A_650] : memref<10112x64xf32, #tpu.memory_space<vmem_shared>> -> memref<10112x64xf32, #tpu.memory_space<vmem_shared>>
      tpu.wait_indirect_dma semaphore(%arg16 : memref<!tpu.dma_semaphore, #tpu.memory_space<semaphore_mem>>) src(%dma_wait3A_647 : memref<160x64xf32, #tpu.memory_space<vmem>>) dst(%dma_wait3A_651 : memref<10112x64xf32, #tpu.memory_space<vmem_shared>>)
      %add3A_652 = arith.constant 3 : i32
      %add3A_653 = arith.addi %add3A_616, %add3A_652 : i32
      %mul3A_654 = arith.constant 160 : i32
      %mul3A_655 = arith.muli %add3A_653, %mul3A_654 : i32
      %dma_start3A_656 = arith.constant 1 : i32
      %dma_start3A_657 = arith.constant 0 : i32
      %dma_start3A_658 = arith.constant 0 : i32
      %dma_start3A_659 = tpu.memref_slice %arg7[%dma_start3A_656, %dma_start3A_657, %dma_start3A_658] : memref<4x160x64xf32, #tpu.memory_space<vmem>> -> memref<1x160x64xf32, #tpu.memory_space<vmem>>
      %dma_start3A_660 = tpu.memref_squeeze %dma_start3A_659 : memref<1x160x64xf32, #tpu.memory_space<vmem>> -> memref<160x64xf32, #tpu.memory_space<vmem>>
      %dma_start3A_661 = tpu.memref_slice %arg5[%mul3A_655] : memref<20000xi32, #tpu.memory_space<vmem>> -> memref<160xi32, #tpu.memory_space<vmem>>
      %dma_start3A_662 = arith.constant 0 : i32
      %dma_start3A_663 = arith.constant 0 : i32
      %dma_start3A_664 = tpu.memref_slice %arg3[%dma_start3A_662, %dma_start3A_663] : memref<20224x64xf32, #tpu.memory_space<hbm>> -> memref<20224x64xf32, #tpu.memory_space<hbm>>
      tpu.enqueue_indirect_dma source(%dma_start3A_664 : memref<20224x64xf32, #tpu.memory_space<hbm>>) target(%dma_start3A_660 : memref<160x64xf32, #tpu.memory_space<vmem>>) offsets(%dma_start3A_661 : memref<160xi32, #tpu.memory_space<vmem>>) semaphore(%arg11 : memref<!tpu.dma_semaphore, #tpu.memory_space<semaphore_mem>>)
      %mul3A_665 = arith.constant 4 : i32
      %mul3A_666 = arith.muli %scan3A_556, %mul3A_665 : i32
      %add3A_667 = arith.constant 1 : i32
      %add3A_668 = arith.addi %add3A_667, %mul3A_666 : i32
      %add3A_669 = arith.constant 2 : i32
      %add3A_670 = arith.addi %add3A_668, %add3A_669 : i32
      %mul3A_671 = arith.constant 160 : i32
      %mul3A_672 = arith.muli %add3A_670, %mul3A_671 : i32
      %dma_wait3A_673 = arith.constant 3 : i32
      %dma_wait3A_674 = arith.constant 0 : i32
      %dma_wait3A_675 = arith.constant 0 : i32
      %dma_wait3A_676 = tpu.memref_slice %arg7[%dma_wait3A_673, %dma_wait3A_674, %dma_wait3A_675] : memref<4x160x64xf32, #tpu.memory_space<vmem>> -> memref<1x160x64xf32, #tpu.memory_space<vmem>>
      %dma_wait3A_677 = tpu.memref_squeeze %dma_wait3A_676 : memref<1x160x64xf32, #tpu.memory_space<vmem>> -> memref<160x64xf32, #tpu.memory_space<vmem>>
      %dma_wait3A_678 = tpu.memref_slice %arg5[%mul3A_672] : memref<20000xi32, #tpu.memory_space<vmem>> -> memref<160xi32, #tpu.memory_space<vmem>>
      %dma_wait3A_679 = arith.constant 0 : i32
      %dma_wait3A_680 = arith.constant 0 : i32
      %dma_wait3A_681 = tpu.memref_slice %arg3[%dma_wait3A_679, %dma_wait3A_680] : memref<20224x64xf32, #tpu.memory_space<hbm>> -> memref<20224x64xf32, #tpu.memory_space<hbm>>
      tpu.wait_indirect_dma semaphore(%arg13 : memref<!tpu.dma_semaphore, #tpu.memory_space<semaphore_mem>>) src(%dma_wait3A_681 : memref<20224x64xf32, #tpu.memory_space<hbm>>) dst(%dma_wait3A_677 : memref<160x64xf32, #tpu.memory_space<vmem>>)
      %mul3A_682 = arith.constant 160 : i32
      %mul3A_683 = arith.muli %add3A_670, %mul3A_682 : i32
      %dma_start3A_684 = arith.constant 3 : i32
      %dma_start3A_685 = arith.constant 0 : i32
      %dma_start3A_686 = arith.constant 0 : i32
      %dma_start3A_687 = tpu.memref_slice %arg7[%dma_start3A_684, %dma_start3A_685, %dma_start3A_686] : memref<4x160x64xf32, #tpu.memory_space<vmem>> -> memref<1x160x64xf32, #tpu.memory_space<vmem>>
      %dma_start3A_688 = tpu.memref_squeeze %dma_start3A_687 : memref<1x160x64xf32, #tpu.memory_space<vmem>> -> memref<160x64xf32, #tpu.memory_space<vmem>>
      %dma_start3A_689 = tpu.memref_slice %arg6[%mul3A_683] : memref<20000xi32, #tpu.memory_space<vmem>> -> memref<160xi32, #tpu.memory_space<vmem>>
      %dma_start3A_690 = arith.constant 0 : i32
      %dma_start3A_691 = arith.constant 0 : i32
      %dma_start3A_692 = tpu.memref_slice %arg8[%dma_start3A_690, %dma_start3A_691] : memref<10112x64xf32, #tpu.memory_space<vmem_shared>> -> memref<10112x64xf32, #tpu.memory_space<vmem_shared>>
      tpu.enqueue_indirect_dma source(%dma_start3A_688 : memref<160x64xf32, #tpu.memory_space<vmem>>) target(%dma_start3A_692 : memref<10112x64xf32, #tpu.memory_space<vmem_shared>>) offsets(%dma_start3A_689 : memref<160xi32, #tpu.memory_space<vmem>>) semaphore(%arg18 : memref<!tpu.dma_semaphore, #tpu.memory_space<semaphore_mem>>) {add = true}
      %sub3A_693 = arith.constant 1 : i32
      %sub3A_694 = arith.subi %add3A_670, %sub3A_693 : i32
      %mul3A_695 = arith.constant 160 : i32
      %mul3A_696 = arith.muli %sub3A_694, %mul3A_695 : i32
      %dma_wait3A_697 = arith.constant 2 : i32
      %dma_wait3A_698 = arith.constant 0 : i32
      %dma_wait3A_699 = arith.constant 0 : i32
      %dma_wait3A_700 = tpu.memref_slice %arg7[%dma_wait3A_697, %dma_wait3A_698, %dma_wait3A_699] : memref<4x160x64xf32, #tpu.memory_space<vmem>> -> memref<1x160x64xf32, #tpu.memory_space<vmem>>
      %dma_wait3A_701 = tpu.memref_squeeze %dma_wait3A_700 : memref<1x160x64xf32, #tpu.memory_space<vmem>> -> memref<160x64xf32, #tpu.memory_space<vmem>>
      %dma_wait3A_702 = tpu.memref_slice %arg6[%mul3A_696] : memref<20000xi32, #tpu.memory_space<vmem>> -> memref<160xi32, #tpu.memory_space<vmem>>
      %dma_wait3A_703 = arith.constant 0 : i32
      %dma_wait3A_704 = arith.constant 0 : i32
      %dma_wait3A_705 = tpu.memref_slice %arg8[%dma_wait3A_703, %dma_wait3A_704] : memref<10112x64xf32, #tpu.memory_space<vmem_shared>> -> memref<10112x64xf32, #tpu.memory_space<vmem_shared>>
      tpu.wait_indirect_dma semaphore(%arg17 : memref<!tpu.dma_semaphore, #tpu.memory_space<semaphore_mem>>) src(%dma_wait3A_701 : memref<160x64xf32, #tpu.memory_space<vmem>>) dst(%dma_wait3A_705 : memref<10112x64xf32, #tpu.memory_space<vmem_shared>>)
      %add3A_706 = arith.constant 3 : i32
      %add3A_707 = arith.addi %add3A_670, %add3A_706 : i32
      %mul3A_708 = arith.constant 160 : i32
      %mul3A_709 = arith.muli %add3A_707, %mul3A_708 : i32
      %dma_start3A_710 = arith.constant 2 : i32
      %dma_start3A_711 = arith.constant 0 : i32
      %dma_start3A_712 = arith.constant 0 : i32
      %dma_start3A_713 = tpu.memref_slice %arg7[%dma_start3A_710, %dma_start3A_711, %dma_start3A_712] : memref<4x160x64xf32, #tpu.memory_space<vmem>> -> memref<1x160x64xf32, #tpu.memory_space<vmem>>
      %dma_start3A_714 = tpu.memref_squeeze %dma_start3A_713 : memref<1x160x64xf32, #tpu.memory_space<vmem>> -> memref<160x64xf32, #tpu.memory_space<vmem>>
      %dma_start3A_715 = tpu.memref_slice %arg5[%mul3A_709] : memref<20000xi32, #tpu.memory_space<vmem>> -> memref<160xi32, #tpu.memory_space<vmem>>
      %dma_start3A_716 = arith.constant 0 : i32
      %dma_start3A_717 = arith.constant 0 : i32
      %dma_start3A_718 = tpu.memref_slice %arg3[%dma_start3A_716, %dma_start3A_717] : memref<20224x64xf32, #tpu.memory_space<hbm>> -> memref<20224x64xf32, #tpu.memory_space<hbm>>
      tpu.enqueue_indirect_dma source(%dma_start3A_718 : memref<20224x64xf32, #tpu.memory_space<hbm>>) target(%dma_start3A_714 : memref<160x64xf32, #tpu.memory_space<vmem>>) offsets(%dma_start3A_715 : memref<160xi32, #tpu.memory_space<vmem>>) semaphore(%arg12 : memref<!tpu.dma_semaphore, #tpu.memory_space<semaphore_mem>>)
      %mul3A_719 = arith.constant 4 : i32
      %mul3A_720 = arith.muli %scan3A_556, %mul3A_719 : i32
      %add3A_721 = arith.constant 1 : i32
      %add3A_722 = arith.addi %add3A_721, %mul3A_720 : i32
      %add3A_723 = arith.constant 3 : i32
      %add3A_724 = arith.addi %add3A_722, %add3A_723 : i32
      %mul3A_725 = arith.constant 160 : i32
      %mul3A_726 = arith.muli %add3A_724, %mul3A_725 : i32
      %dma_wait3A_727 = arith.constant 0 : i32
      %dma_wait3A_728 = arith.constant 0 : i32
      %dma_wait3A_729 = arith.constant 0 : i32
      %dma_wait3A_730 = tpu.memref_slice %arg7[%dma_wait3A_727, %dma_wait3A_728, %dma_wait3A_729] : memref<4x160x64xf32, #tpu.memory_space<vmem>> -> memref<1x160x64xf32, #tpu.memory_space<vmem>>
      %dma_wait3A_731 = tpu.memref_squeeze %dma_wait3A_730 : memref<1x160x64xf32, #tpu.memory_space<vmem>> -> memref<160x64xf32, #tpu.memory_space<vmem>>
      %dma_wait3A_732 = tpu.memref_slice %arg5[%mul3A_726] : memref<20000xi32, #tpu.memory_space<vmem>> -> memref<160xi32, #tpu.memory_space<vmem>>
      %dma_wait3A_733 = arith.constant 0 : i32
      %dma_wait3A_734 = arith.constant 0 : i32
      %dma_wait3A_735 = tpu.memref_slice %arg3[%dma_wait3A_733, %dma_wait3A_734] : memref<20224x64xf32, #tpu.memory_space<hbm>> -> memref<20224x64xf32, #tpu.memory_space<hbm>>
      tpu.wait_indirect_dma semaphore(%arg10 : memref<!tpu.dma_semaphore, #tpu.memory_space<semaphore_mem>>) src(%dma_wait3A_735 : memref<20224x64xf32, #tpu.memory_space<hbm>>) dst(%dma_wait3A_731 : memref<160x64xf32, #tpu.memory_space<vmem>>)
      %mul3A_736 = arith.constant 160 : i32
      %mul3A_737 = arith.muli %add3A_724, %mul3A_736 : i32
      %dma_start3A_738 = arith.constant 0 : i32
      %dma_start3A_739 = arith.constant 0 : i32
      %dma_start3A_740 = arith.constant 0 : i32
      %dma_start3A_741 = tpu.memref_slice %arg7[%dma_start3A_738, %dma_start3A_739, %dma_start3A_740] : memref<4x160x64xf32, #tpu.memory_space<vmem>> -> memref<1x160x64xf32, #tpu.memory_space<vmem>>
      %dma_start3A_742 = tpu.memref_squeeze %dma_start3A_741 : memref<1x160x64xf32, #tpu.memory_space<vmem>> -> memref<160x64xf32, #tpu.memory_space<vmem>>
      %dma_start3A_743 = tpu.memref_slice %arg6[%mul3A_737] : memref<20000xi32, #tpu.memory_space<vmem>> -> memref<160xi32, #tpu.memory_space<vmem>>
      %dma_start3A_744 = arith.constant 0 : i32
      %dma_start3A_745 = arith.constant 0 : i32
      %dma_start3A_746 = tpu.memref_slice %arg8[%dma_start3A_744, %dma_start3A_745] : memref<10112x64xf32, #tpu.memory_space<vmem_shared>> -> memref<10112x64xf32, #tpu.memory_space<vmem_shared>>
      tpu.enqueue_indirect_dma source(%dma_start3A_742 : memref<160x64xf32, #tpu.memory_space<vmem>>) target(%dma_start3A_746 : memref<10112x64xf32, #tpu.memory_space<vmem_shared>>) offsets(%dma_start3A_743 : memref<160xi32, #tpu.memory_space<vmem>>) semaphore(%arg15 : memref<!tpu.dma_semaphore, #tpu.memory_space<semaphore_mem>>) {add = true}
      %sub3A_747 = arith.constant 1 : i32
      %sub3A_748 = arith.subi %add3A_724, %sub3A_747 : i32
      %mul3A_749 = arith.constant 160 : i32
      %mul3A_750 = arith.muli %sub3A_748, %mul3A_749 : i32
      %dma_wait3A_751 = arith.constant 3 : i32
      %dma_wait3A_752 = arith.constant 0 : i32
      %dma_wait3A_753 = arith.constant 0 : i32
      %dma_wait3A_754 = tpu.memref_slice %arg7[%dma_wait3A_751, %dma_wait3A_752, %dma_wait3A_753] : memref<4x160x64xf32, #tpu.memory_space<vmem>> -> memref<1x160x64xf32, #tpu.memory_space<vmem>>
      %dma_wait3A_755 = tpu.memref_squeeze %dma_wait3A_754 : memref<1x160x64xf32, #tpu.memory_space<vmem>> -> memref<160x64xf32, #tpu.memory_space<vmem>>
      %dma_wait3A_756 = tpu.memref_slice %arg6[%mul3A_750] : memref<20000xi32, #tpu.memory_space<vmem>> -> memref<160xi32, #tpu.memory_space<vmem>>
      %dma_wait3A_757 = arith.constant 0 : i32
      %dma_wait3A_758 = arith.constant 0 : i32
      %dma_wait3A_759 = tpu.memref_slice %arg8[%dma_wait3A_757, %dma_wait3A_758] : memref<10112x64xf32, #tpu.memory_space<vmem_shared>> -> memref<10112x64xf32, #tpu.memory_space<vmem_shared>>
      tpu.wait_indirect_dma semaphore(%arg18 : memref<!tpu.dma_semaphore, #tpu.memory_space<semaphore_mem>>) src(%dma_wait3A_755 : memref<160x64xf32, #tpu.memory_space<vmem>>) dst(%dma_wait3A_759 : memref<10112x64xf32, #tpu.memory_space<vmem_shared>>)
      %add3A_760 = arith.constant 3 : i32
      %add3A_761 = arith.addi %add3A_724, %add3A_760 : i32
      %mul3A_762 = arith.constant 160 : i32
      %mul3A_763 = arith.muli %add3A_761, %mul3A_762 : i32
      %dma_start3A_764 = arith.constant 3 : i32
      %dma_start3A_765 = arith.constant 0 : i32
      %dma_start3A_766 = arith.constant 0 : i32
      %dma_start3A_767 = tpu.memref_slice %arg7[%dma_start3A_764, %dma_start3A_765, %dma_start3A_766] : memref<4x160x64xf32, #tpu.memory_space<vmem>> -> memref<1x160x64xf32, #tpu.memory_space<vmem>>
      %dma_start3A_768 = tpu.memref_squeeze %dma_start3A_767 : memref<1x160x64xf32, #tpu.memory_space<vmem>> -> memref<160x64xf32, #tpu.memory_space<vmem>>
      %dma_start3A_769 = tpu.memref_slice %arg5[%mul3A_763] : memref<20000xi32, #tpu.memory_space<vmem>> -> memref<160xi32, #tpu.memory_space<vmem>>
      %dma_start3A_770 = arith.constant 0 : i32
      %dma_start3A_771 = arith.constant 0 : i32
      %dma_start3A_772 = tpu.memref_slice %arg3[%dma_start3A_770, %dma_start3A_771] : memref<20224x64xf32, #tpu.memory_space<hbm>> -> memref<20224x64xf32, #tpu.memory_space<hbm>>
      tpu.enqueue_indirect_dma source(%dma_start3A_772 : memref<20224x64xf32, #tpu.memory_space<hbm>>) target(%dma_start3A_768 : memref<160x64xf32, #tpu.memory_space<vmem>>) offsets(%dma_start3A_769 : memref<160xi32, #tpu.memory_space<vmem>>) semaphore(%arg13 : memref<!tpu.dma_semaphore, #tpu.memory_space<semaphore_mem>>)
      %scan3A_773 = arith.constant 0 : i32
      scf.yield %scan3A_773 : i32
    }
    %scan3A_408 = arith.constant 30 : i32
    %dma_wait3A_409 = arith.constant 1 : i32
    %dma_wait3A_410 = arith.constant 0 : i32
    %dma_wait3A_411 = arith.constant 0 : i32
    %dma_wait3A_412 = tpu.memref_slice %arg7[%dma_wait3A_409, %dma_wait3A_410, %dma_wait3A_411] : memref<4x160x64xf32, #tpu.memory_space<vmem>> -> memref<1x160x64xf32, #tpu.memory_space<vmem>>
    %dma_wait3A_413 = tpu.memref_squeeze %dma_wait3A_412 : memref<1x160x64xf32, #tpu.memory_space<vmem>> -> memref<160x64xf32, #tpu.memory_space<vmem>>
    %dma_wait3A_414 = arith.constant 19360 : i32
    %dma_wait3A_415 = tpu.memref_slice %arg5[%dma_wait3A_414] : memref<20000xi32, #tpu.memory_space<vmem>> -> memref<160xi32, #tpu.memory_space<vmem>>
    %dma_wait3A_416 = arith.constant 0 : i32
    %dma_wait3A_417 = arith.constant 0 : i32
    %dma_wait3A_418 = tpu.memref_slice %arg3[%dma_wait3A_416, %dma_wait3A_417] : memref<20224x64xf32, #tpu.memory_space<hbm>> -> memref<20224x64xf32, #tpu.memory_space<hbm>>
    tpu.wait_indirect_dma semaphore(%arg11 : memref<!tpu.dma_semaphore, #tpu.memory_space<semaphore_mem>>) src(%dma_wait3A_418 : memref<20224x64xf32, #tpu.memory_space<hbm>>) dst(%dma_wait3A_413 : memref<160x64xf32, #tpu.memory_space<vmem>>)
    %dma_start3A_419 = arith.constant 1 : i32
    %dma_start3A_420 = arith.constant 0 : i32
    %dma_start3A_421 = arith.constant 0 : i32
    %dma_start3A_422 = tpu.memref_slice %arg7[%dma_start3A_419, %dma_start3A_420, %dma_start3A_421] : memref<4x160x64xf32, #tpu.memory_space<vmem>> -> memref<1x160x64xf32, #tpu.memory_space<vmem>>
    %dma_start3A_423 = tpu.memref_squeeze %dma_start3A_422 : memref<1x160x64xf32, #tpu.memory_space<vmem>> -> memref<160x64xf32, #tpu.memory_space<vmem>>
    %dma_start3A_424 = arith.constant 19360 : i32
    %dma_start3A_425 = tpu.memref_slice %arg6[%dma_start3A_424] : memref<20000xi32, #tpu.memory_space<vmem>> -> memref<160xi32, #tpu.memory_space<vmem>>
    %dma_start3A_426 = arith.constant 0 : i32
    %dma_start3A_427 = arith.constant 0 : i32
    %dma_start3A_428 = tpu.memref_slice %arg8[%dma_start3A_426, %dma_start3A_427] : memref<10112x64xf32, #tpu.memory_space<vmem_shared>> -> memref<10112x64xf32, #tpu.memory_space<vmem_shared>>
    tpu.enqueue_indirect_dma source(%dma_start3A_423 : memref<160x64xf32, #tpu.memory_space<vmem>>) target(%dma_start3A_428 : memref<10112x64xf32, #tpu.memory_space<vmem_shared>>) offsets(%dma_start3A_425 : memref<160xi32, #tpu.memory_space<vmem>>) semaphore(%arg16 : memref<!tpu.dma_semaphore, #tpu.memory_space<semaphore_mem>>) {add = true}
    %dma_wait3A_429 = arith.constant 0 : i32
    %dma_wait3A_430 = arith.constant 0 : i32
    %dma_wait3A_431 = arith.constant 0 : i32
    %dma_wait3A_432 = tpu.memref_slice %arg7[%dma_wait3A_429, %dma_wait3A_430, %dma_wait3A_431] : memref<4x160x64xf32, #tpu.memory_space<vmem>> -> memref<1x160x64xf32, #tpu.memory_space<vmem>>
    %dma_wait3A_433 = tpu.memref_squeeze %dma_wait3A_432 : memref<1x160x64xf32, #tpu.memory_space<vmem>> -> memref<160x64xf32, #tpu.memory_space<vmem>>
    %dma_wait3A_434 = arith.constant 19200 : i32
    %dma_wait3A_435 = tpu.memref_slice %arg6[%dma_wait3A_434] : memref<20000xi32, #tpu.memory_space<vmem>> -> memref<160xi32, #tpu.memory_space<vmem>>
    %dma_wait3A_436 = arith.constant 0 : i32
    %dma_wait3A_437 = arith.constant 0 : i32
    %dma_wait3A_438 = tpu.memref_slice %arg8[%dma_wait3A_436, %dma_wait3A_437] : memref<10112x64xf32, #tpu.memory_space<vmem_shared>> -> memref<10112x64xf32, #tpu.memory_space<vmem_shared>>
    tpu.wait_indirect_dma semaphore(%arg15 : memref<!tpu.dma_semaphore, #tpu.memory_space<semaphore_mem>>) src(%dma_wait3A_433 : memref<160x64xf32, #tpu.memory_space<vmem>>) dst(%dma_wait3A_438 : memref<10112x64xf32, #tpu.memory_space<vmem_shared>>)
    %dma_start3A_439 = arith.constant 0 : i32
    %dma_start3A_440 = arith.constant 0 : i32
    %dma_start3A_441 = arith.constant 0 : i32
    %dma_start3A_442 = tpu.memref_slice %arg7[%dma_start3A_439, %dma_start3A_440, %dma_start3A_441] : memref<4x160x64xf32, #tpu.memory_space<vmem>> -> memref<1x160x64xf32, #tpu.memory_space<vmem>>
    %dma_start3A_443 = tpu.memref_squeeze %dma_start3A_442 : memref<1x160x64xf32, #tpu.memory_space<vmem>> -> memref<160x64xf32, #tpu.memory_space<vmem>>
    %dma_start3A_444 = arith.constant 19840 : i32
    %dma_start3A_445 = tpu.memref_slice %arg5[%dma_start3A_444] : memref<20000xi32, #tpu.memory_space<vmem>> -> memref<160xi32, #tpu.memory_space<vmem>>
    %dma_start3A_446 = arith.constant 0 : i32
    %dma_start3A_447 = arith.constant 0 : i32
    %dma_start3A_448 = tpu.memref_slice %arg3[%dma_start3A_446, %dma_start3A_447] : memref<20224x64xf32, #tpu.memory_space<hbm>> -> memref<20224x64xf32, #tpu.memory_space<hbm>>
    tpu.enqueue_indirect_dma source(%dma_start3A_448 : memref<20224x64xf32, #tpu.memory_space<hbm>>) target(%dma_start3A_443 : memref<160x64xf32, #tpu.memory_space<vmem>>) offsets(%dma_start3A_445 : memref<160xi32, #tpu.memory_space<vmem>>) semaphore(%arg10 : memref<!tpu.dma_semaphore, #tpu.memory_space<semaphore_mem>>)
    %dma_wait3A_449 = arith.constant 2 : i32
    %dma_wait3A_450 = arith.constant 0 : i32
    %dma_wait3A_451 = arith.constant 0 : i32
    %dma_wait3A_452 = tpu.memref_slice %arg7[%dma_wait3A_449, %dma_wait3A_450, %dma_wait3A_451] : memref<4x160x64xf32, #tpu.memory_space<vmem>> -> memref<1x160x64xf32, #tpu.memory_space<vmem>>
    %dma_wait3A_453 = tpu.memref_squeeze %dma_wait3A_452 : memref<1x160x64xf32, #tpu.memory_space<vmem>> -> memref<160x64xf32, #tpu.memory_space<vmem>>
    %dma_wait3A_454 = arith.constant 19520 : i32
    %dma_wait3A_455 = tpu.memref_slice %arg5[%dma_wait3A_454] : memref<20000xi32, #tpu.memory_space<vmem>> -> memref<160xi32, #tpu.memory_space<vmem>>
    %dma_wait3A_456 = arith.constant 0 : i32
    %dma_wait3A_457 = arith.constant 0 : i32
    %dma_wait3A_458 = tpu.memref_slice %arg3[%dma_wait3A_456, %dma_wait3A_457] : memref<20224x64xf32, #tpu.memory_space<hbm>> -> memref<20224x64xf32, #tpu.memory_space<hbm>>
    tpu.wait_indirect_dma semaphore(%arg12 : memref<!tpu.dma_semaphore, #tpu.memory_space<semaphore_mem>>) src(%dma_wait3A_458 : memref<20224x64xf32, #tpu.memory_space<hbm>>) dst(%dma_wait3A_453 : memref<160x64xf32, #tpu.memory_space<vmem>>)
    %dma_start3A_459 = arith.constant 2 : i32
    %dma_start3A_460 = arith.constant 0 : i32
    %dma_start3A_461 = arith.constant 0 : i32
    %dma_start3A_462 = tpu.memref_slice %arg7[%dma_start3A_459, %dma_start3A_460, %dma_start3A_461] : memref<4x160x64xf32, #tpu.memory_space<vmem>> -> memref<1x160x64xf32, #tpu.memory_space<vmem>>
    %dma_start3A_463 = tpu.memref_squeeze %dma_start3A_462 : memref<1x160x64xf32, #tpu.memory_space<vmem>> -> memref<160x64xf32, #tpu.memory_space<vmem>>
    %dma_start3A_464 = arith.constant 19520 : i32
    %dma_start3A_465 = tpu.memref_slice %arg6[%dma_start3A_464] : memref<20000xi32, #tpu.memory_space<vmem>> -> memref<160xi32, #tpu.memory_space<vmem>>
    %dma_start3A_466 = arith.constant 0 : i32
    %dma_start3A_467 = arith.constant 0 : i32
    %dma_start3A_468 = tpu.memref_slice %arg8[%dma_start3A_466, %dma_start3A_467] : memref<10112x64xf32, #tpu.memory_space<vmem_shared>> -> memref<10112x64xf32, #tpu.memory_space<vmem_shared>>
    tpu.enqueue_indirect_dma source(%dma_start3A_463 : memref<160x64xf32, #tpu.memory_space<vmem>>) target(%dma_start3A_468 : memref<10112x64xf32, #tpu.memory_space<vmem_shared>>) offsets(%dma_start3A_465 : memref<160xi32, #tpu.memory_space<vmem>>) semaphore(%arg17 : memref<!tpu.dma_semaphore, #tpu.memory_space<semaphore_mem>>) {add = true}
    %dma_wait3A_469 = arith.constant 1 : i32
    %dma_wait3A_470 = arith.constant 0 : i32
    %dma_wait3A_471 = arith.constant 0 : i32
    %dma_wait3A_472 = tpu.memref_slice %arg7[%dma_wait3A_469, %dma_wait3A_470, %dma_wait3A_471] : memref<4x160x64xf32, #tpu.memory_space<vmem>> -> memref<1x160x64xf32, #tpu.memory_space<vmem>>
    %dma_wait3A_473 = tpu.memref_squeeze %dma_wait3A_472 : memref<1x160x64xf32, #tpu.memory_space<vmem>> -> memref<160x64xf32, #tpu.memory_space<vmem>>
    %dma_wait3A_474 = arith.constant 19360 : i32
    %dma_wait3A_475 = tpu.memref_slice %arg6[%dma_wait3A_474] : memref<20000xi32, #tpu.memory_space<vmem>> -> memref<160xi32, #tpu.memory_space<vmem>>
    %dma_wait3A_476 = arith.constant 0 : i32
    %dma_wait3A_477 = arith.constant 0 : i32
    %dma_wait3A_478 = tpu.memref_slice %arg8[%dma_wait3A_476, %dma_wait3A_477] : memref<10112x64xf32, #tpu.memory_space<vmem_shared>> -> memref<10112x64xf32, #tpu.memory_space<vmem_shared>>
    tpu.wait_indirect_dma semaphore(%arg16 : memref<!tpu.dma_semaphore, #tpu.memory_space<semaphore_mem>>) src(%dma_wait3A_473 : memref<160x64xf32, #tpu.memory_space<vmem>>) dst(%dma_wait3A_478 : memref<10112x64xf32, #tpu.memory_space<vmem_shared>>)
    %dma_wait3A_479 = arith.constant 3 : i32
    %dma_wait3A_480 = arith.constant 0 : i32
    %dma_wait3A_481 = arith.constant 0 : i32
    %dma_wait3A_482 = tpu.memref_slice %arg7[%dma_wait3A_479, %dma_wait3A_480, %dma_wait3A_481] : memref<4x160x64xf32, #tpu.memory_space<vmem>> -> memref<1x160x64xf32, #tpu.memory_space<vmem>>
    %dma_wait3A_483 = tpu.memref_squeeze %dma_wait3A_482 : memref<1x160x64xf32, #tpu.memory_space<vmem>> -> memref<160x64xf32, #tpu.memory_space<vmem>>
    %dma_wait3A_484 = arith.constant 19680 : i32
    %dma_wait3A_485 = tpu.memref_slice %arg5[%dma_wait3A_484] : memref<20000xi32, #tpu.memory_space<vmem>> -> memref<160xi32, #tpu.memory_space<vmem>>
    %dma_wait3A_486 = arith.constant 0 : i32
    %dma_wait3A_487 = arith.constant 0 : i32
    %dma_wait3A_488 = tpu.memref_slice %arg3[%dma_wait3A_486, %dma_wait3A_487] : memref<20224x64xf32, #tpu.memory_space<hbm>> -> memref<20224x64xf32, #tpu.memory_space<hbm>>
    tpu.wait_indirect_dma semaphore(%arg13 : memref<!tpu.dma_semaphore, #tpu.memory_space<semaphore_mem>>) src(%dma_wait3A_488 : memref<20224x64xf32, #tpu.memory_space<hbm>>) dst(%dma_wait3A_483 : memref<160x64xf32, #tpu.memory_space<vmem>>)
    %dma_start3A_489 = arith.constant 3 : i32
    %dma_start3A_490 = arith.constant 0 : i32
    %dma_start3A_491 = arith.constant 0 : i32
    %dma_start3A_492 = tpu.memref_slice %arg7[%dma_start3A_489, %dma_start3A_490, %dma_start3A_491] : memref<4x160x64xf32, #tpu.memory_space<vmem>> -> memref<1x160x64xf32, #tpu.memory_space<vmem>>
    %dma_start3A_493 = tpu.memref_squeeze %dma_start3A_492 : memref<1x160x64xf32, #tpu.memory_space<vmem>> -> memref<160x64xf32, #tpu.memory_space<vmem>>
    %dma_start3A_494 = arith.constant 19680 : i32
    %dma_start3A_495 = tpu.memref_slice %arg6[%dma_start3A_494] : memref<20000xi32, #tpu.memory_space<vmem>> -> memref<160xi32, #tpu.memory_space<vmem>>
    %dma_start3A_496 = arith.constant 0 : i32
    %dma_start3A_497 = arith.constant 0 : i32
    %dma_start3A_498 = tpu.memref_slice %arg8[%dma_start3A_496, %dma_start3A_497] : memref<10112x64xf32, #tpu.memory_space<vmem_shared>> -> memref<10112x64xf32, #tpu.memory_space<vmem_shared>>
    tpu.enqueue_indirect_dma source(%dma_start3A_493 : memref<160x64xf32, #tpu.memory_space<vmem>>) target(%dma_start3A_498 : memref<10112x64xf32, #tpu.memory_space<vmem_shared>>) offsets(%dma_start3A_495 : memref<160xi32, #tpu.memory_space<vmem>>) semaphore(%arg18 : memref<!tpu.dma_semaphore, #tpu.memory_space<semaphore_mem>>) {add = true}
    %dma_wait3A_499 = arith.constant 2 : i32
    %dma_wait3A_500 = arith.constant 0 : i32
    %dma_wait3A_501 = arith.constant 0 : i32
    %dma_wait3A_502 = tpu.memref_slice %arg7[%dma_wait3A_499, %dma_wait3A_500, %dma_wait3A_501] : memref<4x160x64xf32, #tpu.memory_space<vmem>> -> memref<1x160x64xf32, #tpu.memory_space<vmem>>
    %dma_wait3A_503 = tpu.memref_squeeze %dma_wait3A_502 : memref<1x160x64xf32, #tpu.memory_space<vmem>> -> memref<160x64xf32, #tpu.memory_space<vmem>>
    %dma_wait3A_504 = arith.constant 19520 : i32
    %dma_wait3A_505 = tpu.memref_slice %arg6[%dma_wait3A_504] : memref<20000xi32, #tpu.memory_space<vmem>> -> memref<160xi32, #tpu.memory_space<vmem>>
    %dma_wait3A_506 = arith.constant 0 : i32
    %dma_wait3A_507 = arith.constant 0 : i32
    %dma_wait3A_508 = tpu.memref_slice %arg8[%dma_wait3A_506, %dma_wait3A_507] : memref<10112x64xf32, #tpu.memory_space<vmem_shared>> -> memref<10112x64xf32, #tpu.memory_space<vmem_shared>>
    tpu.wait_indirect_dma semaphore(%arg17 : memref<!tpu.dma_semaphore, #tpu.memory_space<semaphore_mem>>) src(%dma_wait3A_503 : memref<160x64xf32, #tpu.memory_space<vmem>>) dst(%dma_wait3A_508 : memref<10112x64xf32, #tpu.memory_space<vmem_shared>>)
    %dma_wait3A_509 = arith.constant 0 : i32
    %dma_wait3A_510 = arith.constant 0 : i32
    %dma_wait3A_511 = arith.constant 0 : i32
    %dma_wait3A_512 = tpu.memref_slice %arg7[%dma_wait3A_509, %dma_wait3A_510, %dma_wait3A_511] : memref<4x160x64xf32, #tpu.memory_space<vmem>> -> memref<1x160x64xf32, #tpu.memory_space<vmem>>
    %dma_wait3A_513 = tpu.memref_squeeze %dma_wait3A_512 : memref<1x160x64xf32, #tpu.memory_space<vmem>> -> memref<160x64xf32, #tpu.memory_space<vmem>>
    %dma_wait3A_514 = arith.constant 19840 : i32
    %dma_wait3A_515 = tpu.memref_slice %arg5[%dma_wait3A_514] : memref<20000xi32, #tpu.memory_space<vmem>> -> memref<160xi32, #tpu.memory_space<vmem>>
    %dma_wait3A_516 = arith.constant 0 : i32
    %dma_wait3A_517 = arith.constant 0 : i32
    %dma_wait3A_518 = tpu.memref_slice %arg3[%dma_wait3A_516, %dma_wait3A_517] : memref<20224x64xf32, #tpu.memory_space<hbm>> -> memref<20224x64xf32, #tpu.memory_space<hbm>>
    tpu.wait_indirect_dma semaphore(%arg10 : memref<!tpu.dma_semaphore, #tpu.memory_space<semaphore_mem>>) src(%dma_wait3A_518 : memref<20224x64xf32, #tpu.memory_space<hbm>>) dst(%dma_wait3A_513 : memref<160x64xf32, #tpu.memory_space<vmem>>)
    %dma_start3A_519 = arith.constant 0 : i32
    %dma_start3A_520 = arith.constant 0 : i32
    %dma_start3A_521 = arith.constant 0 : i32
    %dma_start3A_522 = tpu.memref_slice %arg7[%dma_start3A_519, %dma_start3A_520, %dma_start3A_521] : memref<4x160x64xf32, #tpu.memory_space<vmem>> -> memref<1x160x64xf32, #tpu.memory_space<vmem>>
    %dma_start3A_523 = tpu.memref_squeeze %dma_start3A_522 : memref<1x160x64xf32, #tpu.memory_space<vmem>> -> memref<160x64xf32, #tpu.memory_space<vmem>>
    %dma_start3A_524 = arith.constant 19840 : i32
    %dma_start3A_525 = tpu.memref_slice %arg6[%dma_start3A_524] : memref<20000xi32, #tpu.memory_space<vmem>> -> memref<160xi32, #tpu.memory_space<vmem>>
    %dma_start3A_526 = arith.constant 0 : i32
    %dma_start3A_527 = arith.constant 0 : i32
    %dma_start3A_528 = tpu.memref_slice %arg8[%dma_start3A_526, %dma_start3A_527] : memref<10112x64xf32, #tpu.memory_space<vmem_shared>> -> memref<10112x64xf32, #tpu.memory_space<vmem_shared>>
    tpu.enqueue_indirect_dma source(%dma_start3A_523 : memref<160x64xf32, #tpu.memory_space<vmem>>) target(%dma_start3A_528 : memref<10112x64xf32, #tpu.memory_space<vmem_shared>>) offsets(%dma_start3A_525 : memref<160xi32, #tpu.memory_space<vmem>>) semaphore(%arg15 : memref<!tpu.dma_semaphore, #tpu.memory_space<semaphore_mem>>) {add = true}
    %dma_wait3A_529 = arith.constant 3 : i32
    %dma_wait3A_530 = arith.constant 0 : i32
    %dma_wait3A_531 = arith.constant 0 : i32
    %dma_wait3A_532 = tpu.memref_slice %arg7[%dma_wait3A_529, %dma_wait3A_530, %dma_wait3A_531] : memref<4x160x64xf32, #tpu.memory_space<vmem>> -> memref<1x160x64xf32, #tpu.memory_space<vmem>>
    %dma_wait3A_533 = tpu.memref_squeeze %dma_wait3A_532 : memref<1x160x64xf32, #tpu.memory_space<vmem>> -> memref<160x64xf32, #tpu.memory_space<vmem>>
    %dma_wait3A_534 = arith.constant 19680 : i32
    %dma_wait3A_535 = tpu.memref_slice %arg6[%dma_wait3A_534] : memref<20000xi32, #tpu.memory_space<vmem>> -> memref<160xi32, #tpu.memory_space<vmem>>
    %dma_wait3A_536 = arith.constant 0 : i32
    %dma_wait3A_537 = arith.constant 0 : i32
    %dma_wait3A_538 = tpu.memref_slice %arg8[%dma_wait3A_536, %dma_wait3A_537] : memref<10112x64xf32, #tpu.memory_space<vmem_shared>> -> memref<10112x64xf32, #tpu.memory_space<vmem_shared>>
    tpu.wait_indirect_dma semaphore(%arg18 : memref<!tpu.dma_semaphore, #tpu.memory_space<semaphore_mem>>) src(%dma_wait3A_533 : memref<160x64xf32, #tpu.memory_space<vmem>>) dst(%dma_wait3A_538 : memref<10112x64xf32, #tpu.memory_space<vmem_shared>>)
    %dma_wait3A_539 = arith.constant 0 : i32
    %dma_wait3A_540 = arith.constant 0 : i32
    %dma_wait3A_541 = arith.constant 0 : i32
    %dma_wait3A_542 = tpu.memref_slice %arg7[%dma_wait3A_539, %dma_wait3A_540, %dma_wait3A_541] : memref<4x160x64xf32, #tpu.memory_space<vmem>> -> memref<1x160x64xf32, #tpu.memory_space<vmem>>
    %dma_wait3A_543 = tpu.memref_squeeze %dma_wait3A_542 : memref<1x160x64xf32, #tpu.memory_space<vmem>> -> memref<160x64xf32, #tpu.memory_space<vmem>>
    %dma_wait3A_544 = arith.constant 19840 : i32
    %dma_wait3A_545 = tpu.memref_slice %arg6[%dma_wait3A_544] : memref<20000xi32, #tpu.memory_space<vmem>> -> memref<160xi32, #tpu.memory_space<vmem>>
    %dma_wait3A_546 = arith.constant 0 : i32
    %dma_wait3A_547 = arith.constant 0 : i32
    %dma_wait3A_548 = tpu.memref_slice %arg8[%dma_wait3A_546, %dma_wait3A_547] : memref<10112x64xf32, #tpu.memory_space<vmem_shared>> -> memref<10112x64xf32, #tpu.memory_space<vmem_shared>>
    tpu.wait_indirect_dma semaphore(%arg15 : memref<!tpu.dma_semaphore, #tpu.memory_space<semaphore_mem>>) src(%dma_wait3A_543 : memref<160x64xf32, #tpu.memory_space<vmem>>) dst(%dma_wait3A_548 : memref<10112x64xf32, #tpu.memory_space<vmem_shared>>)
    %barrier3A_549 = arith.constant 0 : index
    tpu.barrier barrier_id(%barrier3A_549)
    %mul3A_550 = arith.constant 632 : i32
    %mul3A_551 = arith.muli %arg1, %mul3A_550 : i32
    %mul3A_552 = arith.constant 10112 : i32
    %mul3A_553 = arith.muli %arg0, %mul3A_552 : i32
    %mul3A_554 = arith.constant 632 : i32
    %mul3A_555 = arith.muli %arg1, %mul3A_554 : i32
    %add3A = arith.addi %mul3A_553, %mul3A_555 : i32
    "tpu.region"() ({
      %run_scoped3A_556 = tpu.sem_alloc : memref<!tpu.dma_semaphore, #tpu.memory_space<semaphore_mem>>
      %dma_start3A_557 = arith.constant 0 : i32
      %dma_start3A_558 = tpu.memref_slice %arg4[%add3A, %dma_start3A_557] : memref<20224x64xf32, #tpu.memory_space<hbm>> -> memref<632x64xf32, #tpu.memory_space<hbm>>
      %dma_start3A_559 = arith.constant 0 : i32
      %dma_start3A_560 = tpu.memref_slice %arg8[%mul3A_551, %dma_start3A_559] : memref<10112x64xf32, #tpu.memory_space<vmem_shared>> -> memref<632x64xf32, #tpu.memory_space<vmem_shared>>
      tpu.enqueue_dma source(%dma_start3A_560 : memref<632x64xf32, #tpu.memory_space<vmem_shared>>) target(%dma_start3A_558 : memref<632x64xf32, #tpu.memory_space<hbm>>) target_semaphore(%run_scoped3A_556 : memref<!tpu.dma_semaphore, #tpu.memory_space<semaphore_mem>>)
      %dma_wait3A_561 = arith.constant 0 : i32
      %dma_wait3A_562 = tpu.memref_slice %arg4[%add3A, %dma_wait3A_561] : memref<20224x64xf32, #tpu.memory_space<hbm>> -> memref<632x64xf32, #tpu.memory_space<hbm>>
      %dma_wait3A_563 = arith.constant 0 : i32
      %dma_wait3A_564 = tpu.memref_slice %arg8[%mul3A_551, %dma_wait3A_563] : memref<10112x64xf32, #tpu.memory_space<vmem_shared>> -> memref<632x64xf32, #tpu.memory_space<vmem_shared>>
      tpu.wait_dma2 semaphore(%run_scoped3A_556 : memref<!tpu.dma_semaphore, #tpu.memory_space<semaphore_mem>>) src(%dma_wait3A_564 : memref<632x64xf32, #tpu.memory_space<vmem_shared>>) dst(%dma_wait3A_562 : memref<632x64xf32, #tpu.memory_space<hbm>>)
      tpu.yield
    }) : () -> ()
    return
  }
}

#map = affine_map<(d0, d1) -> (0, 0, 0)>
#map1 = affine_map<(d0, d1) -> (0)>
module attributes {stable_mosaic.version = 14 : i64} {
  func.func @_sc_degree_body(%arg0: i32, %arg1: i32, %arg2: memref<32x80x128xi32, #tpu.memory_space<hbm>>, %arg3: memref<20224xf32, #tpu.memory_space<hbm>>, %arg4: memref<80x128xi32, #tpu.memory_space<vmem>>, %arg5: memref<128xf32, #tpu.memory_space<vmem>>, %arg6: memref<632xf32, #tpu.memory_space<vmem>>, %arg7: memref<10112xf32, #tpu.memory_space<vmem_shared>>, %arg8: memref<!tpu.dma_semaphore, #tpu.memory_space<semaphore_mem>>) attributes {dimension_semantics = [#tpu.dimension_semantics<core_parallel>, #tpu.dimension_semantics<subcore_parallel>], iteration_bounds = array<i64: 2, 16>, scalar_prefetch = 0 : i64, scratch_operands = 5 : i64, tpu.core_type = #tpu.core_type<sc_vector_subcore>, window_params = [{transform_indices = #map}, {transform_indices = #map1}]} {
    %mul3A = arith.constant 16 : i32
    %mul3A_0 = arith.muli %arg0, %mul3A : i32
    %add3A = arith.addi %mul3A_0, %arg1 : i32
    "tpu.region"() ({
      %run_scoped3A = tpu.sem_alloc : memref<!tpu.dma_semaphore, #tpu.memory_space<semaphore_mem>>
      %dma_start3A = arith.constant 0 : i32
      %dma_start3A_76 = arith.constant 0 : i32
      %dma_start3A_77 = tpu.memref_slice %arg2[%add3A, %dma_start3A, %dma_start3A_76] : memref<32x80x128xi32, #tpu.memory_space<hbm>> -> memref<1x80x128xi32, #tpu.memory_space<hbm>>
      %dma_start3A_78 = tpu.memref_squeeze %dma_start3A_77 : memref<1x80x128xi32, #tpu.memory_space<hbm>> -> memref<80x128xi32, #tpu.memory_space<hbm>>
      %dma_start3A_79 = arith.constant 0 : i32
      %dma_start3A_80 = arith.constant 0 : i32
      %dma_start3A_81 = tpu.memref_slice %arg2[%add3A, %dma_start3A_79, %dma_start3A_80] : memref<32x80x128xi32, #tpu.memory_space<hbm>> -> memref<1x80x128xi32, #tpu.memory_space<hbm>>
      %dma_start3A_82 = tpu.memref_squeeze %dma_start3A_81 : memref<1x80x128xi32, #tpu.memory_space<hbm>> -> memref<80x128xi32, #tpu.memory_space<hbm>>
      tpu.enqueue_dma source(%dma_start3A_82 : memref<80x128xi32, #tpu.memory_space<hbm>>) target(%arg4 : memref<80x128xi32, #tpu.memory_space<vmem>>) target_semaphore(%run_scoped3A : memref<!tpu.dma_semaphore, #tpu.memory_space<semaphore_mem>>)
      %dma_wait3A = arith.constant 0 : i32
      %dma_wait3A_83 = arith.constant 0 : i32
      %dma_wait3A_84 = tpu.memref_slice %arg2[%add3A, %dma_wait3A, %dma_wait3A_83] : memref<32x80x128xi32, #tpu.memory_space<hbm>> -> memref<1x80x128xi32, #tpu.memory_space<hbm>>
      %dma_wait3A_85 = tpu.memref_squeeze %dma_wait3A_84 : memref<1x80x128xi32, #tpu.memory_space<hbm>> -> memref<80x128xi32, #tpu.memory_space<hbm>>
      %dma_wait3A_86 = arith.constant 0 : i32
      %dma_wait3A_87 = arith.constant 0 : i32
      %dma_wait3A_88 = tpu.memref_slice %arg2[%add3A, %dma_wait3A_86, %dma_wait3A_87] : memref<32x80x128xi32, #tpu.memory_space<hbm>> -> memref<1x80x128xi32, #tpu.memory_space<hbm>>
      %dma_wait3A_89 = tpu.memref_squeeze %dma_wait3A_88 : memref<1x80x128xi32, #tpu.memory_space<hbm>> -> memref<80x128xi32, #tpu.memory_space<hbm>>
      tpu.wait_dma2 semaphore(%run_scoped3A : memref<!tpu.dma_semaphore, #tpu.memory_space<semaphore_mem>>) src(%dma_wait3A_89 : memref<80x128xi32, #tpu.memory_space<hbm>>) dst(%arg4 : memref<80x128xi32, #tpu.memory_space<vmem>>)
      tpu.yield
    }) : () -> ()
    %broadcast_in_dim3A = arith.constant 1.000000e+00 : f32
    %broadcast_in_dim3A_1 = vector.broadcast %broadcast_in_dim3A : f32 to vector<16xf32>
    %swap3A = arith.constant 0 : index
    %swap3A_2 = tpu.vector_load %arg5[%swap3A] {strides = array<i32>} : memref<128xf32, #tpu.memory_space<vmem>>, vector<16xf32>,
    %swap3A_3 = vector.shape_cast %swap3A_2 : vector<16xf32> to vector<16xf32>
    %swap3A_4 = vector.shape_cast %broadcast_in_dim3A_1 : vector<16xf32> to vector<16xf32>
    tpu.vector_store %arg5[%swap3A], %swap3A_4 {strides = array<i32>} : memref<128xf32, #tpu.memory_space<vmem>>, vector<16xf32>,
    %broadcast_in_dim3A_5 = arith.constant 1.000000e+00 : f32
    %broadcast_in_dim3A_6 = vector.broadcast %broadcast_in_dim3A_5 : f32 to vector<16xf32>
    %swap3A_7 = arith.constant 16 : index
    %swap3A_8 = tpu.vector_load %arg5[%swap3A_7] {strides = array<i32>} : memref<128xf32, #tpu.memory_space<vmem>>, vector<16xf32>,
    %swap3A_9 = vector.shape_cast %swap3A_8 : vector<16xf32> to vector<16xf32>
    %swap3A_10 = vector.shape_cast %broadcast_in_dim3A_6 : vector<16xf32> to vector<16xf32>
    tpu.vector_store %arg5[%swap3A_7], %swap3A_10 {strides = array<i32>} : memref<128xf32, #tpu.memory_space<vmem>>, vector<16xf32>,
    %broadcast_in_dim3A_11 = arith.constant 1.000000e+00 : f32
    %broadcast_in_dim3A_12 = vector.broadcast %broadcast_in_dim3A_11 : f32 to vector<16xf32>
    %swap3A_13 = arith.constant 32 : index
    %swap3A_14 = tpu.vector_load %arg5[%swap3A_13] {strides = array<i32>} : memref<128xf32, #tpu.memory_space<vmem>>, vector<16xf32>,
    %swap3A_15 = vector.shape_cast %swap3A_14 : vector<16xf32> to vector<16xf32>
    %swap3A_16 = vector.shape_cast %broadcast_in_dim3A_12 : vector<16xf32> to vector<16xf32>
    tpu.vector_store %arg5[%swap3A_13], %swap3A_16 {strides = array<i32>} : memref<128xf32, #tpu.memory_space<vmem>>, vector<16xf32>,
    %broadcast_in_dim3A_17 = arith.constant 1.000000e+00 : f32
    %broadcast_in_dim3A_18 = vector.broadcast %broadcast_in_dim3A_17 : f32 to vector<16xf32>
    %swap3A_19 = arith.constant 48 : index
    %swap3A_20 = tpu.vector_load %arg5[%swap3A_19] {strides = array<i32>} : memref<128xf32, #tpu.memory_space<vmem>>, vector<16xf32>,
    %swap3A_21 = vector.shape_cast %swap3A_20 : vector<16xf32> to vector<16xf32>
    %swap3A_22 = vector.shape_cast %broadcast_in_dim3A_18 : vector<16xf32> to vector<16xf32>
    tpu.vector_store %arg5[%swap3A_19], %swap3A_22 {strides = array<i32>} : memref<128xf32, #tpu.memory_space<vmem>>, vector<16xf32>,
    %broadcast_in_dim3A_23 = arith.constant 1.000000e+00 : f32
    %broadcast_in_dim3A_24 = vector.broadcast %broadcast_in_dim3A_23 : f32 to vector<16xf32>
    %swap3A_25 = arith.constant 64 : index
    %swap3A_26 = tpu.vector_load %arg5[%swap3A_25] {strides = array<i32>} : memref<128xf32, #tpu.memory_space<vmem>>, vector<16xf32>,
    %swap3A_27 = vector.shape_cast %swap3A_26 : vector<16xf32> to vector<16xf32>
    %swap3A_28 = vector.shape_cast %broadcast_in_dim3A_24 : vector<16xf32> to vector<16xf32>
    tpu.vector_store %arg5[%swap3A_25], %swap3A_28 {strides = array<i32>} : memref<128xf32, #tpu.memory_space<vmem>>, vector<16xf32>,
    %broadcast_in_dim3A_29 = arith.constant 1.000000e+00 : f32
    %broadcast_in_dim3A_30 = vector.broadcast %broadcast_in_dim3A_29 : f32 to vector<16xf32>
    %swap3A_31 = arith.constant 80 : index
    %swap3A_32 = tpu.vector_load %arg5[%swap3A_31] {strides = array<i32>} : memref<128xf32, #tpu.memory_space<vmem>>, vector<16xf32>,
    %swap3A_33 = vector.shape_cast %swap3A_32 : vector<16xf32> to vector<16xf32>
    %swap3A_34 = vector.shape_cast %broadcast_in_dim3A_30 : vector<16xf32> to vector<16xf32>
    tpu.vector_store %arg5[%swap3A_31], %swap3A_34 {strides = array<i32>} : memref<128xf32, #tpu.memory_space<vmem>>, vector<16xf32>,
    %broadcast_in_dim3A_35 = arith.constant 1.000000e+00 : f32
    %broadcast_in_dim3A_36 = vector.broadcast %broadcast_in_dim3A_35 : f32 to vector<16xf32>
    %swap3A_37 = arith.constant 96 : index
    %swap3A_38 = tpu.vector_load %arg5[%swap3A_37] {strides = array<i32>} : memref<128xf32, #tpu.memory_space<vmem>>, vector<16xf32>,
    %swap3A_39 = vector.shape_cast %swap3A_38 : vector<16xf32> to vector<16xf32>
    %swap3A_40 = vector.shape_cast %broadcast_in_dim3A_36 : vector<16xf32> to vector<16xf32>
    tpu.vector_store %arg5[%swap3A_37], %swap3A_40 {strides = array<i32>} : memref<128xf32, #tpu.memory_space<vmem>>, vector<16xf32>,
    %broadcast_in_dim3A_41 = arith.constant 1.000000e+00 : f32
    %broadcast_in_dim3A_42 = vector.broadcast %broadcast_in_dim3A_41 : f32 to vector<16xf32>
    %swap3A_43 = arith.constant 112 : index
    %swap3A_44 = tpu.vector_load %arg5[%swap3A_43] {strides = array<i32>} : memref<128xf32, #tpu.memory_space<vmem>>, vector<16xf32>,
    %swap3A_45 = vector.shape_cast %swap3A_44 : vector<16xf32> to vector<16xf32>
    %swap3A_46 = vector.shape_cast %broadcast_in_dim3A_42 : vector<16xf32> to vector<16xf32>
    tpu.vector_store %arg5[%swap3A_43], %swap3A_46 {strides = array<i32>} : memref<128xf32, #tpu.memory_space<vmem>>, vector<16xf32>,
    %scan3A = arith.constant 0 : i32
    %scan3A_47 = arith.constant 0 : i32
    %scan3A_48 = arith.constant 39 : i32
    %scan3A_49 = arith.addi %scan3A_47, %scan3A_48 : i32
    %scan3A_50 = arith.constant 1 : i32
    %scan3A_51 = scf.for %scan3A_76 = %scan3A_47 to %scan3A_49 step %scan3A_50 iter_args(%scan3A_77 = %scan3A) -> (i32)  : i32 {
      %broadcast_in_dim3A_78 = arith.constant 0.000000e+00 : f32
      %broadcast_in_dim3A_79 = vector.broadcast %broadcast_in_dim3A_78 : f32 to vector<16xf32>
      %mul3A_80 = arith.constant 16 : i32
      %mul3A_81 = arith.muli %scan3A_76, %mul3A_80 : i32
      %swap3A_82 = arith.index_cast %mul3A_81 : i32 to index
      %swap3A_83 = tpu.vector_load %arg6[%swap3A_82] {strides = array<i32>} : memref<632xf32, #tpu.memory_space<vmem>>, vector<16xf32>,
      %swap3A_84 = vector.shape_cast %swap3A_83 : vector<16xf32> to vector<16xf32>
      %swap3A_85 = vector.shape_cast %broadcast_in_dim3A_79 : vector<16xf32> to vector<16xf32>
      tpu.vector_store %arg6[%swap3A_82], %swap3A_85 {strides = array<i32>} : memref<632xf32, #tpu.memory_space<vmem>>, vector<16xf32>,
      %scan3A_86 = arith.constant 0 : i32
      scf.yield %scan3A_86 : i32
    }
    %scan3A_52 = arith.constant 39 : i32
    %broadcast_in_dim3A_53 = arith.constant 0.000000e+00 : f32
    %broadcast_in_dim3A_54 = vector.broadcast %broadcast_in_dim3A_53 : f32 to vector<16xf32>
    %swap3A_55 = arith.constant 616 : index
    %swap3A_56 = tpu.vector_load %arg6[%swap3A_55] {strides = array<i32>} : memref<632xf32, #tpu.memory_space<vmem>>, vector<16xf32>,
    %swap3A_57 = vector.shape_cast %swap3A_56 : vector<16xf32> to vector<16xf32>
    %swap3A_58 = vector.shape_cast %broadcast_in_dim3A_54 : vector<16xf32> to vector<16xf32>
    tpu.vector_store %arg6[%swap3A_55], %swap3A_58 {strides = array<i32>} : memref<632xf32, #tpu.memory_space<vmem>>, vector<16xf32>,
    %mul3A_59 = arith.constant 632 : i32
    %mul3A_60 = arith.muli %arg1, %mul3A_59 : i32
    "tpu.region"() ({
      %run_scoped3A = tpu.sem_alloc : memref<!tpu.dma_semaphore, #tpu.memory_space<semaphore_mem>>
      %dma_start3A = tpu.memref_slice %arg7[%mul3A_60] : memref<10112xf32, #tpu.memory_space<vmem_shared>> -> memref<632xf32, #tpu.memory_space<vmem_shared>>
      %dma_start3A_76 = tpu.memref_slice %arg7[%mul3A_60] : memref<10112xf32, #tpu.memory_space<vmem_shared>> -> memref<632xf32, #tpu.memory_space<vmem_shared>>
      tpu.enqueue_dma source(%arg6 : memref<632xf32, #tpu.memory_space<vmem>>) target(%dma_start3A_76 : memref<632xf32, #tpu.memory_space<vmem_shared>>) target_semaphore(%run_scoped3A : memref<!tpu.dma_semaphore, #tpu.memory_space<semaphore_mem>>)
      %dma_wait3A = tpu.memref_slice %arg7[%mul3A_60] : memref<10112xf32, #tpu.memory_space<vmem_shared>> -> memref<632xf32, #tpu.memory_space<vmem_shared>>
      %dma_wait3A_77 = tpu.memref_slice %arg7[%mul3A_60] : memref<10112xf32, #tpu.memory_space<vmem_shared>> -> memref<632xf32, #tpu.memory_space<vmem_shared>>
      tpu.wait_dma2 semaphore(%run_scoped3A : memref<!tpu.dma_semaphore, #tpu.memory_space<semaphore_mem>>) src(%arg6 : memref<632xf32, #tpu.memory_space<vmem>>) dst(%dma_wait3A_77 : memref<632xf32, #tpu.memory_space<vmem_shared>>)
      tpu.yield
    }) : () -> ()
    %barrier3A = arith.constant 0 : index
    tpu.barrier barrier_id(%barrier3A)
    %scan3A_61 = arith.constant 0 : i32
    %scan3A_62 = arith.constant 0 : i32
    %scan3A_63 = arith.constant 10 : i32
    %scan3A_64 = arith.addi %scan3A_62, %scan3A_63 : i32
    %scan3A_65 = arith.constant 1 : i32
    %scan3A_66 = scf.for %scan3A_76 = %scan3A_62 to %scan3A_64 step %scan3A_65 iter_args(%scan3A_77 = %scan3A_61) -> (i32)  : i32 {
      %mul3A_78 = arith.constant 8 : i32
      %mul3A_79 = arith.muli %scan3A_76, %mul3A_78 : i32
      %add3A_80 = arith.constant 0 : i32
      %add3A_81 = arith.addi %mul3A_79, %add3A_80 : i32
      %dma_start3A = arith.constant 0 : i32
      %dma_start3A_82 = tpu.memref_slice %arg4[%add3A_81, %dma_start3A] : memref<80x128xi32, #tpu.memory_space<vmem>> -> memref<1x128xi32, #tpu.memory_space<vmem>>
      %dma_start3A_83 = tpu.memref_squeeze %dma_start3A_82 : memref<1x128xi32, #tpu.memory_space<vmem>> -> memref<128xi32, #tpu.memory_space<vmem>>
      %dma_start3A_84 = arith.constant 0 : i32
      %dma_start3A_85 = tpu.memref_slice %arg7[%dma_start3A_84] : memref<10112xf32, #tpu.memory_space<vmem_shared>> -> memref<10112xf32, #tpu.memory_space<vmem_shared>>
      tpu.enqueue_indirect_dma source(%arg5 : memref<128xf32, #tpu.memory_space<vmem>>) target(%dma_start3A_85 : memref<10112xf32, #tpu.memory_space<vmem_shared>>) offsets(%dma_start3A_83 : memref<128xi32, #tpu.memory_space<vmem>>) semaphore(%arg8 : memref<!tpu.dma_semaphore, #tpu.memory_space<semaphore_mem>>) {add = true}
      %mul3A_86 = arith.constant 8 : i32
      %mul3A_87 = arith.muli %scan3A_76, %mul3A_86 : i32
      %add3A_88 = arith.constant 1 : i32
      %add3A_89 = arith.addi %mul3A_87, %add3A_88 : i32
      %dma_start3A_90 = arith.constant 0 : i32
      %dma_start3A_91 = tpu.memref_slice %arg4[%add3A_89, %dma_start3A_90] : memref<80x128xi32, #tpu.memory_space<vmem>> -> memref<1x128xi32, #tpu.memory_space<vmem>>
      %dma_start3A_92 = tpu.memref_squeeze %dma_start3A_91 : memref<1x128xi32, #tpu.memory_space<vmem>> -> memref<128xi32, #tpu.memory_space<vmem>>
      %dma_start3A_93 = arith.constant 0 : i32
      %dma_start3A_94 = tpu.memref_slice %arg7[%dma_start3A_93] : memref<10112xf32, #tpu.memory_space<vmem_shared>> -> memref<10112xf32, #tpu.memory_space<vmem_shared>>
      tpu.enqueue_indirect_dma source(%arg5 : memref<128xf32, #tpu.memory_space<vmem>>) target(%dma_start3A_94 : memref<10112xf32, #tpu.memory_space<vmem_shared>>) offsets(%dma_start3A_92 : memref<128xi32, #tpu.memory_space<vmem>>) semaphore(%arg8 : memref<!tpu.dma_semaphore, #tpu.memory_space<semaphore_mem>>) {add = true}
      %mul3A_95 = arith.constant 8 : i32
      %mul3A_96 = arith.muli %scan3A_76, %mul3A_95 : i32
      %add3A_97 = arith.constant 2 : i32
      %add3A_98 = arith.addi %mul3A_96, %add3A_97 : i32
      %dma_start3A_99 = arith.constant 0 : i32
      %dma_start3A_100 = tpu.memref_slice %arg4[%add3A_98, %dma_start3A_99] : memref<80x128xi32, #tpu.memory_space<vmem>> -> memref<1x128xi32, #tpu.memory_space<vmem>>
      %dma_start3A_101 = tpu.memref_squeeze %dma_start3A_100 : memref<1x128xi32, #tpu.memory_space<vmem>> -> memref<128xi32, #tpu.memory_space<vmem>>
      %dma_start3A_102 = arith.constant 0 : i32
      %dma_start3A_103 = tpu.memref_slice %arg7[%dma_start3A_102] : memref<10112xf32, #tpu.memory_space<vmem_shared>> -> memref<10112xf32, #tpu.memory_space<vmem_shared>>
      tpu.enqueue_indirect_dma source(%arg5 : memref<128xf32, #tpu.memory_space<vmem>>) target(%dma_start3A_103 : memref<10112xf32, #tpu.memory_space<vmem_shared>>) offsets(%dma_start3A_101 : memref<128xi32, #tpu.memory_space<vmem>>) semaphore(%arg8 : memref<!tpu.dma_semaphore, #tpu.memory_space<semaphore_mem>>) {add = true}
      %mul3A_104 = arith.constant 8 : i32
      %mul3A_105 = arith.muli %scan3A_76, %mul3A_104 : i32
      %add3A_106 = arith.constant 3 : i32
      %add3A_107 = arith.addi %mul3A_105, %add3A_106 : i32
      %dma_start3A_108 = arith.constant 0 : i32
      %dma_start3A_109 = tpu.memref_slice %arg4[%add3A_107, %dma_start3A_108] : memref<80x128xi32, #tpu.memory_space<vmem>> -> memref<1x128xi32, #tpu.memory_space<vmem>>
      %dma_start3A_110 = tpu.memref_squeeze %dma_start3A_109 : memref<1x128xi32, #tpu.memory_space<vmem>> -> memref<128xi32, #tpu.memory_space<vmem>>
      %dma_start3A_111 = arith.constant 0 : i32
      %dma_start3A_112 = tpu.memref_slice %arg7[%dma_start3A_111] : memref<10112xf32, #tpu.memory_space<vmem_shared>> -> memref<10112xf32, #tpu.memory_space<vmem_shared>>
      tpu.enqueue_indirect_dma source(%arg5 : memref<128xf32, #tpu.memory_space<vmem>>) target(%dma_start3A_112 : memref<10112xf32, #tpu.memory_space<vmem_shared>>) offsets(%dma_start3A_110 : memref<128xi32, #tpu.memory_space<vmem>>) semaphore(%arg8 : memref<!tpu.dma_semaphore, #tpu.memory_space<semaphore_mem>>) {add = true}
      %mul3A_113 = arith.constant 8 : i32
      %mul3A_114 = arith.muli %scan3A_76, %mul3A_113 : i32
      %add3A_115 = arith.constant 4 : i32
      %add3A_116 = arith.addi %mul3A_114, %add3A_115 : i32
      %dma_start3A_117 = arith.constant 0 : i32
      %dma_start3A_118 = tpu.memref_slice %arg4[%add3A_116, %dma_start3A_117] : memref<80x128xi32, #tpu.memory_space<vmem>> -> memref<1x128xi32, #tpu.memory_space<vmem>>
      %dma_start3A_119 = tpu.memref_squeeze %dma_start3A_118 : memref<1x128xi32, #tpu.memory_space<vmem>> -> memref<128xi32, #tpu.memory_space<vmem>>
      %dma_start3A_120 = arith.constant 0 : i32
      %dma_start3A_121 = tpu.memref_slice %arg7[%dma_start3A_120] : memref<10112xf32, #tpu.memory_space<vmem_shared>> -> memref<10112xf32, #tpu.memory_space<vmem_shared>>
      tpu.enqueue_indirect_dma source(%arg5 : memref<128xf32, #tpu.memory_space<vmem>>) target(%dma_start3A_121 : memref<10112xf32, #tpu.memory_space<vmem_shared>>) offsets(%dma_start3A_119 : memref<128xi32, #tpu.memory_space<vmem>>) semaphore(%arg8 : memref<!tpu.dma_semaphore, #tpu.memory_space<semaphore_mem>>) {add = true}
      %mul3A_122 = arith.constant 8 : i32
      %mul3A_123 = arith.muli %scan3A_76, %mul3A_122 : i32
      %add3A_124 = arith.constant 5 : i32
      %add3A_125 = arith.addi %mul3A_123, %add3A_124 : i32
      %dma_start3A_126 = arith.constant 0 : i32
      %dma_start3A_127 = tpu.memref_slice %arg4[%add3A_125, %dma_start3A_126] : memref<80x128xi32, #tpu.memory_space<vmem>> -> memref<1x128xi32, #tpu.memory_space<vmem>>
      %dma_start3A_128 = tpu.memref_squeeze %dma_start3A_127 : memref<1x128xi32, #tpu.memory_space<vmem>> -> memref<128xi32, #tpu.memory_space<vmem>>
      %dma_start3A_129 = arith.constant 0 : i32
      %dma_start3A_130 = tpu.memref_slice %arg7[%dma_start3A_129] : memref<10112xf32, #tpu.memory_space<vmem_shared>> -> memref<10112xf32, #tpu.memory_space<vmem_shared>>
      tpu.enqueue_indirect_dma source(%arg5 : memref<128xf32, #tpu.memory_space<vmem>>) target(%dma_start3A_130 : memref<10112xf32, #tpu.memory_space<vmem_shared>>) offsets(%dma_start3A_128 : memref<128xi32, #tpu.memory_space<vmem>>) semaphore(%arg8 : memref<!tpu.dma_semaphore, #tpu.memory_space<semaphore_mem>>) {add = true}
      %mul3A_131 = arith.constant 8 : i32
      %mul3A_132 = arith.muli %scan3A_76, %mul3A_131 : i32
      %add3A_133 = arith.constant 6 : i32
      %add3A_134 = arith.addi %mul3A_132, %add3A_133 : i32
      %dma_start3A_135 = arith.constant 0 : i32
      %dma_start3A_136 = tpu.memref_slice %arg4[%add3A_134, %dma_start3A_135] : memref<80x128xi32, #tpu.memory_space<vmem>> -> memref<1x128xi32, #tpu.memory_space<vmem>>
      %dma_start3A_137 = tpu.memref_squeeze %dma_start3A_136 : memref<1x128xi32, #tpu.memory_space<vmem>> -> memref<128xi32, #tpu.memory_space<vmem>>
      %dma_start3A_138 = arith.constant 0 : i32
      %dma_start3A_139 = tpu.memref_slice %arg7[%dma_start3A_138] : memref<10112xf32, #tpu.memory_space<vmem_shared>> -> memref<10112xf32, #tpu.memory_space<vmem_shared>>
      tpu.enqueue_indirect_dma source(%arg5 : memref<128xf32, #tpu.memory_space<vmem>>) target(%dma_start3A_139 : memref<10112xf32, #tpu.memory_space<vmem_shared>>) offsets(%dma_start3A_137 : memref<128xi32, #tpu.memory_space<vmem>>) semaphore(%arg8 : memref<!tpu.dma_semaphore, #tpu.memory_space<semaphore_mem>>) {add = true}
      %mul3A_140 = arith.constant 8 : i32
      %mul3A_141 = arith.muli %scan3A_76, %mul3A_140 : i32
      %add3A_142 = arith.constant 7 : i32
      %add3A_143 = arith.addi %mul3A_141, %add3A_142 : i32
      %dma_start3A_144 = arith.constant 0 : i32
      %dma_start3A_145 = tpu.memref_slice %arg4[%add3A_143, %dma_start3A_144] : memref<80x128xi32, #tpu.memory_space<vmem>> -> memref<1x128xi32, #tpu.memory_space<vmem>>
      %dma_start3A_146 = tpu.memref_squeeze %dma_start3A_145 : memref<1x128xi32, #tpu.memory_space<vmem>> -> memref<128xi32, #tpu.memory_space<vmem>>
      %dma_start3A_147 = arith.constant 0 : i32
      %dma_start3A_148 = tpu.memref_slice %arg7[%dma_start3A_147] : memref<10112xf32, #tpu.memory_space<vmem_shared>> -> memref<10112xf32, #tpu.memory_space<vmem_shared>>
      tpu.enqueue_indirect_dma source(%arg5 : memref<128xf32, #tpu.memory_space<vmem>>) target(%dma_start3A_148 : memref<10112xf32, #tpu.memory_space<vmem_shared>>) offsets(%dma_start3A_146 : memref<128xi32, #tpu.memory_space<vmem>>) semaphore(%arg8 : memref<!tpu.dma_semaphore, #tpu.memory_space<semaphore_mem>>) {add = true}
      %dma_wait3A = arith.constant 0 : i32
      %dma_wait3A_149 = tpu.memref_slice %arg4[%add3A_81, %dma_wait3A] : memref<80x128xi32, #tpu.memory_space<vmem>> -> memref<1x128xi32, #tpu.memory_space<vmem>>
      %dma_wait3A_150 = tpu.memref_squeeze %dma_wait3A_149 : memref<1x128xi32, #tpu.memory_space<vmem>> -> memref<128xi32, #tpu.memory_space<vmem>>
      %dma_wait3A_151 = arith.constant 0 : i32
      %dma_wait3A_152 = tpu.memref_slice %arg7[%dma_wait3A_151] : memref<10112xf32, #tpu.memory_space<vmem_shared>> -> memref<10112xf32, #tpu.memory_space<vmem_shared>>
      tpu.wait_indirect_dma semaphore(%arg8 : memref<!tpu.dma_semaphore, #tpu.memory_space<semaphore_mem>>) src(%arg5 : memref<128xf32, #tpu.memory_space<vmem>>) dst(%dma_wait3A_152 : memref<10112xf32, #tpu.memory_space<vmem_shared>>)
      %dma_wait3A_153 = arith.constant 0 : i32
      %dma_wait3A_154 = tpu.memref_slice %arg4[%add3A_89, %dma_wait3A_153] : memref<80x128xi32, #tpu.memory_space<vmem>> -> memref<1x128xi32, #tpu.memory_space<vmem>>
      %dma_wait3A_155 = tpu.memref_squeeze %dma_wait3A_154 : memref<1x128xi32, #tpu.memory_space<vmem>> -> memref<128xi32, #tpu.memory_space<vmem>>
      %dma_wait3A_156 = arith.constant 0 : i32
      %dma_wait3A_157 = tpu.memref_slice %arg7[%dma_wait3A_156] : memref<10112xf32, #tpu.memory_space<vmem_shared>> -> memref<10112xf32, #tpu.memory_space<vmem_shared>>
      tpu.wait_indirect_dma semaphore(%arg8 : memref<!tpu.dma_semaphore, #tpu.memory_space<semaphore_mem>>) src(%arg5 : memref<128xf32, #tpu.memory_space<vmem>>) dst(%dma_wait3A_157 : memref<10112xf32, #tpu.memory_space<vmem_shared>>)
      %dma_wait3A_158 = arith.constant 0 : i32
      %dma_wait3A_159 = tpu.memref_slice %arg4[%add3A_98, %dma_wait3A_158] : memref<80x128xi32, #tpu.memory_space<vmem>> -> memref<1x128xi32, #tpu.memory_space<vmem>>
      %dma_wait3A_160 = tpu.memref_squeeze %dma_wait3A_159 : memref<1x128xi32, #tpu.memory_space<vmem>> -> memref<128xi32, #tpu.memory_space<vmem>>
      %dma_wait3A_161 = arith.constant 0 : i32
      %dma_wait3A_162 = tpu.memref_slice %arg7[%dma_wait3A_161] : memref<10112xf32, #tpu.memory_space<vmem_shared>> -> memref<10112xf32, #tpu.memory_space<vmem_shared>>
      tpu.wait_indirect_dma semaphore(%arg8 : memref<!tpu.dma_semaphore, #tpu.memory_space<semaphore_mem>>) src(%arg5 : memref<128xf32, #tpu.memory_space<vmem>>) dst(%dma_wait3A_162 : memref<10112xf32, #tpu.memory_space<vmem_shared>>)
      %dma_wait3A_163 = arith.constant 0 : i32
      %dma_wait3A_164 = tpu.memref_slice %arg4[%add3A_107, %dma_wait3A_163] : memref<80x128xi32, #tpu.memory_space<vmem>> -> memref<1x128xi32, #tpu.memory_space<vmem>>
      %dma_wait3A_165 = tpu.memref_squeeze %dma_wait3A_164 : memref<1x128xi32, #tpu.memory_space<vmem>> -> memref<128xi32, #tpu.memory_space<vmem>>
      %dma_wait3A_166 = arith.constant 0 : i32
      %dma_wait3A_167 = tpu.memref_slice %arg7[%dma_wait3A_166] : memref<10112xf32, #tpu.memory_space<vmem_shared>> -> memref<10112xf32, #tpu.memory_space<vmem_shared>>
      tpu.wait_indirect_dma semaphore(%arg8 : memref<!tpu.dma_semaphore, #tpu.memory_space<semaphore_mem>>) src(%arg5 : memref<128xf32, #tpu.memory_space<vmem>>) dst(%dma_wait3A_167 : memref<10112xf32, #tpu.memory_space<vmem_shared>>)
      %dma_wait3A_168 = arith.constant 0 : i32
      %dma_wait3A_169 = tpu.memref_slice %arg4[%add3A_116, %dma_wait3A_168] : memref<80x128xi32, #tpu.memory_space<vmem>> -> memref<1x128xi32, #tpu.memory_space<vmem>>
      %dma_wait3A_170 = tpu.memref_squeeze %dma_wait3A_169 : memref<1x128xi32, #tpu.memory_space<vmem>> -> memref<128xi32, #tpu.memory_space<vmem>>
      %dma_wait3A_171 = arith.constant 0 : i32
      %dma_wait3A_172 = tpu.memref_slice %arg7[%dma_wait3A_171] : memref<10112xf32, #tpu.memory_space<vmem_shared>> -> memref<10112xf32, #tpu.memory_space<vmem_shared>>
      tpu.wait_indirect_dma semaphore(%arg8 : memref<!tpu.dma_semaphore, #tpu.memory_space<semaphore_mem>>) src(%arg5 : memref<128xf32, #tpu.memory_space<vmem>>) dst(%dma_wait3A_172 : memref<10112xf32, #tpu.memory_space<vmem_shared>>)
      %dma_wait3A_173 = arith.constant 0 : i32
      %dma_wait3A_174 = tpu.memref_slice %arg4[%add3A_125, %dma_wait3A_173] : memref<80x128xi32, #tpu.memory_space<vmem>> -> memref<1x128xi32, #tpu.memory_space<vmem>>
      %dma_wait3A_175 = tpu.memref_squeeze %dma_wait3A_174 : memref<1x128xi32, #tpu.memory_space<vmem>> -> memref<128xi32, #tpu.memory_space<vmem>>
      %dma_wait3A_176 = arith.constant 0 : i32
      %dma_wait3A_177 = tpu.memref_slice %arg7[%dma_wait3A_176] : memref<10112xf32, #tpu.memory_space<vmem_shared>> -> memref<10112xf32, #tpu.memory_space<vmem_shared>>
      tpu.wait_indirect_dma semaphore(%arg8 : memref<!tpu.dma_semaphore, #tpu.memory_space<semaphore_mem>>) src(%arg5 : memref<128xf32, #tpu.memory_space<vmem>>) dst(%dma_wait3A_177 : memref<10112xf32, #tpu.memory_space<vmem_shared>>)
      %dma_wait3A_178 = arith.constant 0 : i32
      %dma_wait3A_179 = tpu.memref_slice %arg4[%add3A_134, %dma_wait3A_178] : memref<80x128xi32, #tpu.memory_space<vmem>> -> memref<1x128xi32, #tpu.memory_space<vmem>>
      %dma_wait3A_180 = tpu.memref_squeeze %dma_wait3A_179 : memref<1x128xi32, #tpu.memory_space<vmem>> -> memref<128xi32, #tpu.memory_space<vmem>>
      %dma_wait3A_181 = arith.constant 0 : i32
      %dma_wait3A_182 = tpu.memref_slice %arg7[%dma_wait3A_181] : memref<10112xf32, #tpu.memory_space<vmem_shared>> -> memref<10112xf32, #tpu.memory_space<vmem_shared>>
      tpu.wait_indirect_dma semaphore(%arg8 : memref<!tpu.dma_semaphore, #tpu.memory_space<semaphore_mem>>) src(%arg5 : memref<128xf32, #tpu.memory_space<vmem>>) dst(%dma_wait3A_182 : memref<10112xf32, #tpu.memory_space<vmem_shared>>)
      %dma_wait3A_183 = arith.constant 0 : i32
      %dma_wait3A_184 = tpu.memref_slice %arg4[%add3A_143, %dma_wait3A_183] : memref<80x128xi32, #tpu.memory_space<vmem>> -> memref<1x128xi32, #tpu.memory_space<vmem>>
      %dma_wait3A_185 = tpu.memref_squeeze %dma_wait3A_184 : memref<1x128xi32, #tpu.memory_space<vmem>> -> memref<128xi32, #tpu.memory_space<vmem>>
      %dma_wait3A_186 = arith.constant 0 : i32
      %dma_wait3A_187 = tpu.memref_slice %arg7[%dma_wait3A_186] : memref<10112xf32, #tpu.memory_space<vmem_shared>> -> memref<10112xf32, #tpu.memory_space<vmem_shared>>
      tpu.wait_indirect_dma semaphore(%arg8 : memref<!tpu.dma_semaphore, #tpu.memory_space<semaphore_mem>>) src(%arg5 : memref<128xf32, #tpu.memory_space<vmem>>) dst(%dma_wait3A_187 : memref<10112xf32, #tpu.memory_space<vmem_shared>>)
      %scan3A_188 = arith.constant 0 : i32
      scf.yield %scan3A_188 : i32
    }
    %scan3A_67 = arith.constant 10 : i32
    %barrier3A_68 = arith.constant 0 : index
    tpu.barrier barrier_id(%barrier3A_68)
    %mul3A_69 = arith.constant 632 : i32
    %mul3A_70 = arith.muli %arg1, %mul3A_69 : i32
    "tpu.region"() ({
      %run_scoped3A = tpu.sem_alloc : memref<!tpu.dma_semaphore, #tpu.memory_space<semaphore_mem>>
      %dma_start3A = tpu.memref_slice %arg7[%mul3A_70] : memref<10112xf32, #tpu.memory_space<vmem_shared>> -> memref<632xf32, #tpu.memory_space<vmem_shared>>
      %dma_start3A_76 = tpu.memref_slice %arg7[%mul3A_70] : memref<10112xf32, #tpu.memory_space<vmem_shared>> -> memref<632xf32, #tpu.memory_space<vmem_shared>>
      tpu.enqueue_dma source(%dma_start3A_76 : memref<632xf32, #tpu.memory_space<vmem_shared>>) target(%arg6 : memref<632xf32, #tpu.memory_space<vmem>>) target_semaphore(%run_scoped3A : memref<!tpu.dma_semaphore, #tpu.memory_space<semaphore_mem>>)
      %dma_wait3A = tpu.memref_slice %arg7[%mul3A_70] : memref<10112xf32, #tpu.memory_space<vmem_shared>> -> memref<632xf32, #tpu.memory_space<vmem_shared>>
      %dma_wait3A_77 = tpu.memref_slice %arg7[%mul3A_70] : memref<10112xf32, #tpu.memory_space<vmem_shared>> -> memref<632xf32, #tpu.memory_space<vmem_shared>>
      tpu.wait_dma2 semaphore(%run_scoped3A : memref<!tpu.dma_semaphore, #tpu.memory_space<semaphore_mem>>) src(%dma_wait3A_77 : memref<632xf32, #tpu.memory_space<vmem_shared>>) dst(%arg6 : memref<632xf32, #tpu.memory_space<vmem>>)
      tpu.yield
    }) : () -> ()
    %mul3A_71 = arith.constant 10112 : i32
    %mul3A_72 = arith.muli %arg0, %mul3A_71 : i32
    %mul3A_73 = arith.constant 632 : i32
    %mul3A_74 = arith.muli %arg1, %mul3A_73 : i32
    %add3A_75 = arith.addi %mul3A_72, %mul3A_74 : i32
    "tpu.region"() ({
      %run_scoped3A = tpu.sem_alloc : memref<!tpu.dma_semaphore, #tpu.memory_space<semaphore_mem>>
      %dma_start3A = tpu.memref_slice %arg3[%add3A_75] : memref<20224xf32, #tpu.memory_space<hbm>> -> memref<632xf32, #tpu.memory_space<hbm>>
      %dma_start3A_76 = tpu.memref_slice %arg3[%add3A_75] : memref<20224xf32, #tpu.memory_space<hbm>> -> memref<632xf32, #tpu.memory_space<hbm>>
      tpu.enqueue_dma source(%arg6 : memref<632xf32, #tpu.memory_space<vmem>>) target(%dma_start3A_76 : memref<632xf32, #tpu.memory_space<hbm>>) target_semaphore(%run_scoped3A : memref<!tpu.dma_semaphore, #tpu.memory_space<semaphore_mem>>)
      %dma_wait3A = tpu.memref_slice %arg3[%add3A_75] : memref<20224xf32, #tpu.memory_space<hbm>> -> memref<632xf32, #tpu.memory_space<hbm>>
      %dma_wait3A_77 = tpu.memref_slice %arg3[%add3A_75] : memref<20224xf32, #tpu.memory_space<hbm>> -> memref<632xf32, #tpu.memory_space<hbm>>
      tpu.wait_dma2 semaphore(%run_scoped3A : memref<!tpu.dma_semaphore, #tpu.memory_space<semaphore_mem>>) src(%arg6 : memref<632xf32, #tpu.memory_space<vmem>>) dst(%dma_wait3A_77 : memref<632xf32, #tpu.memory_space<hbm>>)
      tpu.yield
    }) : () -> ()
    return
  }
}

#map = affine_map<(d0, d1) -> (0, 0)>
module attributes {stable_mosaic.version = 14 : i64} {
  func.func @scatter(%arg0: i32, %arg1: i32, %arg2: memref<2x320000xi32, #tpu.memory_space<hbm>>, %arg3: memref<20224x24xf32, #tpu.memory_space<hbm>>, %arg4: memref<20224x24xf32, #tpu.memory_space<hbm>>, %arg5: memref<20000xi32, #tpu.memory_space<vmem>>, %arg6: memref<20000xi32, #tpu.memory_space<vmem>>, %arg7: memref<4x160x24xf32, #tpu.memory_space<vmem>>, %arg8: memref<10112x24xf32, #tpu.memory_space<vmem_shared>>, %arg9: memref<!tpu.dma_semaphore, #tpu.memory_space<semaphore_mem>>, %arg10: memref<!tpu.dma_semaphore, #tpu.memory_space<semaphore_mem>>, %arg11: memref<!tpu.dma_semaphore, #tpu.memory_space<semaphore_mem>>, %arg12: memref<!tpu.dma_semaphore, #tpu.memory_space<semaphore_mem>>, %arg13: memref<!tpu.dma_semaphore, #tpu.memory_space<semaphore_mem>>, %arg14: memref<!tpu.dma_semaphore, #tpu.memory_space<semaphore_mem>>, %arg15: memref<!tpu.dma_semaphore, #tpu.memory_space<semaphore_mem>>, %arg16: memref<!tpu.dma_semaphore, #tpu.memory_space<semaphore_mem>>, %arg17: memref<!tpu.dma_semaphore, #tpu.memory_space<semaphore_mem>>, %arg18: memref<!tpu.dma_semaphore, #tpu.memory_space<semaphore_mem>>, %arg19: memref<!tpu.dma_semaphore, #tpu.memory_space<semaphore_mem>>) attributes {dimension_semantics = [#tpu.dimension_semantics<core_parallel>, #tpu.dimension_semantics<subcore_parallel>], iteration_bounds = array<i64: 2, 16>, scalar_prefetch = 0 : i64, scratch_operands = 15 : i64, tpu.core_type = #tpu.core_type<sc_vector_subcore>, window_params = [{transform_indices = #map}, {transform_indices = #map}, {transform_indices = #map}]} {
    %mul3A = arith.constant 20000 : i32
    %mul3A_0 = arith.muli %arg1, %mul3A : i32
    %run_scoped3A = arith.constant 0 : i32
    "tpu.region"() ({
      %run_scoped3A_396 = tpu.sem_alloc : memref<!tpu.dma_semaphore, #tpu.memory_space<semaphore_mem>>
      %dma_start3A_397 = tpu.memref_slice %arg2[%run_scoped3A, %mul3A_0] : memref<2x320000xi32, #tpu.memory_space<hbm>> -> memref<1x20000xi32, #tpu.memory_space<hbm>>
      %dma_start3A_398 = tpu.memref_squeeze %dma_start3A_397 : memref<1x20000xi32, #tpu.memory_space<hbm>> -> memref<20000xi32, #tpu.memory_space<hbm>>
      %dma_start3A_399 = tpu.memref_slice %arg2[%run_scoped3A, %mul3A_0] : memref<2x320000xi32, #tpu.memory_space<hbm>> -> memref<1x20000xi32, #tpu.memory_space<hbm>>
      %dma_start3A_400 = tpu.memref_squeeze %dma_start3A_399 : memref<1x20000xi32, #tpu.memory_space<hbm>> -> memref<20000xi32, #tpu.memory_space<hbm>>
      tpu.enqueue_dma source(%dma_start3A_400 : memref<20000xi32, #tpu.memory_space<hbm>>) target(%arg5 : memref<20000xi32, #tpu.memory_space<vmem>>) target_semaphore(%run_scoped3A_396 : memref<!tpu.dma_semaphore, #tpu.memory_space<semaphore_mem>>)
      %dma_wait3A_401 = tpu.memref_slice %arg2[%run_scoped3A, %mul3A_0] : memref<2x320000xi32, #tpu.memory_space<hbm>> -> memref<1x20000xi32, #tpu.memory_space<hbm>>
      %dma_wait3A_402 = tpu.memref_squeeze %dma_wait3A_401 : memref<1x20000xi32, #tpu.memory_space<hbm>> -> memref<20000xi32, #tpu.memory_space<hbm>>
      %dma_wait3A_403 = tpu.memref_slice %arg2[%run_scoped3A, %mul3A_0] : memref<2x320000xi32, #tpu.memory_space<hbm>> -> memref<1x20000xi32, #tpu.memory_space<hbm>>
      %dma_wait3A_404 = tpu.memref_squeeze %dma_wait3A_403 : memref<1x20000xi32, #tpu.memory_space<hbm>> -> memref<20000xi32, #tpu.memory_space<hbm>>
      tpu.wait_dma2 semaphore(%run_scoped3A_396 : memref<!tpu.dma_semaphore, #tpu.memory_space<semaphore_mem>>) src(%dma_wait3A_404 : memref<20000xi32, #tpu.memory_space<hbm>>) dst(%arg5 : memref<20000xi32, #tpu.memory_space<vmem>>)
      tpu.yield
    }) : () -> ()
    %mul3A_1 = arith.constant 20000 : i32
    %mul3A_2 = arith.muli %arg1, %mul3A_1 : i32
    %run_scoped3A_3 = arith.constant 1 : i32
    "tpu.region"() ({
      %run_scoped3A_396 = tpu.sem_alloc : memref<!tpu.dma_semaphore, #tpu.memory_space<semaphore_mem>>
      %dma_start3A_397 = tpu.memref_slice %arg2[%run_scoped3A_3, %mul3A_2] : memref<2x320000xi32, #tpu.memory_space<hbm>> -> memref<1x20000xi32, #tpu.memory_space<hbm>>
      %dma_start3A_398 = tpu.memref_squeeze %dma_start3A_397 : memref<1x20000xi32, #tpu.memory_space<hbm>> -> memref<20000xi32, #tpu.memory_space<hbm>>
      %dma_start3A_399 = tpu.memref_slice %arg2[%run_scoped3A_3, %mul3A_2] : memref<2x320000xi32, #tpu.memory_space<hbm>> -> memref<1x20000xi32, #tpu.memory_space<hbm>>
      %dma_start3A_400 = tpu.memref_squeeze %dma_start3A_399 : memref<1x20000xi32, #tpu.memory_space<hbm>> -> memref<20000xi32, #tpu.memory_space<hbm>>
      tpu.enqueue_dma source(%dma_start3A_400 : memref<20000xi32, #tpu.memory_space<hbm>>) target(%arg6 : memref<20000xi32, #tpu.memory_space<vmem>>) target_semaphore(%run_scoped3A_396 : memref<!tpu.dma_semaphore, #tpu.memory_space<semaphore_mem>>)
      %dma_wait3A_401 = tpu.memref_slice %arg2[%run_scoped3A_3, %mul3A_2] : memref<2x320000xi32, #tpu.memory_space<hbm>> -> memref<1x20000xi32, #tpu.memory_space<hbm>>
      %dma_wait3A_402 = tpu.memref_squeeze %dma_wait3A_401 : memref<1x20000xi32, #tpu.memory_space<hbm>> -> memref<20000xi32, #tpu.memory_space<hbm>>
      %dma_wait3A_403 = tpu.memref_slice %arg2[%run_scoped3A_3, %mul3A_2] : memref<2x320000xi32, #tpu.memory_space<hbm>> -> memref<1x20000xi32, #tpu.memory_space<hbm>>
      %dma_wait3A_404 = tpu.memref_squeeze %dma_wait3A_403 : memref<1x20000xi32, #tpu.memory_space<hbm>> -> memref<20000xi32, #tpu.memory_space<hbm>>
      tpu.wait_dma2 semaphore(%run_scoped3A_396 : memref<!tpu.dma_semaphore, #tpu.memory_space<semaphore_mem>>) src(%dma_wait3A_404 : memref<20000xi32, #tpu.memory_space<hbm>>) dst(%arg6 : memref<20000xi32, #tpu.memory_space<vmem>>)
      tpu.yield
    }) : () -> ()
    %mul3A_4 = arith.constant 10112 : i32
    %mul3A_5 = arith.muli %arg0, %mul3A_4 : i32
    %scan3A = arith.constant 0 : i32
    %scan3A_6 = arith.constant 0 : i32
    %scan3A_7 = arith.constant 1250 : i32
    %scan3A_8 = arith.addi %scan3A_6, %scan3A_7 : i32
    %scan3A_9 = arith.constant 1 : i32
    %scan3A_10 = scf.for %scan3A_396 = %scan3A_6 to %scan3A_8 step %scan3A_9 iter_args(%scan3A_397 = %scan3A) -> (i32)  : i32 {
      %mul3A_398 = arith.constant 16 : i32
      %mul3A_399 = arith.muli %scan3A_396, %mul3A_398 : i32
      %get3A = arith.index_cast %mul3A_399 : i32 to index
      %get3A_400 = tpu.vector_load %arg5[%get3A] {strides = array<i32>} : memref<20000xi32, #tpu.memory_space<vmem>>, vector<16xi32>,
      %get3A_401 = vector.shape_cast %get3A_400 : vector<16xi32> to vector<16xi32>
      %add3A_402 = vector.broadcast %mul3A_5 : i32 to vector<16xi32>
      %add3A_403 = arith.addi %get3A_401, %add3A_402 : vector<16xi32>
      %mul3A_404 = arith.constant 16 : i32
      %mul3A_405 = arith.muli %scan3A_396, %mul3A_404 : i32
      %swap3A_406 = arith.index_cast %mul3A_405 : i32 to index
      %swap3A_407 = tpu.vector_load %arg5[%swap3A_406] {strides = array<i32>} : memref<20000xi32, #tpu.memory_space<vmem>>, vector<16xi32>,
      %swap3A_408 = vector.shape_cast %swap3A_407 : vector<16xi32> to vector<16xi32>
      %swap3A_409 = vector.shape_cast %add3A_403 : vector<16xi32> to vector<16xi32>
      tpu.vector_store %arg5[%swap3A_406], %swap3A_409 {strides = array<i32>} : memref<20000xi32, #tpu.memory_space<vmem>>, vector<16xi32>,
      %scan3A_410 = arith.constant 0 : i32
      scf.yield %scan3A_410 : i32
    }
    %scan3A_11 = arith.constant 1250 : i32
    %broadcast_in_dim3A = arith.constant 0.000000e+00 : f32
    %broadcast_in_dim3A_12 = vector.broadcast %broadcast_in_dim3A : f32 to vector<16xf32>
    %swap3A = arith.constant 0 : i32
    %swap3A_13 = arith.constant 0 : i32
    %swap3A_14 = arith.index_cast %swap3A : i32 to index
    %swap3A_15 = arith.index_cast %swap3A_13 : i32 to index
    %swap3A_16 = arith.constant 0 : index
    %swap3A_17 = tpu.vector_load %arg7[%swap3A_14, %swap3A_15, %swap3A_16] {strides = array<i32>} : memref<4x160x24xf32, #tpu.memory_space<vmem>>, vector<1x1x16xf32>,
    %swap3A_18 = vector.shape_cast %swap3A_17 : vector<1x1x16xf32> to vector<16xf32>
    %swap3A_19 = vector.shape_cast %broadcast_in_dim3A_12 : vector<16xf32> to vector<1x1x16xf32>
    tpu.vector_store %arg7[%swap3A_14, %swap3A_15, %swap3A_16], %swap3A_19 {strides = array<i32>} : memref<4x160x24xf32, #tpu.memory_space<vmem>>, vector<1x1x16xf32>,
    %broadcast_in_dim3A_20 = arith.constant 0.000000e+00 : f32
    %broadcast_in_dim3A_21 = vector.broadcast %broadcast_in_dim3A_20 : f32 to vector<16xf32>
    %swap3A_22 = arith.constant 0 : i32
    %swap3A_23 = arith.constant 0 : i32
    %swap3A_24 = arith.index_cast %swap3A_22 : i32 to index
    %swap3A_25 = arith.index_cast %swap3A_23 : i32 to index
    %swap3A_26 = arith.constant 8 : index
    %swap3A_27 = tpu.vector_load %arg7[%swap3A_24, %swap3A_25, %swap3A_26] {strides = array<i32>} : memref<4x160x24xf32, #tpu.memory_space<vmem>>, vector<1x1x16xf32>,
    %swap3A_28 = vector.shape_cast %swap3A_27 : vector<1x1x16xf32> to vector<16xf32>
    %swap3A_29 = vector.shape_cast %broadcast_in_dim3A_21 : vector<16xf32> to vector<1x1x16xf32>
    tpu.vector_store %arg7[%swap3A_24, %swap3A_25, %swap3A_26], %swap3A_29 {strides = array<i32>} : memref<4x160x24xf32, #tpu.memory_space<vmem>>, vector<1x1x16xf32>,
    %broadcast_in_dim3A_30 = arith.constant 0.000000e+00 : f32
    %broadcast_in_dim3A_31 = vector.broadcast %broadcast_in_dim3A_30 : f32 to vector<16xf32>
    %swap3A_32 = arith.constant 0 : i32
    %swap3A_33 = arith.constant 1 : i32
    %swap3A_34 = arith.index_cast %swap3A_32 : i32 to index
    %swap3A_35 = arith.index_cast %swap3A_33 : i32 to index
    %swap3A_36 = arith.constant 0 : index
    %swap3A_37 = tpu.vector_load %arg7[%swap3A_34, %swap3A_35, %swap3A_36] {strides = array<i32>} : memref<4x160x24xf32, #tpu.memory_space<vmem>>, vector<1x1x16xf32>,
    %swap3A_38 = vector.shape_cast %swap3A_37 : vector<1x1x16xf32> to vector<16xf32>
    %swap3A_39 = vector.shape_cast %broadcast_in_dim3A_31 : vector<16xf32> to vector<1x1x16xf32>
    tpu.vector_store %arg7[%swap3A_34, %swap3A_35, %swap3A_36], %swap3A_39 {strides = array<i32>} : memref<4x160x24xf32, #tpu.memory_space<vmem>>, vector<1x1x16xf32>,
    %broadcast_in_dim3A_40 = arith.constant 0.000000e+00 : f32
    %broadcast_in_dim3A_41 = vector.broadcast %broadcast_in_dim3A_40 : f32 to vector<16xf32>
    %swap3A_42 = arith.constant 0 : i32
    %swap3A_43 = arith.constant 1 : i32
    %swap3A_44 = arith.index_cast %swap3A_42 : i32 to index
    %swap3A_45 = arith.index_cast %swap3A_43 : i32 to index
    %swap3A_46 = arith.constant 8 : index
    %swap3A_47 = tpu.vector_load %arg7[%swap3A_44, %swap3A_45, %swap3A_46] {strides = array<i32>} : memref<4x160x24xf32, #tpu.memory_space<vmem>>, vector<1x1x16xf32>,
    %swap3A_48 = vector.shape_cast %swap3A_47 : vector<1x1x16xf32> to vector<16xf32>
    %swap3A_49 = vector.shape_cast %broadcast_in_dim3A_41 : vector<16xf32> to vector<1x1x16xf32>
    tpu.vector_store %arg7[%swap3A_44, %swap3A_45, %swap3A_46], %swap3A_49 {strides = array<i32>} : memref<4x160x24xf32, #tpu.memory_space<vmem>>, vector<1x1x16xf32>,
    %broadcast_in_dim3A_50 = arith.constant 0.000000e+00 : f32
    %broadcast_in_dim3A_51 = vector.broadcast %broadcast_in_dim3A_50 : f32 to vector<16xf32>
    %swap3A_52 = arith.constant 0 : i32
    %swap3A_53 = arith.constant 2 : i32
    %swap3A_54 = arith.index_cast %swap3A_52 : i32 to index
    %swap3A_55 = arith.index_cast %swap3A_53 : i32 to index
    %swap3A_56 = arith.constant 0 : index
    %swap3A_57 = tpu.vector_load %arg7[%swap3A_54, %swap3A_55, %swap3A_56] {strides = array<i32>} : memref<4x160x24xf32, #tpu.memory_space<vmem>>, vector<1x1x16xf32>,
    %swap3A_58 = vector.shape_cast %swap3A_57 : vector<1x1x16xf32> to vector<16xf32>
    %swap3A_59 = vector.shape_cast %broadcast_in_dim3A_51 : vector<16xf32> to vector<1x1x16xf32>
    tpu.vector_store %arg7[%swap3A_54, %swap3A_55, %swap3A_56], %swap3A_59 {strides = array<i32>} : memref<4x160x24xf32, #tpu.memory_space<vmem>>, vector<1x1x16xf32>,
    %broadcast_in_dim3A_60 = arith.constant 0.000000e+00 : f32
    %broadcast_in_dim3A_61 = vector.broadcast %broadcast_in_dim3A_60 : f32 to vector<16xf32>
    %swap3A_62 = arith.constant 0 : i32
    %swap3A_63 = arith.constant 2 : i32
    %swap3A_64 = arith.index_cast %swap3A_62 : i32 to index
    %swap3A_65 = arith.index_cast %swap3A_63 : i32 to index
    %swap3A_66 = arith.constant 8 : index
    %swap3A_67 = tpu.vector_load %arg7[%swap3A_64, %swap3A_65, %swap3A_66] {strides = array<i32>} : memref<4x160x24xf32, #tpu.memory_space<vmem>>, vector<1x1x16xf32>,
    %swap3A_68 = vector.shape_cast %swap3A_67 : vector<1x1x16xf32> to vector<16xf32>
    %swap3A_69 = vector.shape_cast %broadcast_in_dim3A_61 : vector<16xf32> to vector<1x1x16xf32>
    tpu.vector_store %arg7[%swap3A_64, %swap3A_65, %swap3A_66], %swap3A_69 {strides = array<i32>} : memref<4x160x24xf32, #tpu.memory_space<vmem>>, vector<1x1x16xf32>,
    %broadcast_in_dim3A_70 = arith.constant 0.000000e+00 : f32
    %broadcast_in_dim3A_71 = vector.broadcast %broadcast_in_dim3A_70 : f32 to vector<16xf32>
    %swap3A_72 = arith.constant 0 : i32
    %swap3A_73 = arith.constant 3 : i32
    %swap3A_74 = arith.index_cast %swap3A_72 : i32 to index
    %swap3A_75 = arith.index_cast %swap3A_73 : i32 to index
    %swap3A_76 = arith.constant 0 : index
    %swap3A_77 = tpu.vector_load %arg7[%swap3A_74, %swap3A_75, %swap3A_76] {strides = array<i32>} : memref<4x160x24xf32, #tpu.memory_space<vmem>>, vector<1x1x16xf32>,
    %swap3A_78 = vector.shape_cast %swap3A_77 : vector<1x1x16xf32> to vector<16xf32>
    %swap3A_79 = vector.shape_cast %broadcast_in_dim3A_71 : vector<16xf32> to vector<1x1x16xf32>
    tpu.vector_store %arg7[%swap3A_74, %swap3A_75, %swap3A_76], %swap3A_79 {strides = array<i32>} : memref<4x160x24xf32, #tpu.memory_space<vmem>>, vector<1x1x16xf32>,
    %broadcast_in_dim3A_80 = arith.constant 0.000000e+00 : f32
    %broadcast_in_dim3A_81 = vector.broadcast %broadcast_in_dim3A_80 : f32 to vector<16xf32>
    %swap3A_82 = arith.constant 0 : i32
    %swap3A_83 = arith.constant 3 : i32
    %swap3A_84 = arith.index_cast %swap3A_82 : i32 to index
    %swap3A_85 = arith.index_cast %swap3A_83 : i32 to index
    %swap3A_86 = arith.constant 8 : index
    %swap3A_87 = tpu.vector_load %arg7[%swap3A_84, %swap3A_85, %swap3A_86] {strides = array<i32>} : memref<4x160x24xf32, #tpu.memory_space<vmem>>, vector<1x1x16xf32>,
    %swap3A_88 = vector.shape_cast %swap3A_87 : vector<1x1x16xf32> to vector<16xf32>
    %swap3A_89 = vector.shape_cast %broadcast_in_dim3A_81 : vector<16xf32> to vector<1x1x16xf32>
    tpu.vector_store %arg7[%swap3A_84, %swap3A_85, %swap3A_86], %swap3A_89 {strides = array<i32>} : memref<4x160x24xf32, #tpu.memory_space<vmem>>, vector<1x1x16xf32>,
    %broadcast_in_dim3A_90 = arith.constant 0.000000e+00 : f32
    %broadcast_in_dim3A_91 = vector.broadcast %broadcast_in_dim3A_90 : f32 to vector<16xf32>
    %swap3A_92 = arith.constant 0 : i32
    %swap3A_93 = arith.constant 4 : i32
    %swap3A_94 = arith.index_cast %swap3A_92 : i32 to index
    %swap3A_95 = arith.index_cast %swap3A_93 : i32 to index
    %swap3A_96 = arith.constant 0 : index
    %swap3A_97 = tpu.vector_load %arg7[%swap3A_94, %swap3A_95, %swap3A_96] {strides = array<i32>} : memref<4x160x24xf32, #tpu.memory_space<vmem>>, vector<1x1x16xf32>,
    %swap3A_98 = vector.shape_cast %swap3A_97 : vector<1x1x16xf32> to vector<16xf32>
    %swap3A_99 = vector.shape_cast %broadcast_in_dim3A_91 : vector<16xf32> to vector<1x1x16xf32>
    tpu.vector_store %arg7[%swap3A_94, %swap3A_95, %swap3A_96], %swap3A_99 {strides = array<i32>} : memref<4x160x24xf32, #tpu.memory_space<vmem>>, vector<1x1x16xf32>,
    %broadcast_in_dim3A_100 = arith.constant 0.000000e+00 : f32
    %broadcast_in_dim3A_101 = vector.broadcast %broadcast_in_dim3A_100 : f32 to vector<16xf32>
    %swap3A_102 = arith.constant 0 : i32
    %swap3A_103 = arith.constant 4 : i32
    %swap3A_104 = arith.index_cast %swap3A_102 : i32 to index
    %swap3A_105 = arith.index_cast %swap3A_103 : i32 to index
    %swap3A_106 = arith.constant 8 : index
    %swap3A_107 = tpu.vector_load %arg7[%swap3A_104, %swap3A_105, %swap3A_106] {strides = array<i32>} : memref<4x160x24xf32, #tpu.memory_space<vmem>>, vector<1x1x16xf32>,
    %swap3A_108 = vector.shape_cast %swap3A_107 : vector<1x1x16xf32> to vector<16xf32>
    %swap3A_109 = vector.shape_cast %broadcast_in_dim3A_101 : vector<16xf32> to vector<1x1x16xf32>
    tpu.vector_store %arg7[%swap3A_104, %swap3A_105, %swap3A_106], %swap3A_109 {strides = array<i32>} : memref<4x160x24xf32, #tpu.memory_space<vmem>>, vector<1x1x16xf32>,
    %broadcast_in_dim3A_110 = arith.constant 0.000000e+00 : f32
    %broadcast_in_dim3A_111 = vector.broadcast %broadcast_in_dim3A_110 : f32 to vector<16xf32>
    %swap3A_112 = arith.constant 0 : i32
    %swap3A_113 = arith.constant 5 : i32
    %swap3A_114 = arith.index_cast %swap3A_112 : i32 to index
    %swap3A_115 = arith.index_cast %swap3A_113 : i32 to index
    %swap3A_116 = arith.constant 0 : index
    %swap3A_117 = tpu.vector_load %arg7[%swap3A_114, %swap3A_115, %swap3A_116] {strides = array<i32>} : memref<4x160x24xf32, #tpu.memory_space<vmem>>, vector<1x1x16xf32>,
    %swap3A_118 = vector.shape_cast %swap3A_117 : vector<1x1x16xf32> to vector<16xf32>
    %swap3A_119 = vector.shape_cast %broadcast_in_dim3A_111 : vector<16xf32> to vector<1x1x16xf32>
    tpu.vector_store %arg7[%swap3A_114, %swap3A_115, %swap3A_116], %swap3A_119 {strides = array<i32>} : memref<4x160x24xf32, #tpu.memory_space<vmem>>, vector<1x1x16xf32>,
    %broadcast_in_dim3A_120 = arith.constant 0.000000e+00 : f32
    %broadcast_in_dim3A_121 = vector.broadcast %broadcast_in_dim3A_120 : f32 to vector<16xf32>
    %swap3A_122 = arith.constant 0 : i32
    %swap3A_123 = arith.constant 5 : i32
    %swap3A_124 = arith.index_cast %swap3A_122 : i32 to index
    %swap3A_125 = arith.index_cast %swap3A_123 : i32 to index
    %swap3A_126 = arith.constant 8 : index
    %swap3A_127 = tpu.vector_load %arg7[%swap3A_124, %swap3A_125, %swap3A_126] {strides = array<i32>} : memref<4x160x24xf32, #tpu.memory_space<vmem>>, vector<1x1x16xf32>,
    %swap3A_128 = vector.shape_cast %swap3A_127 : vector<1x1x16xf32> to vector<16xf32>
    %swap3A_129 = vector.shape_cast %broadcast_in_dim3A_121 : vector<16xf32> to vector<1x1x16xf32>
    tpu.vector_store %arg7[%swap3A_124, %swap3A_125, %swap3A_126], %swap3A_129 {strides = array<i32>} : memref<4x160x24xf32, #tpu.memory_space<vmem>>, vector<1x1x16xf32>,
    %broadcast_in_dim3A_130 = arith.constant 0.000000e+00 : f32
    %broadcast_in_dim3A_131 = vector.broadcast %broadcast_in_dim3A_130 : f32 to vector<16xf32>
    %swap3A_132 = arith.constant 0 : i32
    %swap3A_133 = arith.constant 6 : i32
    %swap3A_134 = arith.index_cast %swap3A_132 : i32 to index
    %swap3A_135 = arith.index_cast %swap3A_133 : i32 to index
    %swap3A_136 = arith.constant 0 : index
    %swap3A_137 = tpu.vector_load %arg7[%swap3A_134, %swap3A_135, %swap3A_136] {strides = array<i32>} : memref<4x160x24xf32, #tpu.memory_space<vmem>>, vector<1x1x16xf32>,
    %swap3A_138 = vector.shape_cast %swap3A_137 : vector<1x1x16xf32> to vector<16xf32>
    %swap3A_139 = vector.shape_cast %broadcast_in_dim3A_131 : vector<16xf32> to vector<1x1x16xf32>
    tpu.vector_store %arg7[%swap3A_134, %swap3A_135, %swap3A_136], %swap3A_139 {strides = array<i32>} : memref<4x160x24xf32, #tpu.memory_space<vmem>>, vector<1x1x16xf32>,
    %broadcast_in_dim3A_140 = arith.constant 0.000000e+00 : f32
    %broadcast_in_dim3A_141 = vector.broadcast %broadcast_in_dim3A_140 : f32 to vector<16xf32>
    %swap3A_142 = arith.constant 0 : i32
    %swap3A_143 = arith.constant 6 : i32
    %swap3A_144 = arith.index_cast %swap3A_142 : i32 to index
    %swap3A_145 = arith.index_cast %swap3A_143 : i32 to index
    %swap3A_146 = arith.constant 8 : index
    %swap3A_147 = tpu.vector_load %arg7[%swap3A_144, %swap3A_145, %swap3A_146] {strides = array<i32>} : memref<4x160x24xf32, #tpu.memory_space<vmem>>, vector<1x1x16xf32>,
    %swap3A_148 = vector.shape_cast %swap3A_147 : vector<1x1x16xf32> to vector<16xf32>
    %swap3A_149 = vector.shape_cast %broadcast_in_dim3A_141 : vector<16xf32> to vector<1x1x16xf32>
    tpu.vector_store %arg7[%swap3A_144, %swap3A_145, %swap3A_146], %swap3A_149 {strides = array<i32>} : memref<4x160x24xf32, #tpu.memory_space<vmem>>, vector<1x1x16xf32>,
    %broadcast_in_dim3A_150 = arith.constant 0.000000e+00 : f32
    %broadcast_in_dim3A_151 = vector.broadcast %broadcast_in_dim3A_150 : f32 to vector<16xf32>
    %swap3A_152 = arith.constant 0 : i32
    %swap3A_153 = arith.constant 7 : i32
    %swap3A_154 = arith.index_cast %swap3A_152 : i32 to index
    %swap3A_155 = arith.index_cast %swap3A_153 : i32 to index
    %swap3A_156 = arith.constant 0 : index
    %swap3A_157 = tpu.vector_load %arg7[%swap3A_154, %swap3A_155, %swap3A_156] {strides = array<i32>} : memref<4x160x24xf32, #tpu.memory_space<vmem>>, vector<1x1x16xf32>,
    %swap3A_158 = vector.shape_cast %swap3A_157 : vector<1x1x16xf32> to vector<16xf32>
    %swap3A_159 = vector.shape_cast %broadcast_in_dim3A_151 : vector<16xf32> to vector<1x1x16xf32>
    tpu.vector_store %arg7[%swap3A_154, %swap3A_155, %swap3A_156], %swap3A_159 {strides = array<i32>} : memref<4x160x24xf32, #tpu.memory_space<vmem>>, vector<1x1x16xf32>,
    %broadcast_in_dim3A_160 = arith.constant 0.000000e+00 : f32
    %broadcast_in_dim3A_161 = vector.broadcast %broadcast_in_dim3A_160 : f32 to vector<16xf32>
    %swap3A_162 = arith.constant 0 : i32
    %swap3A_163 = arith.constant 7 : i32
    %swap3A_164 = arith.index_cast %swap3A_162 : i32 to index
    %swap3A_165 = arith.index_cast %swap3A_163 : i32 to index
    %swap3A_166 = arith.constant 8 : index
    %swap3A_167 = tpu.vector_load %arg7[%swap3A_164, %swap3A_165, %swap3A_166] {strides = array<i32>} : memref<4x160x24xf32, #tpu.memory_space<vmem>>, vector<1x1x16xf32>,
    %swap3A_168 = vector.shape_cast %swap3A_167 : vector<1x1x16xf32> to vector<16xf32>
    %swap3A_169 = vector.shape_cast %broadcast_in_dim3A_161 : vector<16xf32> to vector<1x1x16xf32>
    tpu.vector_store %arg7[%swap3A_164, %swap3A_165, %swap3A_166], %swap3A_169 {strides = array<i32>} : memref<4x160x24xf32, #tpu.memory_space<vmem>>, vector<1x1x16xf32>,
    %scan3A_170 = arith.constant 0 : i32
    %scan3A_171 = arith.constant 0 : i32
    %scan3A_172 = arith.constant 79 : i32
    %scan3A_173 = arith.addi %scan3A_171, %scan3A_172 : i32
    %scan3A_174 = arith.constant 1 : i32
    %scan3A_175 = scf.for %scan3A_396 = %scan3A_171 to %scan3A_173 step %scan3A_174 iter_args(%scan3A_397 = %scan3A_170) -> (i32)  : i32 {
      %mul3A_398 = arith.constant 632 : i32
      %mul3A_399 = arith.muli %arg1, %mul3A_398 : i32
      %mul3A_400 = arith.constant 8 : i32
      %mul3A_401 = arith.muli %scan3A_396, %mul3A_400 : i32
      %add3A_402 = arith.addi %mul3A_399, %mul3A_401 : i32
      %dma_start3A_403 = arith.constant 0 : i32
      %dma_start3A_404 = arith.constant 0 : i32
      %dma_start3A_405 = arith.constant 0 : i32
      %dma_start3A_406 = tpu.memref_slice %arg7[%dma_start3A_403, %dma_start3A_404, %dma_start3A_405] : memref<4x160x24xf32, #tpu.memory_space<vmem>> -> memref<1x8x24xf32, #tpu.memory_space<vmem>>
      %dma_start3A_407 = tpu.memref_squeeze %dma_start3A_406 : memref<1x8x24xf32, #tpu.memory_space<vmem>> -> memref<8x24xf32, #tpu.memory_space<vmem>>
      %dma_start3A_408 = arith.constant 0 : i32
      %dma_start3A_409 = tpu.memref_slice %arg8[%add3A_402, %dma_start3A_408] : memref<10112x24xf32, #tpu.memory_space<vmem_shared>> -> memref<8x24xf32, #tpu.memory_space<vmem_shared>>
      %dma_start3A_410 = arith.constant 0 : i32
      %dma_start3A_411 = tpu.memref_slice %arg8[%add3A_402, %dma_start3A_410] : memref<10112x24xf32, #tpu.memory_space<vmem_shared>> -> memref<8x24xf32, #tpu.memory_space<vmem_shared>>
      %dma_start3A_412 = arith.constant 0 : i32
      %dma_start3A_413 = arith.constant 0 : i32
      %dma_start3A_414 = tpu.memref_slice %arg7[%dma_start3A_403, %dma_start3A_412, %dma_start3A_413] : memref<4x160x24xf32, #tpu.memory_space<vmem>> -> memref<1x8x24xf32, #tpu.memory_space<vmem>>
      %dma_start3A_415 = tpu.memref_squeeze %dma_start3A_414 : memref<1x8x24xf32, #tpu.memory_space<vmem>> -> memref<8x24xf32, #tpu.memory_space<vmem>>
      tpu.enqueue_dma source(%dma_start3A_415 : memref<8x24xf32, #tpu.memory_space<vmem>>) target(%dma_start3A_411 : memref<8x24xf32, #tpu.memory_space<vmem_shared>>) target_semaphore(%arg9 : memref<!tpu.dma_semaphore, #tpu.memory_space<semaphore_mem>>)
      %scan3A_416 = arith.constant 0 : i32
      scf.yield %scan3A_416 : i32
    }
    %scan3A_176 = arith.constant 79 : i32
    %scan3A_177 = arith.constant 0 : i32
    %scan3A_178 = arith.constant 0 : i32
    %scan3A_179 = arith.constant 79 : i32
    %scan3A_180 = arith.addi %scan3A_178, %scan3A_179 : i32
    %scan3A_181 = arith.constant 1 : i32
    %scan3A_182 = scf.for %scan3A_396 = %scan3A_178 to %scan3A_180 step %scan3A_181 iter_args(%scan3A_397 = %scan3A_177) -> (i32)  : i32 {
      %mul3A_398 = arith.constant 632 : i32
      %mul3A_399 = arith.muli %arg1, %mul3A_398 : i32
      %mul3A_400 = arith.constant 8 : i32
      %mul3A_401 = arith.muli %scan3A_396, %mul3A_400 : i32
      %add3A_402 = arith.addi %mul3A_399, %mul3A_401 : i32
      %dma_wait3A_403 = arith.constant 0 : i32
      %dma_wait3A_404 = arith.constant 0 : i32
      %dma_wait3A_405 = arith.constant 0 : i32
      %dma_wait3A_406 = tpu.memref_slice %arg7[%dma_wait3A_403, %dma_wait3A_404, %dma_wait3A_405] : memref<4x160x24xf32, #tpu.memory_space<vmem>> -> memref<1x8x24xf32, #tpu.memory_space<vmem>>
      %dma_wait3A_407 = tpu.memref_squeeze %dma_wait3A_406 : memref<1x8x24xf32, #tpu.memory_space<vmem>> -> memref<8x24xf32, #tpu.memory_space<vmem>>
      %dma_wait3A_408 = arith.constant 0 : i32
      %dma_wait3A_409 = tpu.memref_slice %arg8[%add3A_402, %dma_wait3A_408] : memref<10112x24xf32, #tpu.memory_space<vmem_shared>> -> memref<8x24xf32, #tpu.memory_space<vmem_shared>>
      %dma_wait3A_410 = arith.constant 0 : i32
      %dma_wait3A_411 = tpu.memref_slice %arg8[%add3A_402, %dma_wait3A_410] : memref<10112x24xf32, #tpu.memory_space<vmem_shared>> -> memref<8x24xf32, #tpu.memory_space<vmem_shared>>
      %dma_wait3A_412 = arith.constant 0 : i32
      %dma_wait3A_413 = arith.constant 0 : i32
      %dma_wait3A_414 = tpu.memref_slice %arg7[%dma_wait3A_403, %dma_wait3A_412, %dma_wait3A_413] : memref<4x160x24xf32, #tpu.memory_space<vmem>> -> memref<1x8x24xf32, #tpu.memory_space<vmem>>
      %dma_wait3A_415 = tpu.memref_squeeze %dma_wait3A_414 : memref<1x8x24xf32, #tpu.memory_space<vmem>> -> memref<8x24xf32, #tpu.memory_space<vmem>>
      tpu.wait_dma2 semaphore(%arg9 : memref<!tpu.dma_semaphore, #tpu.memory_space<semaphore_mem>>) src(%dma_wait3A_415 : memref<8x24xf32, #tpu.memory_space<vmem>>) dst(%dma_wait3A_411 : memref<8x24xf32, #tpu.memory_space<vmem_shared>>)
      %scan3A_416 = arith.constant 0 : i32
      scf.yield %scan3A_416 : i32
    }
    %scan3A_183 = arith.constant 79 : i32
    %barrier3A = arith.constant 0 : index
    tpu.barrier barrier_id(%barrier3A)
    %dma_start3A = arith.constant 0 : i32
    %dma_start3A_184 = arith.constant 0 : i32
    %dma_start3A_185 = arith.constant 0 : i32
    %dma_start3A_186 = tpu.memref_slice %arg7[%dma_start3A, %dma_start3A_184, %dma_start3A_185] : memref<4x160x24xf32, #tpu.memory_space<vmem>> -> memref<1x160x24xf32, #tpu.memory_space<vmem>>
    %dma_start3A_187 = tpu.memref_squeeze %dma_start3A_186 : memref<1x160x24xf32, #tpu.memory_space<vmem>> -> memref<160x24xf32, #tpu.memory_space<vmem>>
    %dma_start3A_188 = arith.constant 0 : i32
    %dma_start3A_189 = tpu.memref_slice %arg5[%dma_start3A_188] : memref<20000xi32, #tpu.memory_space<vmem>> -> memref<160xi32, #tpu.memory_space<vmem>>
    %dma_start3A_190 = arith.constant 0 : i32
    %dma_start3A_191 = arith.constant 0 : i32
    %dma_start3A_192 = tpu.memref_slice %arg3[%dma_start3A_190, %dma_start3A_191] : memref<20224x24xf32, #tpu.memory_space<hbm>> -> memref<20224x24xf32, #tpu.memory_space<hbm>>
    tpu.enqueue_indirect_dma source(%dma_start3A_192 : memref<20224x24xf32, #tpu.memory_space<hbm>>) target(%dma_start3A_187 : memref<160x24xf32, #tpu.memory_space<vmem>>) offsets(%dma_start3A_189 : memref<160xi32, #tpu.memory_space<vmem>>) semaphore(%arg10 : memref<!tpu.dma_semaphore, #tpu.memory_space<semaphore_mem>>)
    %dma_start3A_193 = arith.constant 1 : i32
    %dma_start3A_194 = arith.constant 0 : i32
    %dma_start3A_195 = arith.constant 0 : i32
    %dma_start3A_196 = tpu.memref_slice %arg7[%dma_start3A_193, %dma_start3A_194, %dma_start3A_195] : memref<4x160x24xf32, #tpu.memory_space<vmem>> -> memref<1x160x24xf32, #tpu.memory_space<vmem>>
    %dma_start3A_197 = tpu.memref_squeeze %dma_start3A_196 : memref<1x160x24xf32, #tpu.memory_space<vmem>> -> memref<160x24xf32, #tpu.memory_space<vmem>>
    %dma_start3A_198 = arith.constant 160 : i32
    %dma_start3A_199 = tpu.memref_slice %arg5[%dma_start3A_198] : memref<20000xi32, #tpu.memory_space<vmem>> -> memref<160xi32, #tpu.memory_space<vmem>>
    %dma_start3A_200 = arith.constant 0 : i32
    %dma_start3A_201 = arith.constant 0 : i32
    %dma_start3A_202 = tpu.memref_slice %arg3[%dma_start3A_200, %dma_start3A_201] : memref<20224x24xf32, #tpu.memory_space<hbm>> -> memref<20224x24xf32, #tpu.memory_space<hbm>>
    tpu.enqueue_indirect_dma source(%dma_start3A_202 : memref<20224x24xf32, #tpu.memory_space<hbm>>) target(%dma_start3A_197 : memref<160x24xf32, #tpu.memory_space<vmem>>) offsets(%dma_start3A_199 : memref<160xi32, #tpu.memory_space<vmem>>) semaphore(%arg11 : memref<!tpu.dma_semaphore, #tpu.memory_space<semaphore_mem>>)
    %dma_start3A_203 = arith.constant 2 : i32
    %dma_start3A_204 = arith.constant 0 : i32
    %dma_start3A_205 = arith.constant 0 : i32
    %dma_start3A_206 = tpu.memref_slice %arg7[%dma_start3A_203, %dma_start3A_204, %dma_start3A_205] : memref<4x160x24xf32, #tpu.memory_space<vmem>> -> memref<1x160x24xf32, #tpu.memory_space<vmem>>
    %dma_start3A_207 = tpu.memref_squeeze %dma_start3A_206 : memref<1x160x24xf32, #tpu.memory_space<vmem>> -> memref<160x24xf32, #tpu.memory_space<vmem>>
    %dma_start3A_208 = arith.constant 320 : i32
    %dma_start3A_209 = tpu.memref_slice %arg5[%dma_start3A_208] : memref<20000xi32, #tpu.memory_space<vmem>> -> memref<160xi32, #tpu.memory_space<vmem>>
    %dma_start3A_210 = arith.constant 0 : i32
    %dma_start3A_211 = arith.constant 0 : i32
    %dma_start3A_212 = tpu.memref_slice %arg3[%dma_start3A_210, %dma_start3A_211] : memref<20224x24xf32, #tpu.memory_space<hbm>> -> memref<20224x24xf32, #tpu.memory_space<hbm>>
    tpu.enqueue_indirect_dma source(%dma_start3A_212 : memref<20224x24xf32, #tpu.memory_space<hbm>>) target(%dma_start3A_207 : memref<160x24xf32, #tpu.memory_space<vmem>>) offsets(%dma_start3A_209 : memref<160xi32, #tpu.memory_space<vmem>>) semaphore(%arg12 : memref<!tpu.dma_semaphore, #tpu.memory_space<semaphore_mem>>)
    %dma_wait3A = arith.constant 0 : i32
    %dma_wait3A_213 = arith.constant 0 : i32
    %dma_wait3A_214 = arith.constant 0 : i32
    %dma_wait3A_215 = tpu.memref_slice %arg7[%dma_wait3A, %dma_wait3A_213, %dma_wait3A_214] : memref<4x160x24xf32, #tpu.memory_space<vmem>> -> memref<1x160x24xf32, #tpu.memory_space<vmem>>
    %dma_wait3A_216 = tpu.memref_squeeze %dma_wait3A_215 : memref<1x160x24xf32, #tpu.memory_space<vmem>> -> memref<160x24xf32, #tpu.memory_space<vmem>>
    %dma_wait3A_217 = arith.constant 0 : i32
    %dma_wait3A_218 = tpu.memref_slice %arg5[%dma_wait3A_217] : memref<20000xi32, #tpu.memory_space<vmem>> -> memref<160xi32, #tpu.memory_space<vmem>>
    %dma_wait3A_219 = arith.constant 0 : i32
    %dma_wait3A_220 = arith.constant 0 : i32
    %dma_wait3A_221 = tpu.memref_slice %arg3[%dma_wait3A_219, %dma_wait3A_220] : memref<20224x24xf32, #tpu.memory_space<hbm>> -> memref<20224x24xf32, #tpu.memory_space<hbm>>
    tpu.wait_indirect_dma semaphore(%arg10 : memref<!tpu.dma_semaphore, #tpu.memory_space<semaphore_mem>>) src(%dma_wait3A_221 : memref<20224x24xf32, #tpu.memory_space<hbm>>) dst(%dma_wait3A_216 : memref<160x24xf32, #tpu.memory_space<vmem>>)
    %dma_start3A_222 = arith.constant 0 : i32
    %dma_start3A_223 = arith.constant 0 : i32
    %dma_start3A_224 = arith.constant 0 : i32
    %dma_start3A_225 = tpu.memref_slice %arg7[%dma_start3A_222, %dma_start3A_223, %dma_start3A_224] : memref<4x160x24xf32, #tpu.memory_space<vmem>> -> memref<1x160x24xf32, #tpu.memory_space<vmem>>
    %dma_start3A_226 = tpu.memref_squeeze %dma_start3A_225 : memref<1x160x24xf32, #tpu.memory_space<vmem>> -> memref<160x24xf32, #tpu.memory_space<vmem>>
    %dma_start3A_227 = arith.constant 0 : i32
    %dma_start3A_228 = tpu.memref_slice %arg6[%dma_start3A_227] : memref<20000xi32, #tpu.memory_space<vmem>> -> memref<160xi32, #tpu.memory_space<vmem>>
    %dma_start3A_229 = arith.constant 0 : i32
    %dma_start3A_230 = arith.constant 0 : i32
    %dma_start3A_231 = tpu.memref_slice %arg8[%dma_start3A_229, %dma_start3A_230] : memref<10112x24xf32, #tpu.memory_space<vmem_shared>> -> memref<10112x24xf32, #tpu.memory_space<vmem_shared>>
    tpu.enqueue_indirect_dma source(%dma_start3A_226 : memref<160x24xf32, #tpu.memory_space<vmem>>) target(%dma_start3A_231 : memref<10112x24xf32, #tpu.memory_space<vmem_shared>>) offsets(%dma_start3A_228 : memref<160xi32, #tpu.memory_space<vmem>>) semaphore(%arg15 : memref<!tpu.dma_semaphore, #tpu.memory_space<semaphore_mem>>) {add = true}
    %dma_start3A_232 = arith.constant 3 : i32
    %dma_start3A_233 = arith.constant 0 : i32
    %dma_start3A_234 = arith.constant 0 : i32
    %dma_start3A_235 = tpu.memref_slice %arg7[%dma_start3A_232, %dma_start3A_233, %dma_start3A_234] : memref<4x160x24xf32, #tpu.memory_space<vmem>> -> memref<1x160x24xf32, #tpu.memory_space<vmem>>
    %dma_start3A_236 = tpu.memref_squeeze %dma_start3A_235 : memref<1x160x24xf32, #tpu.memory_space<vmem>> -> memref<160x24xf32, #tpu.memory_space<vmem>>
    %dma_start3A_237 = arith.constant 480 : i32
    %dma_start3A_238 = tpu.memref_slice %arg5[%dma_start3A_237] : memref<20000xi32, #tpu.memory_space<vmem>> -> memref<160xi32, #tpu.memory_space<vmem>>
    %dma_start3A_239 = arith.constant 0 : i32
    %dma_start3A_240 = arith.constant 0 : i32
    %dma_start3A_241 = tpu.memref_slice %arg3[%dma_start3A_239, %dma_start3A_240] : memref<20224x24xf32, #tpu.memory_space<hbm>> -> memref<20224x24xf32, #tpu.memory_space<hbm>>
    tpu.enqueue_indirect_dma source(%dma_start3A_241 : memref<20224x24xf32, #tpu.memory_space<hbm>>) target(%dma_start3A_236 : memref<160x24xf32, #tpu.memory_space<vmem>>) offsets(%dma_start3A_238 : memref<160xi32, #tpu.memory_space<vmem>>) semaphore(%arg13 : memref<!tpu.dma_semaphore, #tpu.memory_space<semaphore_mem>>)
    %scan3A_242 = arith.constant 0 : i32
    %scan3A_243 = arith.constant 0 : i32
    %scan3A_244 = arith.constant 30 : i32
    %scan3A_245 = arith.addi %scan3A_243, %scan3A_244 : i32
    %scan3A_246 = arith.constant 1 : i32
    %scan3A_247 = scf.for %scan3A_396 = %scan3A_243 to %scan3A_245 step %scan3A_246 iter_args(%scan3A_397 = %scan3A_242) -> (i32)  : i32 {
      %mul3A_398 = arith.constant 4 : i32
      %mul3A_399 = arith.muli %scan3A_396, %mul3A_398 : i32
      %add3A_400 = arith.constant 1 : i32
      %add3A_401 = arith.addi %add3A_400, %mul3A_399 : i32
      %add3A_402 = arith.constant 0 : i32
      %add3A_403 = arith.addi %add3A_401, %add3A_402 : i32
      %mul3A_404 = arith.constant 160 : i32
      %mul3A_405 = arith.muli %add3A_403, %mul3A_404 : i32
      %dma_wait3A_406 = arith.constant 1 : i32
      %dma_wait3A_407 = arith.constant 0 : i32
      %dma_wait3A_408 = arith.constant 0 : i32
      %dma_wait3A_409 = tpu.memref_slice %arg7[%dma_wait3A_406, %dma_wait3A_407, %dma_wait3A_408] : memref<4x160x24xf32, #tpu.memory_space<vmem>> -> memref<1x160x24xf32, #tpu.memory_space<vmem>>
      %dma_wait3A_410 = tpu.memref_squeeze %dma_wait3A_409 : memref<1x160x24xf32, #tpu.memory_space<vmem>> -> memref<160x24xf32, #tpu.memory_space<vmem>>
      %dma_wait3A_411 = tpu.memref_slice %arg5[%mul3A_405] : memref<20000xi32, #tpu.memory_space<vmem>> -> memref<160xi32, #tpu.memory_space<vmem>>
      %dma_wait3A_412 = arith.constant 0 : i32
      %dma_wait3A_413 = arith.constant 0 : i32
      %dma_wait3A_414 = tpu.memref_slice %arg3[%dma_wait3A_412, %dma_wait3A_413] : memref<20224x24xf32, #tpu.memory_space<hbm>> -> memref<20224x24xf32, #tpu.memory_space<hbm>>
      tpu.wait_indirect_dma semaphore(%arg11 : memref<!tpu.dma_semaphore, #tpu.memory_space<semaphore_mem>>) src(%dma_wait3A_414 : memref<20224x24xf32, #tpu.memory_space<hbm>>) dst(%dma_wait3A_410 : memref<160x24xf32, #tpu.memory_space<vmem>>)
      %mul3A_415 = arith.constant 160 : i32
      %mul3A_416 = arith.muli %add3A_403, %mul3A_415 : i32
      %dma_start3A_417 = arith.constant 1 : i32
      %dma_start3A_418 = arith.constant 0 : i32
      %dma_start3A_419 = arith.constant 0 : i32
      %dma_start3A_420 = tpu.memref_slice %arg7[%dma_start3A_417, %dma_start3A_418, %dma_start3A_419] : memref<4x160x24xf32, #tpu.memory_space<vmem>> -> memref<1x160x24xf32, #tpu.memory_space<vmem>>
      %dma_start3A_421 = tpu.memref_squeeze %dma_start3A_420 : memref<1x160x24xf32, #tpu.memory_space<vmem>> -> memref<160x24xf32, #tpu.memory_space<vmem>>
      %dma_start3A_422 = tpu.memref_slice %arg6[%mul3A_416] : memref<20000xi32, #tpu.memory_space<vmem>> -> memref<160xi32, #tpu.memory_space<vmem>>
      %dma_start3A_423 = arith.constant 0 : i32
      %dma_start3A_424 = arith.constant 0 : i32
      %dma_start3A_425 = tpu.memref_slice %arg8[%dma_start3A_423, %dma_start3A_424] : memref<10112x24xf32, #tpu.memory_space<vmem_shared>> -> memref<10112x24xf32, #tpu.memory_space<vmem_shared>>
      tpu.enqueue_indirect_dma source(%dma_start3A_421 : memref<160x24xf32, #tpu.memory_space<vmem>>) target(%dma_start3A_425 : memref<10112x24xf32, #tpu.memory_space<vmem_shared>>) offsets(%dma_start3A_422 : memref<160xi32, #tpu.memory_space<vmem>>) semaphore(%arg16 : memref<!tpu.dma_semaphore, #tpu.memory_space<semaphore_mem>>) {add = true}
      %sub3A = arith.constant 1 : i32
      %sub3A_426 = arith.subi %add3A_403, %sub3A : i32
      %mul3A_427 = arith.constant 160 : i32
      %mul3A_428 = arith.muli %sub3A_426, %mul3A_427 : i32
      %dma_wait3A_429 = arith.constant 0 : i32
      %dma_wait3A_430 = arith.constant 0 : i32
      %dma_wait3A_431 = arith.constant 0 : i32
      %dma_wait3A_432 = tpu.memref_slice %arg7[%dma_wait3A_429, %dma_wait3A_430, %dma_wait3A_431] : memref<4x160x24xf32, #tpu.memory_space<vmem>> -> memref<1x160x24xf32, #tpu.memory_space<vmem>>
      %dma_wait3A_433 = tpu.memref_squeeze %dma_wait3A_432 : memref<1x160x24xf32, #tpu.memory_space<vmem>> -> memref<160x24xf32, #tpu.memory_space<vmem>>
      %dma_wait3A_434 = tpu.memref_slice %arg6[%mul3A_428] : memref<20000xi32, #tpu.memory_space<vmem>> -> memref<160xi32, #tpu.memory_space<vmem>>
      %dma_wait3A_435 = arith.constant 0 : i32
      %dma_wait3A_436 = arith.constant 0 : i32
      %dma_wait3A_437 = tpu.memref_slice %arg8[%dma_wait3A_435, %dma_wait3A_436] : memref<10112x24xf32, #tpu.memory_space<vmem_shared>> -> memref<10112x24xf32, #tpu.memory_space<vmem_shared>>
      tpu.wait_indirect_dma semaphore(%arg15 : memref<!tpu.dma_semaphore, #tpu.memory_space<semaphore_mem>>) src(%dma_wait3A_433 : memref<160x24xf32, #tpu.memory_space<vmem>>) dst(%dma_wait3A_437 : memref<10112x24xf32, #tpu.memory_space<vmem_shared>>)
      %add3A_438 = arith.constant 3 : i32
      %add3A_439 = arith.addi %add3A_403, %add3A_438 : i32
      %mul3A_440 = arith.constant 160 : i32
      %mul3A_441 = arith.muli %add3A_439, %mul3A_440 : i32
      %dma_start3A_442 = arith.constant 0 : i32
      %dma_start3A_443 = arith.constant 0 : i32
      %dma_start3A_444 = arith.constant 0 : i32
      %dma_start3A_445 = tpu.memref_slice %arg7[%dma_start3A_442, %dma_start3A_443, %dma_start3A_444] : memref<4x160x24xf32, #tpu.memory_space<vmem>> -> memref<1x160x24xf32, #tpu.memory_space<vmem>>
      %dma_start3A_446 = tpu.memref_squeeze %dma_start3A_445 : memref<1x160x24xf32, #tpu.memory_space<vmem>> -> memref<160x24xf32, #tpu.memory_space<vmem>>
      %dma_start3A_447 = tpu.memref_slice %arg5[%mul3A_441] : memref<20000xi32, #tpu.memory_space<vmem>> -> memref<160xi32, #tpu.memory_space<vmem>>
      %dma_start3A_448 = arith.constant 0 : i32
      %dma_start3A_449 = arith.constant 0 : i32
      %dma_start3A_450 = tpu.memref_slice %arg3[%dma_start3A_448, %dma_start3A_449] : memref<20224x24xf32, #tpu.memory_space<hbm>> -> memref<20224x24xf32, #tpu.memory_space<hbm>>
      tpu.enqueue_indirect_dma source(%dma_start3A_450 : memref<20224x24xf32, #tpu.memory_space<hbm>>) target(%dma_start3A_446 : memref<160x24xf32, #tpu.memory_space<vmem>>) offsets(%dma_start3A_447 : memref<160xi32, #tpu.memory_space<vmem>>) semaphore(%arg10 : memref<!tpu.dma_semaphore, #tpu.memory_space<semaphore_mem>>)
      %mul3A_451 = arith.constant 4 : i32
      %mul3A_452 = arith.muli %scan3A_396, %mul3A_451 : i32
      %add3A_453 = arith.constant 1 : i32
      %add3A_454 = arith.addi %add3A_453, %mul3A_452 : i32
      %add3A_455 = arith.constant 1 : i32
      %add3A_456 = arith.addi %add3A_454, %add3A_455 : i32
      %mul3A_457 = arith.constant 160 : i32
      %mul3A_458 = arith.muli %add3A_456, %mul3A_457 : i32
      %dma_wait3A_459 = arith.constant 2 : i32
      %dma_wait3A_460 = arith.constant 0 : i32
      %dma_wait3A_461 = arith.constant 0 : i32
      %dma_wait3A_462 = tpu.memref_slice %arg7[%dma_wait3A_459, %dma_wait3A_460, %dma_wait3A_461] : memref<4x160x24xf32, #tpu.memory_space<vmem>> -> memref<1x160x24xf32, #tpu.memory_space<vmem>>
      %dma_wait3A_463 = tpu.memref_squeeze %dma_wait3A_462 : memref<1x160x24xf32, #tpu.memory_space<vmem>> -> memref<160x24xf32, #tpu.memory_space<vmem>>
      %dma_wait3A_464 = tpu.memref_slice %arg5[%mul3A_458] : memref<20000xi32, #tpu.memory_space<vmem>> -> memref<160xi32, #tpu.memory_space<vmem>>
      %dma_wait3A_465 = arith.constant 0 : i32
      %dma_wait3A_466 = arith.constant 0 : i32
      %dma_wait3A_467 = tpu.memref_slice %arg3[%dma_wait3A_465, %dma_wait3A_466] : memref<20224x24xf32, #tpu.memory_space<hbm>> -> memref<20224x24xf32, #tpu.memory_space<hbm>>
      tpu.wait_indirect_dma semaphore(%arg12 : memref<!tpu.dma_semaphore, #tpu.memory_space<semaphore_mem>>) src(%dma_wait3A_467 : memref<20224x24xf32, #tpu.memory_space<hbm>>) dst(%dma_wait3A_463 : memref<160x24xf32, #tpu.memory_space<vmem>>)
      %mul3A_468 = arith.constant 160 : i32
      %mul3A_469 = arith.muli %add3A_456, %mul3A_468 : i32
      %dma_start3A_470 = arith.constant 2 : i32
      %dma_start3A_471 = arith.constant 0 : i32
      %dma_start3A_472 = arith.constant 0 : i32
      %dma_start3A_473 = tpu.memref_slice %arg7[%dma_start3A_470, %dma_start3A_471, %dma_start3A_472] : memref<4x160x24xf32, #tpu.memory_space<vmem>> -> memref<1x160x24xf32, #tpu.memory_space<vmem>>
      %dma_start3A_474 = tpu.memref_squeeze %dma_start3A_473 : memref<1x160x24xf32, #tpu.memory_space<vmem>> -> memref<160x24xf32, #tpu.memory_space<vmem>>
      %dma_start3A_475 = tpu.memref_slice %arg6[%mul3A_469] : memref<20000xi32, #tpu.memory_space<vmem>> -> memref<160xi32, #tpu.memory_space<vmem>>
      %dma_start3A_476 = arith.constant 0 : i32
      %dma_start3A_477 = arith.constant 0 : i32
      %dma_start3A_478 = tpu.memref_slice %arg8[%dma_start3A_476, %dma_start3A_477] : memref<10112x24xf32, #tpu.memory_space<vmem_shared>> -> memref<10112x24xf32, #tpu.memory_space<vmem_shared>>
      tpu.enqueue_indirect_dma source(%dma_start3A_474 : memref<160x24xf32, #tpu.memory_space<vmem>>) target(%dma_start3A_478 : memref<10112x24xf32, #tpu.memory_space<vmem_shared>>) offsets(%dma_start3A_475 : memref<160xi32, #tpu.memory_space<vmem>>) semaphore(%arg17 : memref<!tpu.dma_semaphore, #tpu.memory_space<semaphore_mem>>) {add = true}
      %sub3A_479 = arith.constant 1 : i32
      %sub3A_480 = arith.subi %add3A_456, %sub3A_479 : i32
      %mul3A_481 = arith.constant 160 : i32
      %mul3A_482 = arith.muli %sub3A_480, %mul3A_481 : i32
      %dma_wait3A_483 = arith.constant 1 : i32
      %dma_wait3A_484 = arith.constant 0 : i32
      %dma_wait3A_485 = arith.constant 0 : i32
      %dma_wait3A_486 = tpu.memref_slice %arg7[%dma_wait3A_483, %dma_wait3A_484, %dma_wait3A_485] : memref<4x160x24xf32, #tpu.memory_space<vmem>> -> memref<1x160x24xf32, #tpu.memory_space<vmem>>
      %dma_wait3A_487 = tpu.memref_squeeze %dma_wait3A_486 : memref<1x160x24xf32, #tpu.memory_space<vmem>> -> memref<160x24xf32, #tpu.memory_space<vmem>>
      %dma_wait3A_488 = tpu.memref_slice %arg6[%mul3A_482] : memref<20000xi32, #tpu.memory_space<vmem>> -> memref<160xi32, #tpu.memory_space<vmem>>
      %dma_wait3A_489 = arith.constant 0 : i32
      %dma_wait3A_490 = arith.constant 0 : i32
      %dma_wait3A_491 = tpu.memref_slice %arg8[%dma_wait3A_489, %dma_wait3A_490] : memref<10112x24xf32, #tpu.memory_space<vmem_shared>> -> memref<10112x24xf32, #tpu.memory_space<vmem_shared>>
      tpu.wait_indirect_dma semaphore(%arg16 : memref<!tpu.dma_semaphore, #tpu.memory_space<semaphore_mem>>) src(%dma_wait3A_487 : memref<160x24xf32, #tpu.memory_space<vmem>>) dst(%dma_wait3A_491 : memref<10112x24xf32, #tpu.memory_space<vmem_shared>>)
      %add3A_492 = arith.constant 3 : i32
      %add3A_493 = arith.addi %add3A_456, %add3A_492 : i32
      %mul3A_494 = arith.constant 160 : i32
      %mul3A_495 = arith.muli %add3A_493, %mul3A_494 : i32
      %dma_start3A_496 = arith.constant 1 : i32
      %dma_start3A_497 = arith.constant 0 : i32
      %dma_start3A_498 = arith.constant 0 : i32
      %dma_start3A_499 = tpu.memref_slice %arg7[%dma_start3A_496, %dma_start3A_497, %dma_start3A_498] : memref<4x160x24xf32, #tpu.memory_space<vmem>> -> memref<1x160x24xf32, #tpu.memory_space<vmem>>
      %dma_start3A_500 = tpu.memref_squeeze %dma_start3A_499 : memref<1x160x24xf32, #tpu.memory_space<vmem>> -> memref<160x24xf32, #tpu.memory_space<vmem>>
      %dma_start3A_501 = tpu.memref_slice %arg5[%mul3A_495] : memref<20000xi32, #tpu.memory_space<vmem>> -> memref<160xi32, #tpu.memory_space<vmem>>
      %dma_start3A_502 = arith.constant 0 : i32
      %dma_start3A_503 = arith.constant 0 : i32
      %dma_start3A_504 = tpu.memref_slice %arg3[%dma_start3A_502, %dma_start3A_503] : memref<20224x24xf32, #tpu.memory_space<hbm>> -> memref<20224x24xf32, #tpu.memory_space<hbm>>
      tpu.enqueue_indirect_dma source(%dma_start3A_504 : memref<20224x24xf32, #tpu.memory_space<hbm>>) target(%dma_start3A_500 : memref<160x24xf32, #tpu.memory_space<vmem>>) offsets(%dma_start3A_501 : memref<160xi32, #tpu.memory_space<vmem>>) semaphore(%arg11 : memref<!tpu.dma_semaphore, #tpu.memory_space<semaphore_mem>>)
      %mul3A_505 = arith.constant 4 : i32
      %mul3A_506 = arith.muli %scan3A_396, %mul3A_505 : i32
      %add3A_507 = arith.constant 1 : i32
      %add3A_508 = arith.addi %add3A_507, %mul3A_506 : i32
      %add3A_509 = arith.constant 2 : i32
      %add3A_510 = arith.addi %add3A_508, %add3A_509 : i32
      %mul3A_511 = arith.constant 160 : i32
      %mul3A_512 = arith.muli %add3A_510, %mul3A_511 : i32
      %dma_wait3A_513 = arith.constant 3 : i32
      %dma_wait3A_514 = arith.constant 0 : i32
      %dma_wait3A_515 = arith.constant 0 : i32
      %dma_wait3A_516 = tpu.memref_slice %arg7[%dma_wait3A_513, %dma_wait3A_514, %dma_wait3A_515] : memref<4x160x24xf32, #tpu.memory_space<vmem>> -> memref<1x160x24xf32, #tpu.memory_space<vmem>>
      %dma_wait3A_517 = tpu.memref_squeeze %dma_wait3A_516 : memref<1x160x24xf32, #tpu.memory_space<vmem>> -> memref<160x24xf32, #tpu.memory_space<vmem>>
      %dma_wait3A_518 = tpu.memref_slice %arg5[%mul3A_512] : memref<20000xi32, #tpu.memory_space<vmem>> -> memref<160xi32, #tpu.memory_space<vmem>>
      %dma_wait3A_519 = arith.constant 0 : i32
      %dma_wait3A_520 = arith.constant 0 : i32
      %dma_wait3A_521 = tpu.memref_slice %arg3[%dma_wait3A_519, %dma_wait3A_520] : memref<20224x24xf32, #tpu.memory_space<hbm>> -> memref<20224x24xf32, #tpu.memory_space<hbm>>
      tpu.wait_indirect_dma semaphore(%arg13 : memref<!tpu.dma_semaphore, #tpu.memory_space<semaphore_mem>>) src(%dma_wait3A_521 : memref<20224x24xf32, #tpu.memory_space<hbm>>) dst(%dma_wait3A_517 : memref<160x24xf32, #tpu.memory_space<vmem>>)
      %mul3A_522 = arith.constant 160 : i32
      %mul3A_523 = arith.muli %add3A_510, %mul3A_522 : i32
      %dma_start3A_524 = arith.constant 3 : i32
      %dma_start3A_525 = arith.constant 0 : i32
      %dma_start3A_526 = arith.constant 0 : i32
      %dma_start3A_527 = tpu.memref_slice %arg7[%dma_start3A_524, %dma_start3A_525, %dma_start3A_526] : memref<4x160x24xf32, #tpu.memory_space<vmem>> -> memref<1x160x24xf32, #tpu.memory_space<vmem>>
      %dma_start3A_528 = tpu.memref_squeeze %dma_start3A_527 : memref<1x160x24xf32, #tpu.memory_space<vmem>> -> memref<160x24xf32, #tpu.memory_space<vmem>>
      %dma_start3A_529 = tpu.memref_slice %arg6[%mul3A_523] : memref<20000xi32, #tpu.memory_space<vmem>> -> memref<160xi32, #tpu.memory_space<vmem>>
      %dma_start3A_530 = arith.constant 0 : i32
      %dma_start3A_531 = arith.constant 0 : i32
      %dma_start3A_532 = tpu.memref_slice %arg8[%dma_start3A_530, %dma_start3A_531] : memref<10112x24xf32, #tpu.memory_space<vmem_shared>> -> memref<10112x24xf32, #tpu.memory_space<vmem_shared>>
      tpu.enqueue_indirect_dma source(%dma_start3A_528 : memref<160x24xf32, #tpu.memory_space<vmem>>) target(%dma_start3A_532 : memref<10112x24xf32, #tpu.memory_space<vmem_shared>>) offsets(%dma_start3A_529 : memref<160xi32, #tpu.memory_space<vmem>>) semaphore(%arg18 : memref<!tpu.dma_semaphore, #tpu.memory_space<semaphore_mem>>) {add = true}
      %sub3A_533 = arith.constant 1 : i32
      %sub3A_534 = arith.subi %add3A_510, %sub3A_533 : i32
      %mul3A_535 = arith.constant 160 : i32
      %mul3A_536 = arith.muli %sub3A_534, %mul3A_535 : i32
      %dma_wait3A_537 = arith.constant 2 : i32
      %dma_wait3A_538 = arith.constant 0 : i32
      %dma_wait3A_539 = arith.constant 0 : i32
      %dma_wait3A_540 = tpu.memref_slice %arg7[%dma_wait3A_537, %dma_wait3A_538, %dma_wait3A_539] : memref<4x160x24xf32, #tpu.memory_space<vmem>> -> memref<1x160x24xf32, #tpu.memory_space<vmem>>
      %dma_wait3A_541 = tpu.memref_squeeze %dma_wait3A_540 : memref<1x160x24xf32, #tpu.memory_space<vmem>> -> memref<160x24xf32, #tpu.memory_space<vmem>>
      %dma_wait3A_542 = tpu.memref_slice %arg6[%mul3A_536] : memref<20000xi32, #tpu.memory_space<vmem>> -> memref<160xi32, #tpu.memory_space<vmem>>
      %dma_wait3A_543 = arith.constant 0 : i32
      %dma_wait3A_544 = arith.constant 0 : i32
      %dma_wait3A_545 = tpu.memref_slice %arg8[%dma_wait3A_543, %dma_wait3A_544] : memref<10112x24xf32, #tpu.memory_space<vmem_shared>> -> memref<10112x24xf32, #tpu.memory_space<vmem_shared>>
      tpu.wait_indirect_dma semaphore(%arg17 : memref<!tpu.dma_semaphore, #tpu.memory_space<semaphore_mem>>) src(%dma_wait3A_541 : memref<160x24xf32, #tpu.memory_space<vmem>>) dst(%dma_wait3A_545 : memref<10112x24xf32, #tpu.memory_space<vmem_shared>>)
      %add3A_546 = arith.constant 3 : i32
      %add3A_547 = arith.addi %add3A_510, %add3A_546 : i32
      %mul3A_548 = arith.constant 160 : i32
      %mul3A_549 = arith.muli %add3A_547, %mul3A_548 : i32
      %dma_start3A_550 = arith.constant 2 : i32
      %dma_start3A_551 = arith.constant 0 : i32
      %dma_start3A_552 = arith.constant 0 : i32
      %dma_start3A_553 = tpu.memref_slice %arg7[%dma_start3A_550, %dma_start3A_551, %dma_start3A_552] : memref<4x160x24xf32, #tpu.memory_space<vmem>> -> memref<1x160x24xf32, #tpu.memory_space<vmem>>
      %dma_start3A_554 = tpu.memref_squeeze %dma_start3A_553 : memref<1x160x24xf32, #tpu.memory_space<vmem>> -> memref<160x24xf32, #tpu.memory_space<vmem>>
      %dma_start3A_555 = tpu.memref_slice %arg5[%mul3A_549] : memref<20000xi32, #tpu.memory_space<vmem>> -> memref<160xi32, #tpu.memory_space<vmem>>
      %dma_start3A_556 = arith.constant 0 : i32
      %dma_start3A_557 = arith.constant 0 : i32
      %dma_start3A_558 = tpu.memref_slice %arg3[%dma_start3A_556, %dma_start3A_557] : memref<20224x24xf32, #tpu.memory_space<hbm>> -> memref<20224x24xf32, #tpu.memory_space<hbm>>
      tpu.enqueue_indirect_dma source(%dma_start3A_558 : memref<20224x24xf32, #tpu.memory_space<hbm>>) target(%dma_start3A_554 : memref<160x24xf32, #tpu.memory_space<vmem>>) offsets(%dma_start3A_555 : memref<160xi32, #tpu.memory_space<vmem>>) semaphore(%arg12 : memref<!tpu.dma_semaphore, #tpu.memory_space<semaphore_mem>>)
      %mul3A_559 = arith.constant 4 : i32
      %mul3A_560 = arith.muli %scan3A_396, %mul3A_559 : i32
      %add3A_561 = arith.constant 1 : i32
      %add3A_562 = arith.addi %add3A_561, %mul3A_560 : i32
      %add3A_563 = arith.constant 3 : i32
      %add3A_564 = arith.addi %add3A_562, %add3A_563 : i32
      %mul3A_565 = arith.constant 160 : i32
      %mul3A_566 = arith.muli %add3A_564, %mul3A_565 : i32
      %dma_wait3A_567 = arith.constant 0 : i32
      %dma_wait3A_568 = arith.constant 0 : i32
      %dma_wait3A_569 = arith.constant 0 : i32
      %dma_wait3A_570 = tpu.memref_slice %arg7[%dma_wait3A_567, %dma_wait3A_568, %dma_wait3A_569] : memref<4x160x24xf32, #tpu.memory_space<vmem>> -> memref<1x160x24xf32, #tpu.memory_space<vmem>>
      %dma_wait3A_571 = tpu.memref_squeeze %dma_wait3A_570 : memref<1x160x24xf32, #tpu.memory_space<vmem>> -> memref<160x24xf32, #tpu.memory_space<vmem>>
      %dma_wait3A_572 = tpu.memref_slice %arg5[%mul3A_566] : memref<20000xi32, #tpu.memory_space<vmem>> -> memref<160xi32, #tpu.memory_space<vmem>>
      %dma_wait3A_573 = arith.constant 0 : i32
      %dma_wait3A_574 = arith.constant 0 : i32
      %dma_wait3A_575 = tpu.memref_slice %arg3[%dma_wait3A_573, %dma_wait3A_574] : memref<20224x24xf32, #tpu.memory_space<hbm>> -> memref<20224x24xf32, #tpu.memory_space<hbm>>
      tpu.wait_indirect_dma semaphore(%arg10 : memref<!tpu.dma_semaphore, #tpu.memory_space<semaphore_mem>>) src(%dma_wait3A_575 : memref<20224x24xf32, #tpu.memory_space<hbm>>) dst(%dma_wait3A_571 : memref<160x24xf32, #tpu.memory_space<vmem>>)
      %mul3A_576 = arith.constant 160 : i32
      %mul3A_577 = arith.muli %add3A_564, %mul3A_576 : i32
      %dma_start3A_578 = arith.constant 0 : i32
      %dma_start3A_579 = arith.constant 0 : i32
      %dma_start3A_580 = arith.constant 0 : i32
      %dma_start3A_581 = tpu.memref_slice %arg7[%dma_start3A_578, %dma_start3A_579, %dma_start3A_580] : memref<4x160x24xf32, #tpu.memory_space<vmem>> -> memref<1x160x24xf32, #tpu.memory_space<vmem>>
      %dma_start3A_582 = tpu.memref_squeeze %dma_start3A_581 : memref<1x160x24xf32, #tpu.memory_space<vmem>> -> memref<160x24xf32, #tpu.memory_space<vmem>>
      %dma_start3A_583 = tpu.memref_slice %arg6[%mul3A_577] : memref<20000xi32, #tpu.memory_space<vmem>> -> memref<160xi32, #tpu.memory_space<vmem>>
      %dma_start3A_584 = arith.constant 0 : i32
      %dma_start3A_585 = arith.constant 0 : i32
      %dma_start3A_586 = tpu.memref_slice %arg8[%dma_start3A_584, %dma_start3A_585] : memref<10112x24xf32, #tpu.memory_space<vmem_shared>> -> memref<10112x24xf32, #tpu.memory_space<vmem_shared>>
      tpu.enqueue_indirect_dma source(%dma_start3A_582 : memref<160x24xf32, #tpu.memory_space<vmem>>) target(%dma_start3A_586 : memref<10112x24xf32, #tpu.memory_space<vmem_shared>>) offsets(%dma_start3A_583 : memref<160xi32, #tpu.memory_space<vmem>>) semaphore(%arg15 : memref<!tpu.dma_semaphore, #tpu.memory_space<semaphore_mem>>) {add = true}
      %sub3A_587 = arith.constant 1 : i32
      %sub3A_588 = arith.subi %add3A_564, %sub3A_587 : i32
      %mul3A_589 = arith.constant 160 : i32
      %mul3A_590 = arith.muli %sub3A_588, %mul3A_589 : i32
      %dma_wait3A_591 = arith.constant 3 : i32
      %dma_wait3A_592 = arith.constant 0 : i32
      %dma_wait3A_593 = arith.constant 0 : i32
      %dma_wait3A_594 = tpu.memref_slice %arg7[%dma_wait3A_591, %dma_wait3A_592, %dma_wait3A_593] : memref<4x160x24xf32, #tpu.memory_space<vmem>> -> memref<1x160x24xf32, #tpu.memory_space<vmem>>
      %dma_wait3A_595 = tpu.memref_squeeze %dma_wait3A_594 : memref<1x160x24xf32, #tpu.memory_space<vmem>> -> memref<160x24xf32, #tpu.memory_space<vmem>>
      %dma_wait3A_596 = tpu.memref_slice %arg6[%mul3A_590] : memref<20000xi32, #tpu.memory_space<vmem>> -> memref<160xi32, #tpu.memory_space<vmem>>
      %dma_wait3A_597 = arith.constant 0 : i32
      %dma_wait3A_598 = arith.constant 0 : i32
      %dma_wait3A_599 = tpu.memref_slice %arg8[%dma_wait3A_597, %dma_wait3A_598] : memref<10112x24xf32, #tpu.memory_space<vmem_shared>> -> memref<10112x24xf32, #tpu.memory_space<vmem_shared>>
      tpu.wait_indirect_dma semaphore(%arg18 : memref<!tpu.dma_semaphore, #tpu.memory_space<semaphore_mem>>) src(%dma_wait3A_595 : memref<160x24xf32, #tpu.memory_space<vmem>>) dst(%dma_wait3A_599 : memref<10112x24xf32, #tpu.memory_space<vmem_shared>>)
      %add3A_600 = arith.constant 3 : i32
      %add3A_601 = arith.addi %add3A_564, %add3A_600 : i32
      %mul3A_602 = arith.constant 160 : i32
      %mul3A_603 = arith.muli %add3A_601, %mul3A_602 : i32
      %dma_start3A_604 = arith.constant 3 : i32
      %dma_start3A_605 = arith.constant 0 : i32
      %dma_start3A_606 = arith.constant 0 : i32
      %dma_start3A_607 = tpu.memref_slice %arg7[%dma_start3A_604, %dma_start3A_605, %dma_start3A_606] : memref<4x160x24xf32, #tpu.memory_space<vmem>> -> memref<1x160x24xf32, #tpu.memory_space<vmem>>
      %dma_start3A_608 = tpu.memref_squeeze %dma_start3A_607 : memref<1x160x24xf32, #tpu.memory_space<vmem>> -> memref<160x24xf32, #tpu.memory_space<vmem>>
      %dma_start3A_609 = tpu.memref_slice %arg5[%mul3A_603] : memref<20000xi32, #tpu.memory_space<vmem>> -> memref<160xi32, #tpu.memory_space<vmem>>
      %dma_start3A_610 = arith.constant 0 : i32
      %dma_start3A_611 = arith.constant 0 : i32
      %dma_start3A_612 = tpu.memref_slice %arg3[%dma_start3A_610, %dma_start3A_611] : memref<20224x24xf32, #tpu.memory_space<hbm>> -> memref<20224x24xf32, #tpu.memory_space<hbm>>
      tpu.enqueue_indirect_dma source(%dma_start3A_612 : memref<20224x24xf32, #tpu.memory_space<hbm>>) target(%dma_start3A_608 : memref<160x24xf32, #tpu.memory_space<vmem>>) offsets(%dma_start3A_609 : memref<160xi32, #tpu.memory_space<vmem>>) semaphore(%arg13 : memref<!tpu.dma_semaphore, #tpu.memory_space<semaphore_mem>>)
      %scan3A_613 = arith.constant 0 : i32
      scf.yield %scan3A_613 : i32
    }
    %scan3A_248 = arith.constant 30 : i32
    %dma_wait3A_249 = arith.constant 1 : i32
    %dma_wait3A_250 = arith.constant 0 : i32
    %dma_wait3A_251 = arith.constant 0 : i32
    %dma_wait3A_252 = tpu.memref_slice %arg7[%dma_wait3A_249, %dma_wait3A_250, %dma_wait3A_251] : memref<4x160x24xf32, #tpu.memory_space<vmem>> -> memref<1x160x24xf32, #tpu.memory_space<vmem>>
    %dma_wait3A_253 = tpu.memref_squeeze %dma_wait3A_252 : memref<1x160x24xf32, #tpu.memory_space<vmem>> -> memref<160x24xf32, #tpu.memory_space<vmem>>
    %dma_wait3A_254 = arith.constant 19360 : i32
    %dma_wait3A_255 = tpu.memref_slice %arg5[%dma_wait3A_254] : memref<20000xi32, #tpu.memory_space<vmem>> -> memref<160xi32, #tpu.memory_space<vmem>>
    %dma_wait3A_256 = arith.constant 0 : i32
    %dma_wait3A_257 = arith.constant 0 : i32
    %dma_wait3A_258 = tpu.memref_slice %arg3[%dma_wait3A_256, %dma_wait3A_257] : memref<20224x24xf32, #tpu.memory_space<hbm>> -> memref<20224x24xf32, #tpu.memory_space<hbm>>
    tpu.wait_indirect_dma semaphore(%arg11 : memref<!tpu.dma_semaphore, #tpu.memory_space<semaphore_mem>>) src(%dma_wait3A_258 : memref<20224x24xf32, #tpu.memory_space<hbm>>) dst(%dma_wait3A_253 : memref<160x24xf32, #tpu.memory_space<vmem>>)
    %dma_start3A_259 = arith.constant 1 : i32
    %dma_start3A_260 = arith.constant 0 : i32
    %dma_start3A_261 = arith.constant 0 : i32
    %dma_start3A_262 = tpu.memref_slice %arg7[%dma_start3A_259, %dma_start3A_260, %dma_start3A_261] : memref<4x160x24xf32, #tpu.memory_space<vmem>> -> memref<1x160x24xf32, #tpu.memory_space<vmem>>
    %dma_start3A_263 = tpu.memref_squeeze %dma_start3A_262 : memref<1x160x24xf32, #tpu.memory_space<vmem>> -> memref<160x24xf32, #tpu.memory_space<vmem>>
    %dma_start3A_264 = arith.constant 19360 : i32
    %dma_start3A_265 = tpu.memref_slice %arg6[%dma_start3A_264] : memref<20000xi32, #tpu.memory_space<vmem>> -> memref<160xi32, #tpu.memory_space<vmem>>
    %dma_start3A_266 = arith.constant 0 : i32
    %dma_start3A_267 = arith.constant 0 : i32
    %dma_start3A_268 = tpu.memref_slice %arg8[%dma_start3A_266, %dma_start3A_267] : memref<10112x24xf32, #tpu.memory_space<vmem_shared>> -> memref<10112x24xf32, #tpu.memory_space<vmem_shared>>
    tpu.enqueue_indirect_dma source(%dma_start3A_263 : memref<160x24xf32, #tpu.memory_space<vmem>>) target(%dma_start3A_268 : memref<10112x24xf32, #tpu.memory_space<vmem_shared>>) offsets(%dma_start3A_265 : memref<160xi32, #tpu.memory_space<vmem>>) semaphore(%arg16 : memref<!tpu.dma_semaphore, #tpu.memory_space<semaphore_mem>>) {add = true}
    %dma_wait3A_269 = arith.constant 0 : i32
    %dma_wait3A_270 = arith.constant 0 : i32
    %dma_wait3A_271 = arith.constant 0 : i32
    %dma_wait3A_272 = tpu.memref_slice %arg7[%dma_wait3A_269, %dma_wait3A_270, %dma_wait3A_271] : memref<4x160x24xf32, #tpu.memory_space<vmem>> -> memref<1x160x24xf32, #tpu.memory_space<vmem>>
    %dma_wait3A_273 = tpu.memref_squeeze %dma_wait3A_272 : memref<1x160x24xf32, #tpu.memory_space<vmem>> -> memref<160x24xf32, #tpu.memory_space<vmem>>
    %dma_wait3A_274 = arith.constant 19200 : i32
    %dma_wait3A_275 = tpu.memref_slice %arg6[%dma_wait3A_274] : memref<20000xi32, #tpu.memory_space<vmem>> -> memref<160xi32, #tpu.memory_space<vmem>>
    %dma_wait3A_276 = arith.constant 0 : i32
    %dma_wait3A_277 = arith.constant 0 : i32
    %dma_wait3A_278 = tpu.memref_slice %arg8[%dma_wait3A_276, %dma_wait3A_277] : memref<10112x24xf32, #tpu.memory_space<vmem_shared>> -> memref<10112x24xf32, #tpu.memory_space<vmem_shared>>
    tpu.wait_indirect_dma semaphore(%arg15 : memref<!tpu.dma_semaphore, #tpu.memory_space<semaphore_mem>>) src(%dma_wait3A_273 : memref<160x24xf32, #tpu.memory_space<vmem>>) dst(%dma_wait3A_278 : memref<10112x24xf32, #tpu.memory_space<vmem_shared>>)
    %dma_start3A_279 = arith.constant 0 : i32
    %dma_start3A_280 = arith.constant 0 : i32
    %dma_start3A_281 = arith.constant 0 : i32
    %dma_start3A_282 = tpu.memref_slice %arg7[%dma_start3A_279, %dma_start3A_280, %dma_start3A_281] : memref<4x160x24xf32, #tpu.memory_space<vmem>> -> memref<1x160x24xf32, #tpu.memory_space<vmem>>
    %dma_start3A_283 = tpu.memref_squeeze %dma_start3A_282 : memref<1x160x24xf32, #tpu.memory_space<vmem>> -> memref<160x24xf32, #tpu.memory_space<vmem>>
    %dma_start3A_284 = arith.constant 19840 : i32
    %dma_start3A_285 = tpu.memref_slice %arg5[%dma_start3A_284] : memref<20000xi32, #tpu.memory_space<vmem>> -> memref<160xi32, #tpu.memory_space<vmem>>
    %dma_start3A_286 = arith.constant 0 : i32
    %dma_start3A_287 = arith.constant 0 : i32
    %dma_start3A_288 = tpu.memref_slice %arg3[%dma_start3A_286, %dma_start3A_287] : memref<20224x24xf32, #tpu.memory_space<hbm>> -> memref<20224x24xf32, #tpu.memory_space<hbm>>
    tpu.enqueue_indirect_dma source(%dma_start3A_288 : memref<20224x24xf32, #tpu.memory_space<hbm>>) target(%dma_start3A_283 : memref<160x24xf32, #tpu.memory_space<vmem>>) offsets(%dma_start3A_285 : memref<160xi32, #tpu.memory_space<vmem>>) semaphore(%arg10 : memref<!tpu.dma_semaphore, #tpu.memory_space<semaphore_mem>>)
    %dma_wait3A_289 = arith.constant 2 : i32
    %dma_wait3A_290 = arith.constant 0 : i32
    %dma_wait3A_291 = arith.constant 0 : i32
    %dma_wait3A_292 = tpu.memref_slice %arg7[%dma_wait3A_289, %dma_wait3A_290, %dma_wait3A_291] : memref<4x160x24xf32, #tpu.memory_space<vmem>> -> memref<1x160x24xf32, #tpu.memory_space<vmem>>
    %dma_wait3A_293 = tpu.memref_squeeze %dma_wait3A_292 : memref<1x160x24xf32, #tpu.memory_space<vmem>> -> memref<160x24xf32, #tpu.memory_space<vmem>>
    %dma_wait3A_294 = arith.constant 19520 : i32
    %dma_wait3A_295 = tpu.memref_slice %arg5[%dma_wait3A_294] : memref<20000xi32, #tpu.memory_space<vmem>> -> memref<160xi32, #tpu.memory_space<vmem>>
    %dma_wait3A_296 = arith.constant 0 : i32
    %dma_wait3A_297 = arith.constant 0 : i32
    %dma_wait3A_298 = tpu.memref_slice %arg3[%dma_wait3A_296, %dma_wait3A_297] : memref<20224x24xf32, #tpu.memory_space<hbm>> -> memref<20224x24xf32, #tpu.memory_space<hbm>>
    tpu.wait_indirect_dma semaphore(%arg12 : memref<!tpu.dma_semaphore, #tpu.memory_space<semaphore_mem>>) src(%dma_wait3A_298 : memref<20224x24xf32, #tpu.memory_space<hbm>>) dst(%dma_wait3A_293 : memref<160x24xf32, #tpu.memory_space<vmem>>)
    %dma_start3A_299 = arith.constant 2 : i32
    %dma_start3A_300 = arith.constant 0 : i32
    %dma_start3A_301 = arith.constant 0 : i32
    %dma_start3A_302 = tpu.memref_slice %arg7[%dma_start3A_299, %dma_start3A_300, %dma_start3A_301] : memref<4x160x24xf32, #tpu.memory_space<vmem>> -> memref<1x160x24xf32, #tpu.memory_space<vmem>>
    %dma_start3A_303 = tpu.memref_squeeze %dma_start3A_302 : memref<1x160x24xf32, #tpu.memory_space<vmem>> -> memref<160x24xf32, #tpu.memory_space<vmem>>
    %dma_start3A_304 = arith.constant 19520 : i32
    %dma_start3A_305 = tpu.memref_slice %arg6[%dma_start3A_304] : memref<20000xi32, #tpu.memory_space<vmem>> -> memref<160xi32, #tpu.memory_space<vmem>>
    %dma_start3A_306 = arith.constant 0 : i32
    %dma_start3A_307 = arith.constant 0 : i32
    %dma_start3A_308 = tpu.memref_slice %arg8[%dma_start3A_306, %dma_start3A_307] : memref<10112x24xf32, #tpu.memory_space<vmem_shared>> -> memref<10112x24xf32, #tpu.memory_space<vmem_shared>>
    tpu.enqueue_indirect_dma source(%dma_start3A_303 : memref<160x24xf32, #tpu.memory_space<vmem>>) target(%dma_start3A_308 : memref<10112x24xf32, #tpu.memory_space<vmem_shared>>) offsets(%dma_start3A_305 : memref<160xi32, #tpu.memory_space<vmem>>) semaphore(%arg17 : memref<!tpu.dma_semaphore, #tpu.memory_space<semaphore_mem>>) {add = true}
    %dma_wait3A_309 = arith.constant 1 : i32
    %dma_wait3A_310 = arith.constant 0 : i32
    %dma_wait3A_311 = arith.constant 0 : i32
    %dma_wait3A_312 = tpu.memref_slice %arg7[%dma_wait3A_309, %dma_wait3A_310, %dma_wait3A_311] : memref<4x160x24xf32, #tpu.memory_space<vmem>> -> memref<1x160x24xf32, #tpu.memory_space<vmem>>
    %dma_wait3A_313 = tpu.memref_squeeze %dma_wait3A_312 : memref<1x160x24xf32, #tpu.memory_space<vmem>> -> memref<160x24xf32, #tpu.memory_space<vmem>>
    %dma_wait3A_314 = arith.constant 19360 : i32
    %dma_wait3A_315 = tpu.memref_slice %arg6[%dma_wait3A_314] : memref<20000xi32, #tpu.memory_space<vmem>> -> memref<160xi32, #tpu.memory_space<vmem>>
    %dma_wait3A_316 = arith.constant 0 : i32
    %dma_wait3A_317 = arith.constant 0 : i32
    %dma_wait3A_318 = tpu.memref_slice %arg8[%dma_wait3A_316, %dma_wait3A_317] : memref<10112x24xf32, #tpu.memory_space<vmem_shared>> -> memref<10112x24xf32, #tpu.memory_space<vmem_shared>>
    tpu.wait_indirect_dma semaphore(%arg16 : memref<!tpu.dma_semaphore, #tpu.memory_space<semaphore_mem>>) src(%dma_wait3A_313 : memref<160x24xf32, #tpu.memory_space<vmem>>) dst(%dma_wait3A_318 : memref<10112x24xf32, #tpu.memory_space<vmem_shared>>)
    %dma_wait3A_319 = arith.constant 3 : i32
    %dma_wait3A_320 = arith.constant 0 : i32
    %dma_wait3A_321 = arith.constant 0 : i32
    %dma_wait3A_322 = tpu.memref_slice %arg7[%dma_wait3A_319, %dma_wait3A_320, %dma_wait3A_321] : memref<4x160x24xf32, #tpu.memory_space<vmem>> -> memref<1x160x24xf32, #tpu.memory_space<vmem>>
    %dma_wait3A_323 = tpu.memref_squeeze %dma_wait3A_322 : memref<1x160x24xf32, #tpu.memory_space<vmem>> -> memref<160x24xf32, #tpu.memory_space<vmem>>
    %dma_wait3A_324 = arith.constant 19680 : i32
    %dma_wait3A_325 = tpu.memref_slice %arg5[%dma_wait3A_324] : memref<20000xi32, #tpu.memory_space<vmem>> -> memref<160xi32, #tpu.memory_space<vmem>>
    %dma_wait3A_326 = arith.constant 0 : i32
    %dma_wait3A_327 = arith.constant 0 : i32
    %dma_wait3A_328 = tpu.memref_slice %arg3[%dma_wait3A_326, %dma_wait3A_327] : memref<20224x24xf32, #tpu.memory_space<hbm>> -> memref<20224x24xf32, #tpu.memory_space<hbm>>
    tpu.wait_indirect_dma semaphore(%arg13 : memref<!tpu.dma_semaphore, #tpu.memory_space<semaphore_mem>>) src(%dma_wait3A_328 : memref<20224x24xf32, #tpu.memory_space<hbm>>) dst(%dma_wait3A_323 : memref<160x24xf32, #tpu.memory_space<vmem>>)
    %dma_start3A_329 = arith.constant 3 : i32
    %dma_start3A_330 = arith.constant 0 : i32
    %dma_start3A_331 = arith.constant 0 : i32
    %dma_start3A_332 = tpu.memref_slice %arg7[%dma_start3A_329, %dma_start3A_330, %dma_start3A_331] : memref<4x160x24xf32, #tpu.memory_space<vmem>> -> memref<1x160x24xf32, #tpu.memory_space<vmem>>
    %dma_start3A_333 = tpu.memref_squeeze %dma_start3A_332 : memref<1x160x24xf32, #tpu.memory_space<vmem>> -> memref<160x24xf32, #tpu.memory_space<vmem>>
    %dma_start3A_334 = arith.constant 19680 : i32
    %dma_start3A_335 = tpu.memref_slice %arg6[%dma_start3A_334] : memref<20000xi32, #tpu.memory_space<vmem>> -> memref<160xi32, #tpu.memory_space<vmem>>
    %dma_start3A_336 = arith.constant 0 : i32
    %dma_start3A_337 = arith.constant 0 : i32
    %dma_start3A_338 = tpu.memref_slice %arg8[%dma_start3A_336, %dma_start3A_337] : memref<10112x24xf32, #tpu.memory_space<vmem_shared>> -> memref<10112x24xf32, #tpu.memory_space<vmem_shared>>
    tpu.enqueue_indirect_dma source(%dma_start3A_333 : memref<160x24xf32, #tpu.memory_space<vmem>>) target(%dma_start3A_338 : memref<10112x24xf32, #tpu.memory_space<vmem_shared>>) offsets(%dma_start3A_335 : memref<160xi32, #tpu.memory_space<vmem>>) semaphore(%arg18 : memref<!tpu.dma_semaphore, #tpu.memory_space<semaphore_mem>>) {add = true}
    %dma_wait3A_339 = arith.constant 2 : i32
    %dma_wait3A_340 = arith.constant 0 : i32
    %dma_wait3A_341 = arith.constant 0 : i32
    %dma_wait3A_342 = tpu.memref_slice %arg7[%dma_wait3A_339, %dma_wait3A_340, %dma_wait3A_341] : memref<4x160x24xf32, #tpu.memory_space<vmem>> -> memref<1x160x24xf32, #tpu.memory_space<vmem>>
    %dma_wait3A_343 = tpu.memref_squeeze %dma_wait3A_342 : memref<1x160x24xf32, #tpu.memory_space<vmem>> -> memref<160x24xf32, #tpu.memory_space<vmem>>
    %dma_wait3A_344 = arith.constant 19520 : i32
    %dma_wait3A_345 = tpu.memref_slice %arg6[%dma_wait3A_344] : memref<20000xi32, #tpu.memory_space<vmem>> -> memref<160xi32, #tpu.memory_space<vmem>>
    %dma_wait3A_346 = arith.constant 0 : i32
    %dma_wait3A_347 = arith.constant 0 : i32
    %dma_wait3A_348 = tpu.memref_slice %arg8[%dma_wait3A_346, %dma_wait3A_347] : memref<10112x24xf32, #tpu.memory_space<vmem_shared>> -> memref<10112x24xf32, #tpu.memory_space<vmem_shared>>
    tpu.wait_indirect_dma semaphore(%arg17 : memref<!tpu.dma_semaphore, #tpu.memory_space<semaphore_mem>>) src(%dma_wait3A_343 : memref<160x24xf32, #tpu.memory_space<vmem>>) dst(%dma_wait3A_348 : memref<10112x24xf32, #tpu.memory_space<vmem_shared>>)
    %dma_wait3A_349 = arith.constant 0 : i32
    %dma_wait3A_350 = arith.constant 0 : i32
    %dma_wait3A_351 = arith.constant 0 : i32
    %dma_wait3A_352 = tpu.memref_slice %arg7[%dma_wait3A_349, %dma_wait3A_350, %dma_wait3A_351] : memref<4x160x24xf32, #tpu.memory_space<vmem>> -> memref<1x160x24xf32, #tpu.memory_space<vmem>>
    %dma_wait3A_353 = tpu.memref_squeeze %dma_wait3A_352 : memref<1x160x24xf32, #tpu.memory_space<vmem>> -> memref<160x24xf32, #tpu.memory_space<vmem>>
    %dma_wait3A_354 = arith.constant 19840 : i32
    %dma_wait3A_355 = tpu.memref_slice %arg5[%dma_wait3A_354] : memref<20000xi32, #tpu.memory_space<vmem>> -> memref<160xi32, #tpu.memory_space<vmem>>
    %dma_wait3A_356 = arith.constant 0 : i32
    %dma_wait3A_357 = arith.constant 0 : i32
    %dma_wait3A_358 = tpu.memref_slice %arg3[%dma_wait3A_356, %dma_wait3A_357] : memref<20224x24xf32, #tpu.memory_space<hbm>> -> memref<20224x24xf32, #tpu.memory_space<hbm>>
    tpu.wait_indirect_dma semaphore(%arg10 : memref<!tpu.dma_semaphore, #tpu.memory_space<semaphore_mem>>) src(%dma_wait3A_358 : memref<20224x24xf32, #tpu.memory_space<hbm>>) dst(%dma_wait3A_353 : memref<160x24xf32, #tpu.memory_space<vmem>>)
    %dma_start3A_359 = arith.constant 0 : i32
    %dma_start3A_360 = arith.constant 0 : i32
    %dma_start3A_361 = arith.constant 0 : i32
    %dma_start3A_362 = tpu.memref_slice %arg7[%dma_start3A_359, %dma_start3A_360, %dma_start3A_361] : memref<4x160x24xf32, #tpu.memory_space<vmem>> -> memref<1x160x24xf32, #tpu.memory_space<vmem>>
    %dma_start3A_363 = tpu.memref_squeeze %dma_start3A_362 : memref<1x160x24xf32, #tpu.memory_space<vmem>> -> memref<160x24xf32, #tpu.memory_space<vmem>>
    %dma_start3A_364 = arith.constant 19840 : i32
    %dma_start3A_365 = tpu.memref_slice %arg6[%dma_start3A_364] : memref<20000xi32, #tpu.memory_space<vmem>> -> memref<160xi32, #tpu.memory_space<vmem>>
    %dma_start3A_366 = arith.constant 0 : i32
    %dma_start3A_367 = arith.constant 0 : i32
    %dma_start3A_368 = tpu.memref_slice %arg8[%dma_start3A_366, %dma_start3A_367] : memref<10112x24xf32, #tpu.memory_space<vmem_shared>> -> memref<10112x24xf32, #tpu.memory_space<vmem_shared>>
    tpu.enqueue_indirect_dma source(%dma_start3A_363 : memref<160x24xf32, #tpu.memory_space<vmem>>) target(%dma_start3A_368 : memref<10112x24xf32, #tpu.memory_space<vmem_shared>>) offsets(%dma_start3A_365 : memref<160xi32, #tpu.memory_space<vmem>>) semaphore(%arg15 : memref<!tpu.dma_semaphore, #tpu.memory_space<semaphore_mem>>) {add = true}
    %dma_wait3A_369 = arith.constant 3 : i32
    %dma_wait3A_370 = arith.constant 0 : i32
    %dma_wait3A_371 = arith.constant 0 : i32
    %dma_wait3A_372 = tpu.memref_slice %arg7[%dma_wait3A_369, %dma_wait3A_370, %dma_wait3A_371] : memref<4x160x24xf32, #tpu.memory_space<vmem>> -> memref<1x160x24xf32, #tpu.memory_space<vmem>>
    %dma_wait3A_373 = tpu.memref_squeeze %dma_wait3A_372 : memref<1x160x24xf32, #tpu.memory_space<vmem>> -> memref<160x24xf32, #tpu.memory_space<vmem>>
    %dma_wait3A_374 = arith.constant 19680 : i32
    %dma_wait3A_375 = tpu.memref_slice %arg6[%dma_wait3A_374] : memref<20000xi32, #tpu.memory_space<vmem>> -> memref<160xi32, #tpu.memory_space<vmem>>
    %dma_wait3A_376 = arith.constant 0 : i32
    %dma_wait3A_377 = arith.constant 0 : i32
    %dma_wait3A_378 = tpu.memref_slice %arg8[%dma_wait3A_376, %dma_wait3A_377] : memref<10112x24xf32, #tpu.memory_space<vmem_shared>> -> memref<10112x24xf32, #tpu.memory_space<vmem_shared>>
    tpu.wait_indirect_dma semaphore(%arg18 : memref<!tpu.dma_semaphore, #tpu.memory_space<semaphore_mem>>) src(%dma_wait3A_373 : memref<160x24xf32, #tpu.memory_space<vmem>>) dst(%dma_wait3A_378 : memref<10112x24xf32, #tpu.memory_space<vmem_shared>>)
    %dma_wait3A_379 = arith.constant 0 : i32
    %dma_wait3A_380 = arith.constant 0 : i32
    %dma_wait3A_381 = arith.constant 0 : i32
    %dma_wait3A_382 = tpu.memref_slice %arg7[%dma_wait3A_379, %dma_wait3A_380, %dma_wait3A_381] : memref<4x160x24xf32, #tpu.memory_space<vmem>> -> memref<1x160x24xf32, #tpu.memory_space<vmem>>
    %dma_wait3A_383 = tpu.memref_squeeze %dma_wait3A_382 : memref<1x160x24xf32, #tpu.memory_space<vmem>> -> memref<160x24xf32, #tpu.memory_space<vmem>>
    %dma_wait3A_384 = arith.constant 19840 : i32
    %dma_wait3A_385 = tpu.memref_slice %arg6[%dma_wait3A_384] : memref<20000xi32, #tpu.memory_space<vmem>> -> memref<160xi32, #tpu.memory_space<vmem>>
    %dma_wait3A_386 = arith.constant 0 : i32
    %dma_wait3A_387 = arith.constant 0 : i32
    %dma_wait3A_388 = tpu.memref_slice %arg8[%dma_wait3A_386, %dma_wait3A_387] : memref<10112x24xf32, #tpu.memory_space<vmem_shared>> -> memref<10112x24xf32, #tpu.memory_space<vmem_shared>>
    tpu.wait_indirect_dma semaphore(%arg15 : memref<!tpu.dma_semaphore, #tpu.memory_space<semaphore_mem>>) src(%dma_wait3A_383 : memref<160x24xf32, #tpu.memory_space<vmem>>) dst(%dma_wait3A_388 : memref<10112x24xf32, #tpu.memory_space<vmem_shared>>)
    %barrier3A_389 = arith.constant 0 : index
    tpu.barrier barrier_id(%barrier3A_389)
    %mul3A_390 = arith.constant 632 : i32
    %mul3A_391 = arith.muli %arg1, %mul3A_390 : i32
    %mul3A_392 = arith.constant 10112 : i32
    %mul3A_393 = arith.muli %arg0, %mul3A_392 : i32
    %mul3A_394 = arith.constant 632 : i32
    %mul3A_395 = arith.muli %arg1, %mul3A_394 : i32
    %add3A = arith.addi %mul3A_393, %mul3A_395 : i32
    "tpu.region"() ({
      %run_scoped3A_396 = tpu.sem_alloc : memref<!tpu.dma_semaphore, #tpu.memory_space<semaphore_mem>>
      %dma_start3A_397 = arith.constant 0 : i32
      %dma_start3A_398 = tpu.memref_slice %arg4[%add3A, %dma_start3A_397] : memref<20224x24xf32, #tpu.memory_space<hbm>> -> memref<632x24xf32, #tpu.memory_space<hbm>>
      %dma_start3A_399 = arith.constant 0 : i32
      %dma_start3A_400 = tpu.memref_slice %arg8[%mul3A_391, %dma_start3A_399] : memref<10112x24xf32, #tpu.memory_space<vmem_shared>> -> memref<632x24xf32, #tpu.memory_space<vmem_shared>>
      tpu.enqueue_dma source(%dma_start3A_400 : memref<632x24xf32, #tpu.memory_space<vmem_shared>>) target(%dma_start3A_398 : memref<632x24xf32, #tpu.memory_space<hbm>>) target_semaphore(%run_scoped3A_396 : memref<!tpu.dma_semaphore, #tpu.memory_space<semaphore_mem>>)
      %dma_wait3A_401 = arith.constant 0 : i32
      %dma_wait3A_402 = tpu.memref_slice %arg4[%add3A, %dma_wait3A_401] : memref<20224x24xf32, #tpu.memory_space<hbm>> -> memref<632x24xf32, #tpu.memory_space<hbm>>
      %dma_wait3A_403 = arith.constant 0 : i32
      %dma_wait3A_404 = tpu.memref_slice %arg8[%mul3A_391, %dma_wait3A_403] : memref<10112x24xf32, #tpu.memory_space<vmem_shared>> -> memref<632x24xf32, #tpu.memory_space<vmem_shared>>
      tpu.wait_dma2 semaphore(%run_scoped3A_396 : memref<!tpu.dma_semaphore, #tpu.memory_space<semaphore_mem>>) src(%dma_wait3A_404 : memref<632x24xf32, #tpu.memory_space<vmem_shared>>) dst(%dma_wait3A_402 : memref<632x24xf32, #tpu.memory_space<hbm>>)
      tpu.yield
    }) : () -> ()
    return
  }
}

module attributes {stable_mosaic.version = 14 : i64} {
  func.func @_tc1_body(%arg0: memref<10000x128xf32, #tpu.memory_space<vmem>>, %arg1: memref<128x128xf32, #tpu.memory_space<vmem>>, %arg2: memref<2x10112x1xf32, #tpu.memory_space<vmem>>, %arg3: memref<20224x64xf32, #tpu.memory_space<vmem>>, %arg4: memref<10112x1xf32, #tpu.memory_space<vmem>>) attributes {dimension_semantics = [], scalar_prefetch = 0 : i64, scratch_operands = 0 : i64, tpu.core_type = #tpu.core_type<tc>} {
    %get3A = arith.constant 0 : index
    %get3A_0 = arith.constant 0 : index
    %get3A_1 = arith.constant 0 : index
    %get3A_2 = vector.load %arg2[%get3A, %get3A_0, %get3A_1] : memref<2x10112x1xf32, #tpu.memory_space<vmem>>, vector<1x10112x1xf32>
    %get3A_3 = vector.shape_cast %get3A_2 : vector<1x10112x1xf32> to vector<10112x1xf32>
    %get3A_4 = arith.constant 1 : index
    %get3A_5 = arith.constant 0 : index
    %get3A_6 = arith.constant 0 : index
    %get3A_7 = vector.load %arg2[%get3A_4, %get3A_5, %get3A_6] : memref<2x10112x1xf32, #tpu.memory_space<vmem>>, vector<1x10112x1xf32>
    %get3A_8 = vector.shape_cast %get3A_7 : vector<1x10112x1xf32> to vector<10112x1xf32>
    %add3A = arith.addf %get3A_3, %get3A_8 : vector<10112x1xf32>
    %add3A_9 = arith.constant 1.000000e+00 : f32
    %add3A_10 = vector.broadcast %add3A_9 : f32 to vector<10112x1xf32>
    %add3A_11 = arith.addf %add3A, %add3A_10 : vector<10112x1xf32>
    %max3A = arith.constant 1.000000e+00 : f32
    %max3A_12 = vector.broadcast %max3A : f32 to vector<10112x1xf32>
    %max3A_13 = arith.maximumf %add3A_11, %max3A_12 : vector<10112x1xf32>
    %rsqrt3A = math.rsqrt %max3A_13 : vector<10112x1xf32>
    %swap3A = arith.constant 0 : index
    %swap3A_14 = arith.constant 0 : index
    %swap3A_15 = vector.load %arg4[%swap3A, %swap3A_14] : memref<10112x1xf32, #tpu.memory_space<vmem>>, vector<10112x1xf32>
    tpu.vector_store %arg4[%swap3A, %swap3A_14], %rsqrt3A {strides = array<i32>} : memref<10112x1xf32, #tpu.memory_space<vmem>>, vector<10112x1xf32>,
    %get3A_16 = arith.constant 0 : index
    %get3A_17 = arith.constant 0 : index
    %get3A_18 = vector.load %arg0[%get3A_16, %get3A_17] : memref<10000x128xf32, #tpu.memory_space<vmem>>, vector<10000x128xf32>
    %get3A_19 = arith.constant 0 : index
    %get3A_20 = arith.constant 0 : index
    %get3A_21 = vector.load %arg1[%get3A_19, %get3A_20] : memref<128x128xf32, #tpu.memory_space<vmem>>, vector<128x128xf32>
    %dot_general3A = arith.constant dense<0.000000e+00> : vector<10000x128xf32>
    %dot_general3A_22 = tpu.matmul %get3A_18, %get3A_21, %dot_general3A {dimension_numbers = #tpu.dot_dimension_numbers<[1], [0], [0], [1], [0, 0, 1, 1], [], []>, transpose_lhs_hint = false} : vector<10000x128xf32>, vector<128x128xf32>, vector<10000x128xf32> -> vector<10000x128xf32>
    %slice3A = vector.extract_strided_slice %rsqrt3A {offsets = [0, 0], sizes = [10000, 1], strides = [1, 1]} : vector<10112x1xf32> to vector<10000x1xf32>
    %mul3A = vector.broadcast %slice3A : vector<10000x1xf32> to vector<10000x128xf32>
    %mul3A_23 = arith.mulf %dot_general3A_22, %mul3A : vector<10000x128xf32>
    %broadcast_in_dim3A = arith.constant 0.000000e+00 : f32
    %broadcast_in_dim3A_24 = vector.broadcast %broadcast_in_dim3A : f32 to vector<112x64xf32>
    %slice3A_25 = vector.extract_strided_slice %mul3A_23 {offsets = [0, 0], sizes = [10000, 64], strides = [1, 1]} : vector<10000x128xf32> to vector<10000x64xf32>
    %swap3A_26 = arith.constant 0 : index
    %swap3A_27 = arith.constant 0 : index
    %swap3A_28 = vector.load %arg3[%swap3A_26, %swap3A_27] : memref<20224x64xf32, #tpu.memory_space<vmem>>, vector<10000x64xf32>
    tpu.vector_store %arg3[%swap3A_26, %swap3A_27], %slice3A_25 {strides = array<i32>} : memref<20224x64xf32, #tpu.memory_space<vmem>>, vector<10000x64xf32>,
    %swap3A_29 = arith.constant 10000 : index
    %swap3A_30 = arith.constant 0 : index
    %swap3A_31 = vector.load %arg3[%swap3A_29, %swap3A_30] : memref<20224x64xf32, #tpu.memory_space<vmem>>, vector<112x64xf32>
    tpu.vector_store %arg3[%swap3A_29, %swap3A_30], %broadcast_in_dim3A_24 {strides = array<i32>} : memref<20224x64xf32, #tpu.memory_space<vmem>>, vector<112x64xf32>,
    %slice3A_32 = vector.extract_strided_slice %mul3A_23 {offsets = [0, 64], sizes = [10000, 64], strides = [1, 1]} : vector<10000x128xf32> to vector<10000x64xf32>
    %swap3A_33 = arith.constant 10112 : index
    %swap3A_34 = arith.constant 0 : index
    %swap3A_35 = vector.load %arg3[%swap3A_33, %swap3A_34] : memref<20224x64xf32, #tpu.memory_space<vmem>>, vector<10000x64xf32>
    tpu.vector_store %arg3[%swap3A_33, %swap3A_34], %slice3A_32 {strides = array<i32>} : memref<20224x64xf32, #tpu.memory_space<vmem>>, vector<10000x64xf32>,
    %swap3A_36 = arith.constant 20112 : index
    %swap3A_37 = arith.constant 0 : index
    %swap3A_38 = vector.load %arg3[%swap3A_36, %swap3A_37] : memref<20224x64xf32, #tpu.memory_space<vmem>>, vector<112x64xf32>
    tpu.vector_store %arg3[%swap3A_36, %swap3A_37], %broadcast_in_dim3A_24 {strides = array<i32>} : memref<20224x64xf32, #tpu.memory_space<vmem>>, vector<112x64xf32>,
    return
  }
}

module attributes {stable_mosaic.version = 14 : i64} {
  func.func @_tc2_body(%arg0: memref<20224x64xf32, #tpu.memory_space<vmem>>, %arg1: memref<20224x64xf32, #tpu.memory_space<vmem>>, %arg2: memref<10112x1xf32, #tpu.memory_space<vmem>>, %arg3: memref<1x128xf32, #tpu.memory_space<vmem>>, %arg4: memref<1x128xf32, #tpu.memory_space<vmem>>, %arg5: memref<1x128xf32, #tpu.memory_space<vmem>>, %arg6: memref<128x48xf32, #tpu.memory_space<vmem>>, %arg7: memref<20224x24xf32, #tpu.memory_space<vmem>>) attributes {dimension_semantics = [], scalar_prefetch = 0 : i64, scratch_operands = 0 : i64, tpu.core_type = #tpu.core_type<tc>} {
    %get3A = arith.constant 0 : index
    %get3A_0 = arith.constant 0 : index
    %get3A_1 = vector.load %arg2[%get3A, %get3A_0] : memref<10112x1xf32, #tpu.memory_space<vmem>>, vector<10000x1xf32>
    %get3A_2 = arith.constant 0 : index
    %get3A_3 = arith.constant 0 : index
    %get3A_4 = vector.load %arg0[%get3A_2, %get3A_3] : memref<20224x64xf32, #tpu.memory_space<vmem>>, vector<10000x64xf32>
    %get3A_5 = arith.constant 0 : index
    %get3A_6 = arith.constant 0 : index
    %get3A_7 = vector.load %arg1[%get3A_5, %get3A_6] : memref<20224x64xf32, #tpu.memory_space<vmem>>, vector<10000x64xf32>
    %add3A = arith.addf %get3A_4, %get3A_7 : vector<10000x64xf32>
    %get3A_8 = arith.constant 10112 : index
    %get3A_9 = arith.constant 0 : index
    %get3A_10 = vector.load %arg0[%get3A_8, %get3A_9] : memref<20224x64xf32, #tpu.memory_space<vmem>>, vector<10000x64xf32>
    %get3A_11 = arith.constant 10112 : index
    %get3A_12 = arith.constant 0 : index
    %get3A_13 = vector.load %arg1[%get3A_11, %get3A_12] : memref<20224x64xf32, #tpu.memory_space<vmem>>, vector<10000x64xf32>
    %add3A_14 = arith.addf %get3A_10, %get3A_13 : vector<10000x64xf32>
    %concatenate3A = tpu.concatenate %add3A, %add3A_14 in 1 : vector<10000x64xf32>, vector<10000x64xf32> -> vector<10000x128xf32>
    %mul3A = vector.broadcast %get3A_1 : vector<10000x1xf32> to vector<10000x128xf32>
    %mul3A_15 = arith.mulf %mul3A, %concatenate3A : vector<10000x128xf32>
    %get3A_16 = arith.constant 0 : index
    %get3A_17 = arith.constant 0 : index
    %get3A_18 = vector.load %arg3[%get3A_16, %get3A_17] : memref<1x128xf32, #tpu.memory_space<vmem>>, vector<1x128xf32>
    %add3A_19 = vector.broadcast %get3A_18 : vector<1x128xf32> to vector<10000x128xf32>
    %add3A_20 = arith.addf %mul3A_15, %add3A_19 : vector<10000x128xf32>
    %reduce_sum3A = arith.constant dense<0.000000e+00> : vector<128xf32>
    %reduce_sum3A_21 = vector.multi_reduction <add>, %add3A_20, %reduce_sum3A [0] : vector<10000x128xf32> to vector<128xf32>
    %broadcast_in_dim3A = vector.shape_cast %reduce_sum3A_21 : vector<128xf32> to vector<1x128xf32>
    %div3A = arith.constant 1.000000e+04 : f32
    %div3A_22 = vector.broadcast %div3A : f32 to vector<1x128xf32>
    %div3A_23 = arith.divf %broadcast_in_dim3A, %div3A_22 : vector<1x128xf32>
    %sub3A = vector.broadcast %div3A_23 : vector<1x128xf32> to vector<10000x128xf32>
    %sub3A_24 = arith.subf %add3A_20, %sub3A : vector<10000x128xf32>
    %mul3A_25 = arith.mulf %sub3A_24, %sub3A_24 : vector<10000x128xf32>
    %reduce_sum3A_26 = arith.constant dense<0.000000e+00> : vector<128xf32>
    %reduce_sum3A_27 = vector.multi_reduction <add>, %mul3A_25, %reduce_sum3A_26 [0] : vector<10000x128xf32> to vector<128xf32>
    %broadcast_in_dim3A_28 = vector.shape_cast %reduce_sum3A_27 : vector<128xf32> to vector<1x128xf32>
    %div3A_29 = arith.constant 1.000000e+04 : f32
    %div3A_30 = vector.broadcast %div3A_29 : f32 to vector<1x128xf32>
    %div3A_31 = arith.divf %broadcast_in_dim3A_28, %div3A_30 : vector<1x128xf32>
    %get3A_32 = arith.constant 0 : index
    %get3A_33 = arith.constant 0 : index
    %get3A_34 = vector.load %arg4[%get3A_32, %get3A_33] : memref<1x128xf32, #tpu.memory_space<vmem>>, vector<1x128xf32>
    %mul3A_35 = vector.broadcast %get3A_34 : vector<1x128xf32> to vector<10000x128xf32>
    %mul3A_36 = arith.mulf %mul3A_35, %sub3A_24 : vector<10000x128xf32>
    %add3A_37 = arith.constant 9.99999974E-6 : f32
    %add3A_38 = vector.broadcast %add3A_37 : f32 to vector<1x128xf32>
    %add3A_39 = arith.addf %div3A_31, %add3A_38 : vector<1x128xf32>
    %rsqrt3A = math.rsqrt %add3A_39 : vector<1x128xf32>
    %mul3A_40 = vector.broadcast %rsqrt3A : vector<1x128xf32> to vector<10000x128xf32>
    %mul3A_41 = arith.mulf %mul3A_36, %mul3A_40 : vector<10000x128xf32>
    %get3A_42 = arith.constant 0 : index
    %get3A_43 = arith.constant 0 : index
    %get3A_44 = vector.load %arg5[%get3A_42, %get3A_43] : memref<1x128xf32, #tpu.memory_space<vmem>>, vector<1x128xf32>
    %add3A_45 = vector.broadcast %get3A_44 : vector<1x128xf32> to vector<10000x128xf32>
    %add3A_46 = arith.addf %mul3A_41, %add3A_45 : vector<10000x128xf32>
    %max3A = arith.constant 0.000000e+00 : f32
    %max3A_47 = vector.broadcast %max3A : f32 to vector<10000x128xf32>
    %max3A_48 = arith.maximumf %add3A_46, %max3A_47 : vector<10000x128xf32>
    %get3A_49 = arith.constant 0 : index
    %get3A_50 = arith.constant 0 : index
    %get3A_51 = vector.load %arg6[%get3A_49, %get3A_50] : memref<128x48xf32, #tpu.memory_space<vmem>>, vector<128x48xf32>
    %dot_general3A = arith.constant dense<0.000000e+00> : vector<10000x48xf32>
    %dot_general3A_52 = tpu.matmul %max3A_48, %get3A_51, %dot_general3A {dimension_numbers = #tpu.dot_dimension_numbers<[1], [0], [0], [1], [0, 0, 1, 1], [], []>, transpose_lhs_hint = false} : vector<10000x128xf32>, vector<128x48xf32>, vector<10000x48xf32> -> vector<10000x48xf32>
    %mul3A_53 = vector.broadcast %get3A_1 : vector<10000x1xf32> to vector<10000x48xf32>
    %mul3A_54 = arith.mulf %dot_general3A_52, %mul3A_53 : vector<10000x48xf32>
    %broadcast_in_dim3A_55 = arith.constant 0.000000e+00 : f32
    %broadcast_in_dim3A_56 = vector.broadcast %broadcast_in_dim3A_55 : f32 to vector<112x24xf32>
    %slice3A = vector.extract_strided_slice %mul3A_54 {offsets = [0, 0], sizes = [10000, 24], strides = [1, 1]} : vector<10000x48xf32> to vector<10000x24xf32>
    %swap3A = arith.constant 0 : index
    %swap3A_57 = arith.constant 0 : index
    %swap3A_58 = vector.load %arg7[%swap3A, %swap3A_57] : memref<20224x24xf32, #tpu.memory_space<vmem>>, vector<10000x24xf32>
    tpu.vector_store %arg7[%swap3A, %swap3A_57], %slice3A {strides = array<i32>} : memref<20224x24xf32, #tpu.memory_space<vmem>>, vector<10000x24xf32>,
    %swap3A_59 = arith.constant 10000 : index
    %swap3A_60 = arith.constant 0 : index
    %swap3A_61 = vector.load %arg7[%swap3A_59, %swap3A_60] : memref<20224x24xf32, #tpu.memory_space<vmem>>, vector<112x24xf32>
    tpu.vector_store %arg7[%swap3A_59, %swap3A_60], %broadcast_in_dim3A_56 {strides = array<i32>} : memref<20224x24xf32, #tpu.memory_space<vmem>>, vector<112x24xf32>,
    %slice3A_62 = vector.extract_strided_slice %mul3A_54 {offsets = [0, 24], sizes = [10000, 24], strides = [1, 1]} : vector<10000x48xf32> to vector<10000x24xf32>
    %swap3A_63 = arith.constant 10112 : index
    %swap3A_64 = arith.constant 0 : index
    %swap3A_65 = vector.load %arg7[%swap3A_63, %swap3A_64] : memref<20224x24xf32, #tpu.memory_space<vmem>>, vector<10000x24xf32>
    tpu.vector_store %arg7[%swap3A_63, %swap3A_64], %slice3A_62 {strides = array<i32>} : memref<20224x24xf32, #tpu.memory_space<vmem>>, vector<10000x24xf32>,
    %swap3A_66 = arith.constant 20112 : index
    %swap3A_67 = arith.constant 0 : index
    %swap3A_68 = vector.load %arg7[%swap3A_66, %swap3A_67] : memref<20224x24xf32, #tpu.memory_space<vmem>>, vector<112x24xf32>
    tpu.vector_store %arg7[%swap3A_66, %swap3A_67], %broadcast_in_dim3A_56 {strides = array<i32>} : memref<20224x24xf32, #tpu.memory_space<vmem>>, vector<112x24xf32>,
    return
  }
}

module attributes {stable_mosaic.version = 14 : i64} {
  func.func @_tc3_body(%arg0: memref<20224x24xf32, #tpu.memory_space<vmem>>, %arg1: memref<20224x24xf32, #tpu.memory_space<vmem>>, %arg2: memref<10112x1xf32, #tpu.memory_space<vmem>>, %arg3: memref<1x40xf32, #tpu.memory_space<vmem>>, %arg4: memref<10000x40xf32, #tpu.memory_space<vmem>>) attributes {dimension_semantics = [], scalar_prefetch = 0 : i64, scratch_operands = 0 : i64, tpu.core_type = #tpu.core_type<tc>} {
    %get3A = arith.constant 0 : index
    %get3A_0 = arith.constant 0 : index
    %get3A_1 = vector.load %arg0[%get3A, %get3A_0] : memref<20224x24xf32, #tpu.memory_space<vmem>>, vector<10000x24xf32>
    %get3A_2 = arith.constant 0 : index
    %get3A_3 = arith.constant 0 : index
    %get3A_4 = vector.load %arg1[%get3A_2, %get3A_3] : memref<20224x24xf32, #tpu.memory_space<vmem>>, vector<10000x24xf32>
    %add3A = arith.addf %get3A_1, %get3A_4 : vector<10000x24xf32>
    %get3A_5 = arith.constant 10112 : index
    %get3A_6 = arith.constant 0 : index
    %get3A_7 = vector.load %arg0[%get3A_5, %get3A_6] : memref<20224x24xf32, #tpu.memory_space<vmem>>, vector<10000x24xf32>
    %get3A_8 = arith.constant 10112 : index
    %get3A_9 = arith.constant 0 : index
    %get3A_10 = vector.load %arg1[%get3A_8, %get3A_9] : memref<20224x24xf32, #tpu.memory_space<vmem>>, vector<10000x24xf32>
    %add3A_11 = arith.addf %get3A_7, %get3A_10 : vector<10000x24xf32>
    %get3A_12 = arith.constant 0 : index
    %get3A_13 = arith.constant 0 : index
    %get3A_14 = vector.load %arg2[%get3A_12, %get3A_13] : memref<10112x1xf32, #tpu.memory_space<vmem>>, vector<10000x1xf32>
    %concatenate3A = tpu.concatenate %add3A, %add3A_11 in 1 : vector<10000x24xf32>, vector<10000x24xf32> -> vector<10000x48xf32>
    %mul3A = vector.broadcast %get3A_14 : vector<10000x1xf32> to vector<10000x48xf32>
    %mul3A_15 = arith.mulf %mul3A, %concatenate3A : vector<10000x48xf32>
    %slice3A = vector.extract_strided_slice %mul3A_15 {offsets = [0, 0], sizes = [10000, 40], strides = [1, 1]} : vector<10000x48xf32> to vector<10000x40xf32>
    %get3A_16 = arith.constant 0 : index
    %get3A_17 = arith.constant 0 : index
    %get3A_18 = vector.load %arg3[%get3A_16, %get3A_17] : memref<1x40xf32, #tpu.memory_space<vmem>>, vector<1x40xf32>
    %add3A_19 = vector.broadcast %get3A_18 : vector<1x40xf32> to vector<10000x40xf32>
    %add3A_20 = arith.addf %slice3A, %add3A_19 : vector<10000x40xf32>
    %reduce_max3A = arith.constant dense<0xFF800000> : vector<10000xf32>
    %reduce_max3A_21 = vector.multi_reduction <maximumf>, %add3A_20, %reduce_max3A [1] : vector<10000x40xf32> to vector<10000xf32>
    %broadcast_in_dim3A = vector.shape_cast %reduce_max3A_21 : vector<10000xf32> to vector<10000x1xf32>
    %sub3A = vector.broadcast %broadcast_in_dim3A : vector<10000x1xf32> to vector<10000x40xf32>
    %sub3A_22 = arith.subf %add3A_20, %sub3A : vector<10000x40xf32>
    %exp3A = math.exp %sub3A_22 : vector<10000x40xf32>
    %reduce_sum3A = arith.constant dense<0.000000e+00> : vector<10000xf32>
    %reduce_sum3A_23 = vector.multi_reduction <add>, %exp3A, %reduce_sum3A [1] : vector<10000x40xf32> to vector<10000xf32>
    %broadcast_in_dim3A_24 = vector.shape_cast %reduce_sum3A_23 : vector<10000xf32> to vector<10000x1xf32>
    %log3A = math.log %broadcast_in_dim3A_24 : vector<10000x1xf32>
    %sub3A_25 = vector.broadcast %broadcast_in_dim3A : vector<10000x1xf32> to vector<10000x40xf32>
    %sub3A_26 = arith.subf %add3A_20, %sub3A_25 : vector<10000x40xf32>
    %sub3A_27 = vector.broadcast %log3A : vector<10000x1xf32> to vector<10000x40xf32>
    %sub3A_28 = arith.subf %sub3A_26, %sub3A_27 : vector<10000x40xf32>
    %swap3A = arith.constant 0 : index
    %swap3A_29 = arith.constant 0 : index
    %swap3A_30 = vector.load %arg4[%swap3A, %swap3A_29] : memref<10000x40xf32, #tpu.memory_space<vmem>>, vector<10000x40xf32>
    tpu.vector_store %arg4[%swap3A, %swap3A_29], %sub3A_28 {strides = array<i32>} : memref<10000x40xf32, #tpu.memory_space<vmem>>, vector<10000x40xf32>,
    return
  }
}

</mosaic_0001>

<sc_bundles>
// kernel: kernel.11.cloned.1.call-start
scs
__scs_entry_jumppad:
0x0: {  	(pc) =	sbr.rel $0x88, $3  }
0x1: {  	(tag) =	ssettag $0x0;
	lr =	simm.s32 $0x1  }
0x2: {  	[smem:$0x3F99] =	sst lr;
	_ =	strace $0xD0000000  }
0x3: {  	_ = 	snop  }
0x4: {  	_ = 	snop  }
0x5: {  	_ = 	snop  }
0x6: {  	_ = 	snop  }
0x7: {  	_ = 	snop  }
__scs_overlays_trampoline_lowered:
0x8: {  	[smem:$0x3FA8] =	sst s0  }
0x9: {  	[smem:$0x3FA9] =	sst s1  }
0xa: {  	[smem:$0x3FAA] =	sst s2  }
0xb: {  	[smem:$0x3FAB] =	sst s3  }
0xc: {  	[smem:$0x3FAC] =	sst s4  }
0xd: {  	[smem:$0x3FAD] =	sst s5  }
0xe: {  	[smem:$0x3FAE] =	sst s6  }
0xf: {  	[smem:$0x3FAF] =	sst s7  }
0x10: {  	[smem:$0x3FB0] =	sst s8  }
0x11: {  	[smem:$0x3FB1] =	sst s9;
	s0 =	simm.s32 @!p0 $0x0  }
0x12: {  	s1 =	sld [smem:$0x3F97];
	s0 =	simm.s32 @p0 $0x1  }
0x13: {  	[smem:$0x3FB2] =	sst s0;
	s0 =	simm.s32 @!p1 $0x0  }
0x14: {  	s2 =	sld [smem:$0x3F96];
	s0 =	simm.s32 @p1 $0x1  }
0x15: {  	[smem:$0x3FB3] =	sst s0;
	s0 =	simm.s32 @!p2 $0x0  }
0x16: {  	s3 =	sld [smem:$0x3FDB];
	s0 =	simm.s32 @p2 $0x1  }
0x17: {  	s4 =	simm.s32 $0x1BF5;
	[smem:$0x3FB5] =	sst s0  }
0x18: {  	s0 =	sld [smem:$0x3F98];
	_ =	swait.ge [sflag:s4], $0x0  }
0x19: {  	s7 =	sld [smem:$0x3F99]  }
0x1a: {  	s8 =	sadd.s32 $0xFFFFE003, lr  }
0x1b: {  	s9 =	sadd.s32 $0xFFFFFEF7, lr;
	s5 =	simm.s32 $0xFFFFFFFF;
	p2 =	slt.u32 s8, $0xFFFFF086  }
0x1c: {  	p1 =	slt.u32 s9, $0xF7A;
	s5 =	simm.s32 @!p2 $0x0  }
0x1d: {  	s5 =	simm.s32 @p1 $0x1;
	p0 =	seq.s32 s7, s2  }
0x1e: {  	s7 =	smul.u32 @!p0 $0xF7A, s2;
	p2 =	seq.s32 @!p0 s5, $0x0  }
0x1f: {  	s9 =	smul.u32 $0xF7A, s1;
	s8 =	simm.s32 @!p0 $0x1BF5;
	p2 =	por !p2, p0  }
0x20: {  	[sflag:s8] =	ssyncset.s32 @!p0 $0xFFFFF086;
	s6 =	sadd.s32 @!p0 s3, s7;
	s7 =	simm.s32 @!p0 $0x108  }
0x21: {  	s3 =	sadd.s32 s3, s9;
	s6 =	sadd.s32 @!p0 $0x88, s6;
	s7 =	simm.s32 @p2 $0x1082  }
0x22: {  	[simem:s7], [sflag:s8] =	dma.local @!p0 [hbm:s6], $0xF7A  }
0x23: {  	s9 =	sor.u32 $0xD0000000, s2;
	s6 =	simm.s32 $0x108;
	_ =	swait.ge @!p0 [sflag:s8], $0x0  }
0x24: {  	s3 =	sadd.s32 $0x88, s3;
	s6 =	simm.s32 @!p1 $0x1082;
	[sflag:s4] =	ssyncset.s32 $0xFFFFF086  }
0x25: {  	[simem:s6], [sflag:s4] =	dma.local [hbm:s3], $0xF7A  }
0x26: {  	[smem:$0x3F99] =	sst s1;
	(tag) =	ssettag s2;
	_ =	strace s9  }
0x27: {  	s1 =	sld [smem:$0x3FA9]  }
0x28: {  	s2 =	sld [smem:$0x3FAA]  }
0x29: {  	s4 =	sld [smem:$0x3FAC]  }
0x2a: {  	p0 =	seq.s32 s5, $0x0;
	s5 =	sld [smem:$0x3FAD]  }
0x2b: {  	s6 =	sld [smem:$0x3FAE]  }
0x2c: {  	s7 =	sld [smem:$0x3FAF]  }
0x2d: {  	s3 =	simm.s32 $0x108;
	s8 =	sld [smem:$0x3FB0]  }
0x2e: {  	s3 =	simm.s32 @!p0 $0x1082;
	s9 =	sld [smem:$0x3FB1]  }
0x2f: {  	lr =	sadd.s32 s0, s3;
	s0 =	sld [smem:$0x3FA8]  }
0x30: {  	s3 =	sld [smem:$0x3FAB]  }
0x31: {  	[smem:$0x3FB4] =	sst s10  }
0x32: {  	s10 =	sld [smem:$0x3FB2];
	_ =	sdelay $0x3  }
0x33: {  	p0 =	seq.s32 s10, $0x1;
	s10 =	sld [smem:$0x3FB4];
	_ =	sdelay $0x3  }
0x34: {  	[smem:$0x3FB4] =	sst s10  }
0x35: {  	s10 =	sld [smem:$0x3FB3];
	_ =	sdelay $0x3  }
0x36: {  	p1 =	seq.s32 s10, $0x1;
	s10 =	sld [smem:$0x3FB4];
	_ =	sdelay $0x3  }
0x37: {  	[smem:$0x3FB4] =	sst s10  }
0x38: {  	s10 =	sld [smem:$0x3FB5]  }
0x39: {  	_ = 	snop;
	(pc) =	sbr.ind lr, $3  }
0x3a: {  	_ = 	snop  }
0x3b: {  	_ = 	snop  }
0x3c: {  	p2 =	seq.s32 s10, $0x1;
	s10 =	sld [smem:$0x3FB4]  }
0x3d: {  	_ =	shalt  }
0x3e: {  	_ =	shalt  }
0x3f: {  	_ =	shalt  }
0x40: {  	_ =	shalt  }
0x41: {  	_ =	shalt  }
0x42: {  	_ =	shalt  }
0x43: {  	_ =	shalt  }
0x44: {  	_ =	shalt  }
0x45: {  	_ =	shalt  }
0x46: {  	_ =	shalt  }
0x47: {  	_ =	shalt  }
0x48: {  	_ =	shalt  }
0x49: {  	_ =	shalt  }
0x4a: {  	_ =	shalt  }
0x4b: {  	_ =	shalt  }
0x4c: {  	_ =	shalt  }
0x4d: {  	_ =	shalt  }
0x4e: {  	_ =	shalt  }
0x4f: {  	_ =	shalt  }
0x50: {  	_ =	shalt  }
0x51: {  	_ =	shalt  }
0x52: {  	_ =	shalt  }
0x53: {  	_ =	shalt  }
0x54: {  	_ =	shalt  }
0x55: {  	_ =	shalt  }
0x56: {  	_ =	shalt  }
0x57: {  	_ =	shalt  }
0x58: {  	_ =	shalt  }
0x59: {  	_ =	shalt  }
0x5a: {  	_ =	shalt  }
0x5b: {  	_ =	shalt  }
0x5c: {  	_ =	shalt  }
0x5d: {  	_ =	shalt  }
0x5e: {  	_ =	shalt  }
0x5f: {  	_ =	shalt  }
0x60: {  	_ =	shalt  }
0x61: {  	_ =	shalt  }
0x62: {  	_ =	shalt  }
0x63: {  	_ =	shalt  }
0x64: {  	_ =	shalt  }
0x65: {  	_ =	shalt  }
0x66: {  	_ =	shalt  }
0x67: {  	_ =	shalt  }
0x68: {  	_ =	shalt  }
0x69: {  	_ =	shalt  }
0x6a: {  	_ =	shalt  }
0x6b: {  	_ =	shalt  }
0x6c: {  	_ =	shalt  }
0x6d: {  	_ =	shalt  }
0x6e: {  	_ =	shalt  }
0x6f: {  	_ =	shalt  }
0x70: {  	_ =	shalt  }
0x71: {  	_ =	shalt  }
0x72: {  	_ =	shalt  }
0x73: {  	_ =	shalt  }
0x74: {  	_ =	shalt  }
0x75: {  	_ =	shalt  }
0x76: {  	_ =	shalt  }
0x77: {  	_ =	shalt  }
0x78: {  	_ =	shalt  }
0x79: {  	_ =	shalt  }
0x7a: {  	_ =	shalt  }
0x7b: {  	_ =	shalt  }
0x7c: {  	_ =	shalt  }
0x7d: {  	_ =	shalt  }
0x7e: {  	_ =	shalt  }
0x7f: {  	_ =	shalt  }
0x80: {  	_ =	shalt  }
0x81: {  	_ =	shalt  }
0x82: {  	_ =	shalt  }
0x83: {  	_ =	shalt  }
0x84: {  	_ =	shalt  }
0x85: {  	_ =	shalt  }
0x86: {  	_ =	shalt  }
0x87: {  	_ =	shalt  }
.Lfunc_end0:
.L_simem_size_0:
called_computation.1_lowered:
.L_overlay_start_0:
0x88: {  	s2 =	sld [smem:$0x3FD9]  }
0x89: {  	s3 =	sld [smem:$0x3FFE];
	_ =	sdelay $0x1  }
0x8a: {  	s1 =	srdreg.scid  }
0x8b: {  	s0 =	sand.u32 $0x1, s1  }
0x8c: {  	s16 =	sshll.u32 s0, $0xA;
	s2 =	sadd.s32 s3, s2  }
0x8d: {  	s2 =	sadd.s32 s2, s16  }
0x8e: {  	[smem:$0x3FC0] =	sst s2  }
0x8f: {  	_ = 	snop  }
0x90: {  	(tm) =	ssettm $0x1  }
0x91: {  	s17 =	sld [smem:$0x3FFB];
	_ =	sdelay $0x3  }
0x92: {  	_ =	strace s17  }
0x93: {  	s2 =	sld [smem:$0x3FFC];
	_ =	sdelay $0x3  }
0x94: {  	_ =	strace s2  }
0x95: {  	s2 =	sld [smem:$0x3FFD];
	_ =	sdelay $0x3  }
0x96: {  	_ =	strace s2  }
0x97: {  	_ =	strace $0x8FFFFFFF  }
0x98: {  	s18 =	sld [smem:$0x3FDB];
	_ =	sdelay $0x1  }
0x99: {  	s19 =	simm.s32 $_scs_section_size  }
0x9a: {  	s4 =	simm.s32 $_size__tile_overlayer_lowered;
	s5 =	simm.s32 $_tile_overlayer_lowered  }
0x9b: {  	s22 =	simm.s32 $0x1BFF;
	s21 =	sshll.u32 s5, $0x1;
	s2 =	sadd.s32 s19, s18  }
0x9c: {  	s6 =	simm.s32 $0x0;
	s20 =	sshll.u32 s4, $0x1;
	s4 =	sadd.s32 s21, s2  }
0x9d: {  	[timem:s6], [sflag:s22] =	dma.local [hbm:s4], s20  }
0x9e: {  	_ =	swait.ge [sflag:s22], s20  }
0x9f: {  	s3 =	ssub.s32 $0x0, s20;
	[sflag:s22] =	ssyncset.done $0x0  }
0xa0: {  	[sflag:s22] =	ssyncadd.s32 s3;
	_ =	sdelay $0x1  }
0xa1: {  	s23 =	simm.s32 $0x1B8B  }
0xa2: {  	_ =	swait.ge [sflag:s23], $0x1  }
0xa3: {  	[sflag:s23] =	ssyncset.done $0x0  }
0xa4: {  	s25 =	simm.s32 $0x1B8E;
	s24 =	sld [smem:$0x3FFE];
	[sflag:s23] =	ssyncadd.s32 $0xFFFFFFFF  }
0xa5: {  	s26 =	simm.s32 $execute0_lowered;
	[smem:$0x3FD2] =	sst s25  }
0xa6: {  	s4 =	sshll.u32 s26, $0x1;
	_ =	strace $0x80000049;
	[dreg:$0x1] =	wrdreg $0xFFFFFFFF  }
0xa7: {  	s28 =	simm.s32 $_size_execute0_lowered;
	s2 =	sadd.s32 s2, s4;
	[dreg:$0x0] =	wrdreg $0x0  }
0xa8: {  	s4 =	sshll.u32 s28, $0x1;
	[dreg:$0x2] =	wrdreg s2  }
0xa9: {  	[dreg:$0x3] =	wrdreg s4  }
0xaa: {  	[dreg:$0x4] =	wrdreg $0xC0  }
0xab: {  	_ =	task [dreg:s6], $0x5FFFF  }
0xac: {  	[dreg:$0x1] =	wrdreg $0xFFFFFFFF  }
0xad: {  	[dreg:$0x0] =	wrdreg $0x60  }
0xae: {  	[dreg:$0x2] =	wrdreg s24  }
0xaf: {  	[dreg:$0x3] =	wrdreg $0x13C400  }
0xb0: {  	[dreg:$0x4] =	wrdreg $0x9  }
0xb1: {  	_ =	task.clear_ibuf [dreg:s6], $0x5FFFF;
	_ =	strace $0x90000049  }
0xb2: {  	s29 =	simm.s32 $0x9;
	_ =	strace $0x8000004B  }
0xb3: {  	_ =	swait.ge [sflag:s29], $0x1  }
0xb4: {  	[sflag:s29] =	ssyncadd.s32 $0xFFFFFFFF  }
0xb5: {  	_ =	strace $0x9000004B  }
0xb6: {  	_ =	sfence  }
0xb7: {  	s30 =	sld [smem:$0x0];
	_ =	sdelay $0x2  }
0xb8: {  	s31 =	sshll.u32 s1, $0xD;
	s1 =	sshrl.u32 s1, $0x2  }
0xb9: {  	s3 =	sand.u32 $0x4000, s31;
	s1 =	sadd.s32 s1, s30  }
0xba: {  	s0 =	sor.u32 s3, s0;
	s1 =	sshll.u32 s1, $0x11  }
0xbb: {  	s0 =	sor.u32 s1, s0  }
0xbc: {  	s0 =	sadd.s32 $0x8F2B, s0  }
0xbd: {  	[sflag:s0] =	ssyncadd.remote.s32 $0x1  }
0xbe: {  	_ =	sfence.sel $0xFFFF  }
0xbf: {  	[dreg:$0x0] =	wrdreg $0xFFFFFFFF;
	(pc) =	sbr.abs _section_cstart, $3  }
0xc0: {  	[dreg:$0x1] =	wrdreg $0xFFFFFFFF  }
0xc1: {  	_ =	task.clear_ibuf [dreg:s6], $0x2FFFF;
	_ =	strace $0x9FFFFFFF  }
0xc2: {  	(tm) =	ssettm $0x7FFFFFFF  }
0xc3: {  	_ =	shalt  }
tec
execute0_lowered:
.L_overlay_start_1:
0x0: {  	(tag) =	ssettag $0x1  }
0x1: {  	s0 =	rddreg [dreg:$0x0];
	s8 =	stileid.u32  }
0x2: {  	s1 =	srdreg.scid;
	s2 =	rddreg [dreg:$0x1];
	s3 =	simm.s32 $0x0  }
0x3: {  	s10 =	simm.s32 $0xA;
	s11 =	simm.s32 $0x4E20;
	s12 =	simm.s32 $0x9C40  }
0x4: {  	s13 =	simm.s32 $0x1;
	s14 =	simm.s32 $0xA0;
	s15 =	simm.s32 $0xC440  }
0x5: {  	s17 =	simm.s32 $0xEC40;
	s18 =	simm.s32 $0x2;
	s20 =	simm.s32 $0x11440  }
0x6: {  	s21 =	simm.s32 $0x3;
	s22 =	simm.s32 $0x6;
	s23 =	simm.s32 $0x4  }
0x7: {  	s24 =	simm.s32 $0x7;
	s25 =	simm.s32 $0x5;
	s4 =	smul.u32 $0x4E20, s8  }
0x8: {  	s26 =	simm.s32 $0x8;
	s28 =	simm.s32 $0x9;
	s5 =	smul.u32 $0x278, s8  }
0x9: {  	s31 =	simm.s32 $0x9A60;
	s1 =	sand.u32 $0x1, s1;
	s8 =	smul.u32 $0x27800, s8  }
0xa: {  	[smem:$0x7FF] =	sst s3;
	s16 =	smul.u32 $0x2780, s1;
	s1 =	ssub.s32 $0x2, s1  }
0xb: {  	_ =	strace $0x8000004A;
	s4 =	sshrl.u32 s4, $0x3;
	s7 =	sshrl.u32 s1, $0x1  }
0xc: {  	s30 =	sshrl.u32 s8, $0x2;
	s6 =	sadd.s32 s4, s0;
	s29 =	sadd.s32 s5, s16  }
0xd: {  	s4 =	sadd.s32 $0x8D400, s0;
	s1 =	ssub.s32 s1, s7;
	s7 =	sadd.s32 s30, s2  }
0xe: {  	v0 =	vmov s16;
	s16 =	simm.s32 $0x9BA0;
	s5 =	sshll.u32 s29, $0x3;
	s9 =	smax.u32 s1, $0x1  }
0xf: {  	s1 =	simm.s32 $0x9B00;
	s0 =	sadd.s32 s5, s0;
	s5 =	sadd.s32 $0x3200, s6  }
0x10: {  	v1 =	vimm.f32 $0.0e+00;
	s6 =	sadd.s32 $0xCE40, s6;
	s8 =	sadd.s32 $0xB4C00, s0;
	s0 =	simm.s32 $0x0  }
.LBB2_1:
0x11: {  	[tilespmem:s3], [sflag:$0xA] =	stream.linear.gather [hbm4b:s5+s3], $0x4E20, $0x38;
	[tilespmem:$0x1DA40] =	vst v63  }
0x12: {  	_ =	swait.ge [sflag:s10], $0x4E20  }
0x13: {  	[sflag:s10] =	ssyncset.done $0x0  }
0x14: {  	[sflag:s10] =	ssyncadd.s32 $0xFFFFB1E0  }
0x15: {  	[tilespmem:s11], [sflag:$0xA] =	stream.linear.gather [hbm4b:s6+s3], $0x4E20, $0x38;
	[tilespmem:$0x1DA40] =	vst v63  }
0x16: {  	_ =	swait.ge [sflag:s10], $0x4E20  }
0x17: {  	[sflag:s10] =	ssyncset.done $0x0  }
0x18: {  	s19 =	simm.s32 $0x0;
	s29 =	simm.s32 $0x40;
	[sflag:s10] =	ssyncadd.s32 $0xFFFFB1E0  }
.LBB2_2:
0x19: {  	p0 =	sne.s32 s29, $0x13840;
	v2 =	vld [tilespmem:s19+$0x0];
	_ =	sdelay $0x1  }
.Ltmp0:
0x1a: {  	(pc) =	sbr.rel @p0 .LBB2_2-.Ltmp0, $3  }
0x1b: {  	_ =	sdelay $0x1  }
0x1c: {  	v2 =	vadd.s32 v0, v2  }
0x1d: {  	[tilespmem:s19+$0x0] =	vst v2;
	s19 =	sshra.s32 s29, $0x2;
	s29 =	sadd.s32 $0x40, s29  }
0x1e: {  	v2 =	vld [tilespmem:s19+$0x0];
	_ =	sdelay $0x4  }
0x1f: {  	v2 =	vadd.s32 v0, v2  }
0x20: {  	[tilespmem:s19+$0x0] =	vst v2  }
0x21: {  	[tilespmem:$0x9C40] =	vst v1  }
0x22: {  	[tilespmem:$0x9C50] =	vst v1  }
0x23: {  	[tilespmem:$0x9C60] =	vst v1  }
0x24: {  	[tilespmem:$0x9C70] =	vst v1  }
0x25: {  	[tilespmem:$0x9C80] =	vst v1  }
0x26: {  	[tilespmem:$0x9C90] =	vst v1  }
0x27: {  	[tilespmem:$0x9CA0] =	vst v1  }
0x28: {  	[tilespmem:$0x9CB0] =	vst v1  }
0x29: {  	[tilespmem:$0x9CC0] =	vst v1  }
0x2a: {  	[tilespmem:$0x9CD0] =	vst v1  }
0x2b: {  	[tilespmem:$0x9CE0] =	vst v1  }
0x2c: {  	[tilespmem:$0x9CF0] =	vst v1  }
0x2d: {  	[tilespmem:$0x9D00] =	vst v1  }
0x2e: {  	[tilespmem:$0x9D10] =	vst v1  }
0x2f: {  	[tilespmem:$0x9D20] =	vst v1  }
0x30: {  	[tilespmem:$0x9D30] =	vst v1  }
0x31: {  	[tilespmem:$0x9D40] =	vst v1  }
0x32: {  	[tilespmem:$0x9D50] =	vst v1  }
0x33: {  	[tilespmem:$0x9D60] =	vst v1  }
0x34: {  	[tilespmem:$0x9D70] =	vst v1  }
0x35: {  	[tilespmem:$0x9D80] =	vst v1  }
0x36: {  	[tilespmem:$0x9D90] =	vst v1  }
0x37: {  	[tilespmem:$0x9DA0] =	vst v1  }
0x38: {  	[tilespmem:$0x9DB0] =	vst v1  }
0x39: {  	[tilespmem:$0x9DC0] =	vst v1  }
0x3a: {  	[tilespmem:$0x9DD0] =	vst v1  }
0x3b: {  	[tilespmem:$0x9DE0] =	vst v1  }
0x3c: {  	[tilespmem:$0x9DF0] =	vst v1  }
0x3d: {  	[tilespmem:$0x9E00] =	vst v1  }
0x3e: {  	[tilespmem:$0x9E10] =	vst v1  }
0x3f: {  	[tilespmem:$0x9E20] =	vst v1  }
0x40: {  	s19 =	simm.s32 $0x0;
	[tilespmem:$0x9E30] =	vst v1  }
.LBB2_4:
0x41: {  	p0 =	sne.s32 s19, $0x27000  }
.Ltmp1:
0x42: {  	_ = 	snop;
	(pc) =	sbr.rel @p0 .LBB2_4-.Ltmp1, $4  }
0x43: {  	_ = 	snop  }
0x44: {  	s29 =	sshra.s32 s19, $0x2  }
0x45: {  	s19 =	sadd.s32 $0x800, s19;
	s29 =	sadd.s32 s29, s7  }
0x46: {  	[spmem:s29] =	stream.linear.scatter [tilespmem:s12], [sflag:$0x1], $0x200, $0x38;
	[tilespmem:$0x1DA40] =	vst v63  }
0x47: {  	_ =	swait.ge [sflag:s13], $0x200  }
0x48: {  	s19 =	simm.s32 $0x4E;
	[sflag:s13] =	ssyncset.done $0x0  }
.LBB2_6:
0x49: {  	p0 =	sne.s32 s19, $0x1;
	s19 =	sadd.s32 $0xFFFFFFFF, s19;
	[sflag:s13] =	ssyncadd.s32 $0xFFFFFE00  }
.Ltmp2:
0x4a: {  	(pc) =	sbr.rel @p0 .LBB2_6-.Ltmp2, $3  }
0x4b: {  	_ =	sdelay $0x1  }
0x4c: {  	_ =	swait.ge [sflag:s13], $0x200  }
0x4d: {  	[sflag:s13] =	ssyncset.done $0x0  }
0x4e: {  	[sflag:s13] =	ssyncadd.s32 $0xFFFFFE00  }
0x4f: {  	s19 =	simm.s32 $0x0;
	[bflag:$0x0] =	sbarrier.arrive $0xFFFF  }
0x50: {  	[tilespmem:s12], [sflag:$0x2] =	stream.indirect.gather [hbm4b:s4+s14], $0x40, s19, s14, $0xb8;
	[tilespmem:$0x1DA40] =	vst v63  }
0x51: {  	_ = 	snop  }
0x52: {  	[tilespmem:s15], [sflag:$0x3] =	stream.indirect.gather [hbm4b:s4+s14], $0x40, s14, s14, $0xb8;
	[tilespmem:$0x1DA40] =	vst v63  }
0x53: {  	s30 =	simm.s32 $0x140  }
0x54: {  	[tilespmem:s17], [sflag:$0x4] =	stream.indirect.gather [hbm4b:s4+s14], $0x40, s30, s14, $0xb8;
	[tilespmem:$0x1DA40] =	vst v63  }
0x55: {  	_ =	swait.ge [sflag:s18], $0x2800  }
0x56: {  	[sflag:s18] =	ssyncset.done $0x0  }
0x57: {  	[sflag:s18] =	ssyncadd.s32 $0xFFFFD800  }
0x58: {  	[spmem:s2] =	stream.indirect.scatter.add.f32 [tilespmem:s12], [sflag:$0x6], $0x40, s11, s14, $0xb8;
	[tilespmem:$0x1DA40] =	vst v63  }
0x59: {  	s30 =	simm.s32 $0x1E0  }
0x5a: {  	[tilespmem:s20], [sflag:$0x5] =	stream.indirect.gather [hbm4b:s4+s14], $0x40, s30, s14, $0xb8;
	[tilespmem:$0x1DA40] =	vst v63  }
0x5b: {  	_ =	swait.ge [sflag:s21], $0x2800  }
0x5c: {  	[sflag:s21] =	ssyncset.done $0x0  }
0x5d: {  	s30 =	simm.s32 $0x4EC0;
	[sflag:s21] =	ssyncadd.s32 $0xFFFFD800  }
0x5e: {  	[spmem:s2] =	stream.indirect.scatter.add.f32 [tilespmem:s15], [sflag:$0x7], $0x40, s30, s14, $0xb8;
	[tilespmem:$0x1DA40] =	vst v63  }
0x5f: {  	_ =	swait.ge [sflag:s22], $0x2800  }
0x60: {  	[sflag:s22] =	ssyncset.done $0x0  }
0x61: {  	s30 =	simm.s32 $0x280;
	[sflag:s22] =	ssyncadd.s32 $0xFFFFD800  }
0x62: {  	[tilespmem:s12], [sflag:$0x2] =	stream.indirect.gather [hbm4b:s4+s14], $0x40, s30, s14, $0xb8;
	[tilespmem:$0x1DA40] =	vst v63  }
0x63: {  	_ =	swait.ge [sflag:s23], $0x2800  }
0x64: {  	[sflag:s23] =	ssyncset.done $0x0  }
0x65: {  	s30 =	simm.s32 $0x4F60;
	[sflag:s23] =	ssyncadd.s32 $0xFFFFD800  }
0x66: {  	[spmem:s2] =	stream.indirect.scatter.add.f32 [tilespmem:s17], [sflag:$0x8], $0x40, s30, s14, $0xb8;
	[tilespmem:$0x1DA40] =	vst v63  }
0x67: {  	_ =	swait.ge [sflag:s24], $0x2800  }
0x68: {  	[sflag:s24] =	ssyncset.done $0x0  }
0x69: {  	s30 =	simm.s32 $0x320;
	[sflag:s24] =	ssyncadd.s32 $0xFFFFD800  }
0x6a: {  	[tilespmem:s15], [sflag:$0x3] =	stream.indirect.gather [hbm4b:s4+s14], $0x40, s30, s14, $0xb8;
	[tilespmem:$0x1DA40] =	vst v63  }
0x6b: {  	_ =	swait.ge [sflag:s25], $0x2800  }
0x6c: {  	[sflag:s25] =	ssyncset.done $0x0  }
0x6d: {  	s30 =	simm.s32 $0x5000;
	[sflag:s25] =	ssyncadd.s32 $0xFFFFD800  }
0x6e: {  	[spmem:s2] =	stream.indirect.scatter.add.f32 [tilespmem:s20], [sflag:$0x9], $0x40, s30, s14, $0xb8;
	[tilespmem:$0x1DA40] =	vst v63  }
0x6f: {  	_ =	swait.ge [sflag:s26], $0x2800  }
0x70: {  	[sflag:s26] =	ssyncset.done $0x0  }
0x71: {  	s30 =	simm.s32 $0x3C0;
	[sflag:s26] =	ssyncadd.s32 $0xFFFFD800  }
0x72: {  	[tilespmem:s17], [sflag:$0x4] =	stream.indirect.gather [hbm4b:s4+s14], $0x40, s30, s14, $0xb8;
	[tilespmem:$0x1DA40] =	vst v63  }
0x73: {  	_ =	swait.ge [sflag:s18], $0x2800  }
0x74: {  	[sflag:s18] =	ssyncset.done $0x0  }
0x75: {  	s30 =	simm.s32 $0x50A0;
	[sflag:s18] =	ssyncadd.s32 $0xFFFFD800  }
0x76: {  	[spmem:s2] =	stream.indirect.scatter.add.f32 [tilespmem:s12], [sflag:$0x6], $0x40, s30, s14, $0xb8;
	[tilespmem:$0x1DA40] =	vst v63  }
0x77: {  	_ =	swait.ge [sflag:s28], $0x2800  }
0x78: {  	[sflag:s28] =	ssyncset.done $0x0  }
0x79: {  	s29 =	simm.s32 $0x460;
	s19 =	simm.s32 $0xA00;
	[sflag:s28] =	ssyncadd.s32 $0xFFFFD800  }
.LBB2_8:
0x7a: {  	[tilespmem:s20], [sflag:$0x5] =	stream.indirect.gather [hbm4b:s4+s14], $0x40, s29, s14, $0xb8;
	[tilespmem:$0x1DA40] =	vst v63  }
0x7b: {  	s29 =	smov.u32 s19  }
0x7c: {  	p0 =	sne.s32 s19, $0x12200;
	s19 =	sadd.s32 $0xA00, s19;
	_ =	swait.ge [sflag:s21], $0x2800  }
0x7d: {  	s29 =	sshra.s32 s29, $0x2;
	[sflag:s21] =	ssyncset.done $0x0  }
0x7e: {  	s30 =	sadd.s32 $0x4EC0, s29;
	[sflag:s21] =	ssyncadd.s32 $0xFFFFD800  }
0x7f: {  	[spmem:s2] =	stream.indirect.scatter.add.f32 [tilespmem:s15], [sflag:$0x7], $0x40, s30, s14, $0xb8;
	[tilespmem:$0x1DA40] =	vst v63  }
0x80: {  	_ =	swait.ge [sflag:s22], $0x2800  }
0x81: {  	[sflag:s22] =	ssyncset.done $0x0  }
0x82: {  	s30 =	sadd.s32 $0x280, s29;
	[sflag:s22] =	ssyncadd.s32 $0xFFFFD800  }
0x83: {  	[tilespmem:s12], [sflag:$0x2] =	stream.indirect.gather [hbm4b:s4+s14], $0x40, s30, s14, $0xb8;
	[tilespmem:$0x1DA40] =	vst v63  }
0x84: {  	_ =	swait.ge [sflag:s23], $0x2800  }
0x85: {  	[sflag:s23] =	ssyncset.done $0x0  }
0x86: {  	s30 =	sadd.s32 $0x4F60, s29;
	[sflag:s23] =	ssyncadd.s32 $0xFFFFD800  }
0x87: {  	[spmem:s2] =	stream.indirect.scatter.add.f32 [tilespmem:s17], [sflag:$0x8], $0x40, s30, s14, $0xb8;
	[tilespmem:$0x1DA40] =	vst v63  }
0x88: {  	_ =	swait.ge [sflag:s24], $0x2800  }
0x89: {  	[sflag:s24] =	ssyncset.done $0x0  }
0x8a: {  	s30 =	sadd.s32 $0x320, s29;
	[sflag:s24] =	ssyncadd.s32 $0xFFFFD800  }
0x8b: {  	[tilespmem:s15], [sflag:$0x3] =	stream.indirect.gather [hbm4b:s4+s14], $0x40, s30, s14, $0xb8;
	[tilespmem:$0x1DA40] =	vst v63  }
0x8c: {  	_ =	swait.ge [sflag:s25], $0x2800  }
0x8d: {  	[sflag:s25] =	ssyncset.done $0x0  }
0x8e: {  	s30 =	sadd.s32 $0x5000, s29;
	[sflag:s25] =	ssyncadd.s32 $0xFFFFD800  }
0x8f: {  	[spmem:s2] =	stream.indirect.scatter.add.f32 [tilespmem:s20], [sflag:$0x9], $0x40, s30, s14, $0xb8;
	[tilespmem:$0x1DA40] =	vst v63  }
0x90: {  	_ =	swait.ge [sflag:s26], $0x2800  }
0x91: {  	[sflag:s26] =	ssyncset.done $0x0  }
0x92: {  	s30 =	sadd.s32 $0x3C0, s29;
	[sflag:s26] =	ssyncadd.s32 $0xFFFFD800  }
0x93: {  	[tilespmem:s17], [sflag:$0x4] =	stream.indirect.gather [hbm4b:s4+s14], $0x40, s30, s14, $0xb8;
	[tilespmem:$0x1DA40] =	vst v63  }
0x94: {  	_ =	swait.ge [sflag:s18], $0x2800  }
0x95: {  	[sflag:s18] =	ssyncset.done $0x0  }
.Ltmp3:
0x96: {  	s30 =	sadd.s32 $0x50A0, s29;
	[sflag:s18] =	ssyncadd.s32 $0xFFFFD800;
	(pc) =	sbr.rel @p0 .LBB2_8-.Ltmp3, $4  }
0x97: {  	[spmem:s2] =	stream.indirect.scatter.add.f32 [tilespmem:s12], [sflag:$0x6], $0x40, s30, s14, $0xb8;
	[tilespmem:$0x1DA40] =	vst v63  }
0x98: {  	_ =	swait.ge [sflag:s28], $0x2800  }
0x99: {  	[sflag:s28] =	ssyncset.done $0x0  }
0x9a: {  	s29 =	sadd.s32 $0x460, s29;
	[sflag:s28] =	ssyncadd.s32 $0xFFFFD800  }
0x9b: {  	[tilespmem:s20], [sflag:$0x5] =	stream.indirect.gather [hbm4b:s4+s14], $0x40, s29, s14, $0xb8;
	[tilespmem:$0x1DA40] =	vst v63  }
0x9c: {  	_ =	swait.ge [sflag:s21], $0x2800  }
0x9d: {  	[sflag:s21] =	ssyncset.done $0x0  }
0x9e: {  	s19 =	simm.s32 $0x99C0;
	[sflag:s21] =	ssyncadd.s32 $0xFFFFD800  }
0x9f: {  	[spmem:s2] =	stream.indirect.scatter.add.f32 [tilespmem:s15], [sflag:$0x7], $0x40, s19, s14, $0xb8;
	[tilespmem:$0x1DA40] =	vst v63  }
0xa0: {  	_ =	swait.ge [sflag:s22], $0x2800  }
0xa1: {  	[sflag:s22] =	ssyncset.done $0x0  }
0xa2: {  	s30 =	simm.s32 $0x4D80;
	[sflag:s22] =	ssyncadd.s32 $0xFFFFD800  }
0xa3: {  	[tilespmem:s12], [sflag:$0x2] =	stream.indirect.gather [hbm4b:s4+s14], $0x40, s30, s14, $0xb8;
	[tilespmem:$0x1DA40] =	vst v63  }
0xa4: {  	_ =	swait.ge [sflag:s23], $0x2800  }
0xa5: {  	[sflag:s23] =	ssyncset.done $0x0  }
0xa6: {  	[sflag:s23] =	ssyncadd.s32 $0xFFFFD800  }
0xa7: {  	[spmem:s2] =	stream.indirect.scatter.add.f32 [tilespmem:s17], [sflag:$0x8], $0x40, s31, s14, $0xb8;
	[tilespmem:$0x1DA40] =	vst v63  }
0xa8: {  	_ =	swait.ge [sflag:s24], $0x2800  }
0xa9: {  	[sflag:s24] =	ssyncset.done $0x0  }
0xaa: {  	[sflag:s24] =	ssyncadd.s32 $0xFFFFD800  }
0xab: {  	_ =	swait.ge [sflag:s25], $0x2800  }
0xac: {  	[sflag:s25] =	ssyncset.done $0x0  }
0xad: {  	[sflag:s25] =	ssyncadd.s32 $0xFFFFD800  }
0xae: {  	[spmem:s2] =	stream.indirect.scatter.add.f32 [tilespmem:s20], [sflag:$0x9], $0x40, s1, s14, $0xb8;
	[tilespmem:$0x1DA40] =	vst v63  }
0xaf: {  	_ =	swait.ge [sflag:s26], $0x2800  }
0xb0: {  	[sflag:s26] =	ssyncset.done $0x0  }
0xb1: {  	[sflag:s26] =	ssyncadd.s32 $0xFFFFD800  }
0xb2: {  	_ =	swait.ge [sflag:s18], $0x2800  }
0xb3: {  	[sflag:s18] =	ssyncset.done $0x0  }
0xb4: {  	[sflag:s18] =	ssyncadd.s32 $0xFFFFD800  }
0xb5: {  	[spmem:s2] =	stream.indirect.scatter.add.f32 [tilespmem:s12], [sflag:$0x6], $0x40, s16, s14, $0xb8;
	[tilespmem:$0x1DA40] =	vst v63  }
0xb6: {  	_ =	swait.ge [sflag:s28], $0x2800  }
0xb7: {  	[sflag:s28] =	ssyncset.done $0x0  }
0xb8: {  	[sflag:s28] =	ssyncadd.s32 $0xFFFFD800  }
0xb9: {  	s29 =	stileid.u32;
	_ =	swait.ge [sflag:s22], $0x2800  }
0xba: {  	s0 =	sadd.s32 $0x1, s0;
	s19 =	sshll.u32 s29, $0x6;
	[sflag:s22] =	ssyncset.done $0x0  }
0xbb: {  	p0 =	sne.s32 s0, s9;
	s19 =	sor.u32 $0x1C0A, s19;
	[sflag:s22] =	ssyncadd.s32 $0xFFFFD800  }
.Ltmp4:
0xbc: {  	s30 =	sshrl.u32 s7, $0x3;
	[bflag:$0x0] =	sbarrier.arrive $0xFFFF;
	(pc) =	sbr.rel @p0 .LBB2_1-.Ltmp4, $4  }
0xbd: {  	[hbm:s8], [sflag:s19] =	dma.local [spmem:s30], $0x13C0  }
0xbe: {  	_ =	swait.ge [sflag:s10], $0x13C0  }
0xbf: {  	[sflag:s10] =	ssyncset.done $0x0  }
0xc0: {  	[sflag:s10] =	ssyncadd.s32 $0xFFFFEC40  }
0xc1: {  	_ =	sfence.sel $0x180000  }
0xc2: {  	[bflag:$0x0] =	sbarrier.arrive $0xFFFF  }
0xc3: {  	_ =	strace $0x9000004A  }
0xc4: {  	s0 =	stileid.u32;
	[bflag:$0x2] =	sbarrier.arrive $0xFFFF  }
0xc5: {  	p0 =	sne.s32 s0, $0x0;
	s0 =	rddreg [dreg:$0x2]  }
0xc6: {  	s0 =	sadd.s32 @!p0 $0x100000, s0  }
0xc7: {  	[sflag:s0] =	ssyncadd.tile.s32 @!p0 $0x1;
	_ =	shalt  }
.Lfunc_end2:
_tile_overlayer_lowered:
.L_overlay_start_2:
0xc8: {  	(tag) =	ssettag $0x2  }
0xc9: {  	s0 =	rddreg [dreg:$0x0];
	s2 =	stileid.u32  }
0xca: {  	s1 =	rddreg [dreg:$0x1];
	p0 =	sne.s32 s2, $0x0  }
0xcb: {  	s3 =	rddreg [dreg:$0x2];
	[bflag:$0x3] =	sbarrier.arrive $0xFFFF;
	s2 =	simm.s32 @!p0 $0x1C0A  }
0xcc: {  	[timem:s3], [sflag:s2] =	dma.local @!p0 [hbm:s0], s1  }
0xcd: {  	s0 =	simm.s32 @!p0 $0xA  }
0xce: {  	_ =	swait.ge @!p0 [sflag:s0], s1  }
0xcf: {  	s1 =	ssub.s32 @!p0 $0x0, s1;
	[sflag:s0] =	ssyncset.done @!p0 $0x0  }
0xd0: {  	[sflag:s0] =	ssyncadd.s32 @!p0 s1  }
0xd1: {  	[bflag:$0x3] =	sbarrier.arrive $0xFFFF  }
0xd2: {  	_ =	shalt  }

// kernel: kernel.14.cloned.1.call-start
scs
__scs_entry_jumppad:
0x0: {  	(pc) =	sbr.rel $0x88, $3  }
0x1: {  	(tag) =	ssettag $0x0;
	lr =	simm.s32 $0x1  }
0x2: {  	[smem:$0x3F99] =	sst lr;
	_ =	strace $0xD0000000  }
0x3: {  	_ = 	snop  }
0x4: {  	_ = 	snop  }
0x5: {  	_ = 	snop  }
0x6: {  	_ = 	snop  }
0x7: {  	_ = 	snop  }
__scs_overlays_trampoline_lowered:
0x8: {  	[smem:$0x3FA8] =	sst s0  }
0x9: {  	[smem:$0x3FA9] =	sst s1  }
0xa: {  	[smem:$0x3FAA] =	sst s2  }
0xb: {  	[smem:$0x3FAB] =	sst s3  }
0xc: {  	[smem:$0x3FAC] =	sst s4  }
0xd: {  	[smem:$0x3FAD] =	sst s5  }
0xe: {  	[smem:$0x3FAE] =	sst s6  }
0xf: {  	[smem:$0x3FAF] =	sst s7  }
0x10: {  	[smem:$0x3FB0] =	sst s8  }
0x11: {  	[smem:$0x3FB1] =	sst s9;
	s0 =	simm.s32 @!p0 $0x0  }
0x12: {  	s1 =	sld [smem:$0x3F97];
	s0 =	simm.s32 @p0 $0x1  }
0x13: {  	[smem:$0x3FB2] =	sst s0;
	s0 =	simm.s32 @!p1 $0x0  }
0x14: {  	s2 =	sld [smem:$0x3F96];
	s0 =	simm.s32 @p1 $0x1  }
0x15: {  	[smem:$0x3FB3] =	sst s0;
	s0 =	simm.s32 @!p2 $0x0  }
0x16: {  	s3 =	sld [smem:$0x3FDB];
	s0 =	simm.s32 @p2 $0x1  }
0x17: {  	s4 =	simm.s32 $0x1BF5;
	[smem:$0x3FB5] =	sst s0  }
0x18: {  	s0 =	sld [smem:$0x3F98];
	_ =	swait.ge [sflag:s4], $0x0  }
0x19: {  	s7 =	sld [smem:$0x3F99]  }
0x1a: {  	s8 =	sadd.s32 $0xFFFFE003, lr  }
0x1b: {  	s9 =	sadd.s32 $0xFFFFFEF7, lr;
	s5 =	simm.s32 $0xFFFFFFFF;
	p2 =	slt.u32 s8, $0xFFFFF086  }
0x1c: {  	p1 =	slt.u32 s9, $0xF7A;
	s5 =	simm.s32 @!p2 $0x0  }
0x1d: {  	s5 =	simm.s32 @p1 $0x1;
	p0 =	seq.s32 s7, s2  }
0x1e: {  	s7 =	smul.u32 @!p0 $0xF7A, s2;
	p2 =	seq.s32 @!p0 s5, $0x0  }
0x1f: {  	s9 =	smul.u32 $0xF7A, s1;
	s8 =	simm.s32 @!p0 $0x1BF5;
	p2 =	por !p2, p0  }
0x20: {  	[sflag:s8] =	ssyncset.s32 @!p0 $0xFFFFF086;
	s6 =	sadd.s32 @!p0 s3, s7;
	s7 =	simm.s32 @!p0 $0x108  }
0x21: {  	s3 =	sadd.s32 s3, s9;
	s6 =	sadd.s32 @!p0 $0x88, s6;
	s7 =	simm.s32 @p2 $0x1082  }
0x22: {  	[simem:s7], [sflag:s8] =	dma.local @!p0 [hbm:s6], $0xF7A  }
0x23: {  	s9 =	sor.u32 $0xD0000000, s2;
	s6 =	simm.s32 $0x108;
	_ =	swait.ge @!p0 [sflag:s8], $0x0  }
0x24: {  	s3 =	sadd.s32 $0x88, s3;
	s6 =	simm.s32 @!p1 $0x1082;
	[sflag:s4] =	ssyncset.s32 $0xFFFFF086  }
0x25: {  	[simem:s6], [sflag:s4] =	dma.local [hbm:s3], $0xF7A  }
0x26: {  	[smem:$0x3F99] =	sst s1;
	(tag) =	ssettag s2;
	_ =	strace s9  }
0x27: {  	s1 =	sld [smem:$0x3FA9]  }
0x28: {  	s2 =	sld [smem:$0x3FAA]  }
0x29: {  	s4 =	sld [smem:$0x3FAC]  }
0x2a: {  	p0 =	seq.s32 s5, $0x0;
	s5 =	sld [smem:$0x3FAD]  }
0x2b: {  	s6 =	sld [smem:$0x3FAE]  }
0x2c: {  	s7 =	sld [smem:$0x3FAF]  }
0x2d: {  	s3 =	simm.s32 $0x108;
	s8 =	sld [smem:$0x3FB0]  }
0x2e: {  	s3 =	simm.s32 @!p0 $0x1082;
	s9 =	sld [smem:$0x3FB1]  }
0x2f: {  	lr =	sadd.s32 s0, s3;
	s0 =	sld [smem:$0x3FA8]  }
0x30: {  	s3 =	sld [smem:$0x3FAB]  }
0x31: {  	[smem:$0x3FB4] =	sst s10  }
0x32: {  	s10 =	sld [smem:$0x3FB2];
	_ =	sdelay $0x3  }
0x33: {  	p0 =	seq.s32 s10, $0x1;
	s10 =	sld [smem:$0x3FB4];
	_ =	sdelay $0x3  }
0x34: {  	[smem:$0x3FB4] =	sst s10  }
0x35: {  	s10 =	sld [smem:$0x3FB3];
	_ =	sdelay $0x3  }
0x36: {  	p1 =	seq.s32 s10, $0x1;
	s10 =	sld [smem:$0x3FB4];
	_ =	sdelay $0x3  }
0x37: {  	[smem:$0x3FB4] =	sst s10  }
0x38: {  	s10 =	sld [smem:$0x3FB5]  }
0x39: {  	_ = 	snop;
	(pc) =	sbr.ind lr, $3  }
0x3a: {  	_ = 	snop  }
0x3b: {  	_ = 	snop  }
0x3c: {  	p2 =	seq.s32 s10, $0x1;
	s10 =	sld [smem:$0x3FB4]  }
0x3d: {  	_ =	shalt  }
0x3e: {  	_ =	shalt  }
0x3f: {  	_ =	shalt  }
0x40: {  	_ =	shalt  }
0x41: {  	_ =	shalt  }
0x42: {  	_ =	shalt  }
0x43: {  	_ =	shalt  }
0x44: {  	_ =	shalt  }
0x45: {  	_ =	shalt  }
0x46: {  	_ =	shalt  }
0x47: {  	_ =	shalt  }
0x48: {  	_ =	shalt  }
0x49: {  	_ =	shalt  }
0x4a: {  	_ =	shalt  }
0x4b: {  	_ =	shalt  }
0x4c: {  	_ =	shalt  }
0x4d: {  	_ =	shalt  }
0x4e: {  	_ =	shalt  }
0x4f: {  	_ =	shalt  }
0x50: {  	_ =	shalt  }
0x51: {  	_ =	shalt  }
0x52: {  	_ =	shalt  }
0x53: {  	_ =	shalt  }
0x54: {  	_ =	shalt  }
0x55: {  	_ =	shalt  }
0x56: {  	_ =	shalt  }
0x57: {  	_ =	shalt  }
0x58: {  	_ =	shalt  }
0x59: {  	_ =	shalt  }
0x5a: {  	_ =	shalt  }
0x5b: {  	_ =	shalt  }
0x5c: {  	_ =	shalt  }
0x5d: {  	_ =	shalt  }
0x5e: {  	_ =	shalt  }
0x5f: {  	_ =	shalt  }
0x60: {  	_ =	shalt  }
0x61: {  	_ =	shalt  }
0x62: {  	_ =	shalt  }
0x63: {  	_ =	shalt  }
0x64: {  	_ =	shalt  }
0x65: {  	_ =	shalt  }
0x66: {  	_ =	shalt  }
0x67: {  	_ =	shalt  }
0x68: {  	_ =	shalt  }
0x69: {  	_ =	shalt  }
0x6a: {  	_ =	shalt  }
0x6b: {  	_ =	shalt  }
0x6c: {  	_ =	shalt  }
0x6d: {  	_ =	shalt  }
0x6e: {  	_ =	shalt  }
0x6f: {  	_ =	shalt  }
0x70: {  	_ =	shalt  }
0x71: {  	_ =	shalt  }
0x72: {  	_ =	shalt  }
0x73: {  	_ =	shalt  }
0x74: {  	_ =	shalt  }
0x75: {  	_ =	shalt  }
0x76: {  	_ =	shalt  }
0x77: {  	_ =	shalt  }
0x78: {  	_ =	shalt  }
0x79: {  	_ =	shalt  }
0x7a: {  	_ =	shalt  }
0x7b: {  	_ =	shalt  }
0x7c: {  	_ =	shalt  }
0x7d: {  	_ =	shalt  }
0x7e: {  	_ =	shalt  }
0x7f: {  	_ =	shalt  }
0x80: {  	_ =	shalt  }
0x81: {  	_ =	shalt  }
0x82: {  	_ =	shalt  }
0x83: {  	_ =	shalt  }
0x84: {  	_ =	shalt  }
0x85: {  	_ =	shalt  }
0x86: {  	_ =	shalt  }
0x87: {  	_ =	shalt  }
.Lfunc_end0:
.L_simem_size_0:
called_computation.2_lowered:
.L_overlay_start_0:
0x88: {  	s2 =	sld [smem:$0x3FD9]  }
0x89: {  	s3 =	sld [smem:$0x3FFE];
	_ =	sdelay $0x1  }
0x8a: {  	s1 =	srdreg.scid  }
0x8b: {  	s0 =	sand.u32 $0x1, s1  }
0x8c: {  	s16 =	sshll.u32 s0, $0xA;
	s2 =	sadd.s32 s3, s2  }
0x8d: {  	s2 =	sadd.s32 s2, s16  }
0x8e: {  	[smem:$0x3FC0] =	sst s2  }
0x8f: {  	_ = 	snop  }
0x90: {  	(tm) =	ssettm $0x1  }
0x91: {  	s17 =	sld [smem:$0x3FFB];
	_ =	sdelay $0x3  }
0x92: {  	_ =	strace s17  }
0x93: {  	s2 =	sld [smem:$0x3FFC];
	_ =	sdelay $0x3  }
0x94: {  	_ =	strace s2  }
0x95: {  	s2 =	sld [smem:$0x3FFD];
	_ =	sdelay $0x3  }
0x96: {  	_ =	strace s2  }
0x97: {  	_ =	strace $0x8FFFFFFF  }
0x98: {  	s18 =	sld [smem:$0x3FDB];
	_ =	sdelay $0x1  }
0x99: {  	s19 =	simm.s32 $_scs_section_size  }
0x9a: {  	s4 =	simm.s32 $_size__tile_overlayer_lowered;
	s5 =	simm.s32 $_tile_overlayer_lowered  }
0x9b: {  	s22 =	simm.s32 $0x1BFF;
	s21 =	sshll.u32 s5, $0x1;
	s2 =	sadd.s32 s19, s18  }
0x9c: {  	s6 =	simm.s32 $0x0;
	s20 =	sshll.u32 s4, $0x1;
	s4 =	sadd.s32 s21, s2  }
0x9d: {  	[timem:s6], [sflag:s22] =	dma.local [hbm:s4], s20  }
0x9e: {  	_ =	swait.ge [sflag:s22], s20  }
0x9f: {  	s3 =	ssub.s32 $0x0, s20;
	[sflag:s22] =	ssyncset.done $0x0  }
0xa0: {  	[sflag:s22] =	ssyncadd.s32 s3;
	_ =	sdelay $0x1  }
0xa1: {  	s23 =	simm.s32 $0x1B8B  }
0xa2: {  	_ =	swait.ge [sflag:s23], $0x1  }
0xa3: {  	[sflag:s23] =	ssyncset.done $0x0  }
0xa4: {  	s25 =	simm.s32 $0x1B8E;
	s24 =	sld [smem:$0x3FFE];
	[sflag:s23] =	ssyncadd.s32 $0xFFFFFFFF  }
0xa5: {  	s26 =	simm.s32 $execute0_lowered;
	[smem:$0x3FD2] =	sst s25  }
0xa6: {  	s4 =	sshll.u32 s26, $0x1;
	_ =	strace $0x8000004C;
	[dreg:$0x1] =	wrdreg $0xFFFFFFFF  }
0xa7: {  	s28 =	simm.s32 $_size_execute0_lowered;
	s2 =	sadd.s32 s2, s4;
	[dreg:$0x0] =	wrdreg $0x0  }
0xa8: {  	s4 =	sshll.u32 s28, $0x1;
	[dreg:$0x2] =	wrdreg s2  }
0xa9: {  	[dreg:$0x3] =	wrdreg s4  }
0xaa: {  	[dreg:$0x4] =	wrdreg $0xC0  }
0xab: {  	_ =	task [dreg:s6], $0x5FFFF  }
0xac: {  	[dreg:$0x1] =	wrdreg $0xFFFFFFFF  }
0xad: {  	[dreg:$0x0] =	wrdreg $0x60  }
0xae: {  	[dreg:$0x2] =	wrdreg s24  }
0xaf: {  	[dreg:$0x3] =	wrdreg $0xD8400  }
0xb0: {  	[dreg:$0x4] =	wrdreg $0x9  }
0xb1: {  	_ =	task.clear_ibuf [dreg:s6], $0x5FFFF;
	_ =	strace $0x9000004C  }
0xb2: {  	s29 =	simm.s32 $0x9;
	_ =	strace $0x8000004E  }
0xb3: {  	_ =	swait.ge [sflag:s29], $0x1  }
0xb4: {  	[sflag:s29] =	ssyncadd.s32 $0xFFFFFFFF  }
0xb5: {  	_ =	strace $0x9000004E  }
0xb6: {  	_ =	sfence  }
0xb7: {  	s30 =	sld [smem:$0x0];
	_ =	sdelay $0x2  }
0xb8: {  	s31 =	sshll.u32 s1, $0xD;
	s1 =	sshrl.u32 s1, $0x2  }
0xb9: {  	s3 =	sand.u32 $0x4000, s31;
	s1 =	sadd.s32 s1, s30  }
0xba: {  	s0 =	sor.u32 s3, s0;
	s1 =	sshll.u32 s1, $0x11  }
0xbb: {  	s0 =	sor.u32 s1, s0  }
0xbc: {  	s0 =	sadd.s32 $0x8F2B, s0  }
0xbd: {  	[sflag:s0] =	ssyncadd.remote.s32 $0x1  }
0xbe: {  	_ =	sfence.sel $0xFFFF  }
0xbf: {  	[dreg:$0x0] =	wrdreg $0xFFFFFFFF;
	(pc) =	sbr.abs _section_cstart, $3  }
0xc0: {  	[dreg:$0x1] =	wrdreg $0xFFFFFFFF  }
0xc1: {  	_ =	task.clear_ibuf [dreg:s6], $0x2FFFF;
	_ =	strace $0x9FFFFFFF  }
0xc2: {  	(tm) =	ssettm $0x7FFFFFFF  }
0xc3: {  	_ =	shalt  }
tec
execute0_lowered:
.L_overlay_start_1:
0x0: {  	(tag) =	ssettag $0x1  }
0x1: {  	s0 =	rddreg [dreg:$0x0];
	s1 =	srdreg.scid  }
0x2: {  	s2 =	rddreg [dreg:$0x1];
	s8 =	stileid.u32;
	s3 =	simm.s32 $0x0  }
0x3: {  	s10 =	simm.s32 $0xA;
	s11 =	simm.s32 $0x4E20;
	s12 =	simm.s32 $0x9C40  }
0x4: {  	s13 =	simm.s32 $0x1;
	s14 =	simm.s32 $0xA0;
	s15 =	simm.s32 $0xAB40  }
0x5: {  	s17 =	simm.s32 $0xBA40;
	s18 =	simm.s32 $0x2;
	s20 =	simm.s32 $0xC940  }
0x6: {  	s21 =	simm.s32 $0x3;
	s22 =	simm.s32 $0x6;
	s23 =	simm.s32 $0x4  }
0x7: {  	s24 =	simm.s32 $0x7;
	s25 =	simm.s32 $0x5;
	s4 =	smul.u32 $0x278, s8  }
0x8: {  	s26 =	simm.s32 $0x8;
	s28 =	simm.s32 $0x9;
	s5 =	smul.u32 $0x4E20, s8  }
0x9: {  	s31 =	simm.s32 $0x9A60;
	s1 =	sand.u32 $0x1, s1;
	s8 =	smul.u32 $0xED00, s8  }
0xa: {  	[smem:$0x7FF] =	sst s3;
	s16 =	smul.u32 $0x2780, s1;
	s1 =	ssub.s32 $0x2, s1  }
0xb: {  	_ =	strace $0x8000004D;
	s5 =	sshrl.u32 s5, $0x3;
	s30 =	sshrl.u32 s1, $0x1  }
0xc: {  	s8 =	sshrl.u32 s8, $0x2;
	s4 =	sadd.s32 s4, s16;
	s7 =	sadd.s32 s5, s0  }
0xd: {  	s1 =	ssub.s32 s1, s30;
	s8 =	sadd.s32 s8, s2;
	s6 =	smul.u32 $0x3, s4  }
0xe: {  	v0 =	vmov s16;
	s16 =	simm.s32 $0x9BA0;
	s4 =	sadd.s32 $0x65C00, s0;
	s5 =	sadd.s32 $0x3200, s7  }
0xf: {  	s9 =	smax.u32 s1, $0x1;
	s1 =	simm.s32 $0x0;
	s0 =	sadd.s32 s6, s0  }
0x10: {  	v1 =	vimm.f32 $0.0e+00;
	s6 =	sadd.s32 $0xCE40, s7;
	s7 =	sadd.s32 $0x74A00, s0;
	s0 =	simm.s32 $0x9B00  }
.LBB2_1:
0x11: {  	[tilespmem:s3], [sflag:$0xA] =	stream.linear.gather [hbm4b:s5+s3], $0x4E20, $0x38;
	[tilespmem:$0x11380] =	vst v63  }
0x12: {  	_ =	swait.ge [sflag:s10], $0x4E20  }
0x13: {  	[sflag:s10] =	ssyncset.done $0x0  }
0x14: {  	[sflag:s10] =	ssyncadd.s32 $0xFFFFB1E0  }
0x15: {  	[tilespmem:s11], [sflag:$0xA] =	stream.linear.gather [hbm4b:s6+s3], $0x4E20, $0x38;
	[tilespmem:$0x11380] =	vst v63  }
0x16: {  	_ =	swait.ge [sflag:s10], $0x4E20  }
0x17: {  	[sflag:s10] =	ssyncset.done $0x0  }
0x18: {  	s19 =	simm.s32 $0x0;
	s29 =	simm.s32 $0x40;
	[sflag:s10] =	ssyncadd.s32 $0xFFFFB1E0  }
.LBB2_2:
0x19: {  	p0 =	sne.s32 s29, $0x13840;
	v2 =	vld [tilespmem:s19+$0x0];
	_ =	sdelay $0x1  }
.Ltmp0:
0x1a: {  	(pc) =	sbr.rel @p0 .LBB2_2-.Ltmp0, $3  }
0x1b: {  	_ =	sdelay $0x1  }
0x1c: {  	v2 =	vadd.s32 v0, v2  }
0x1d: {  	[tilespmem:s19+$0x0] =	vst v2;
	s19 =	sshra.s32 s29, $0x2;
	s29 =	sadd.s32 $0x40, s29  }
0x1e: {  	v2 =	vld [tilespmem:s19+$0x0];
	_ =	sdelay $0x4  }
0x1f: {  	v2 =	vadd.s32 v0, v2  }
0x20: {  	[tilespmem:s19+$0x0] =	vst v2  }
0x21: {  	[tilespmem:$0x9C40] =	vst v1  }
0x22: {  	[tilespmem:$0x9C58] =	vst v1  }
0x23: {  	[tilespmem:$0x9C70] =	vst v1  }
0x24: {  	[tilespmem:$0x9C88] =	vst v1  }
0x25: {  	[tilespmem:$0x9CA0] =	vst v1  }
0x26: {  	[tilespmem:$0x9CB8] =	vst v1  }
0x27: {  	[tilespmem:$0x9CD0] =	vst v1  }
0x28: {  	[tilespmem:$0x9CE8] =	vst v1  }
0x29: {  	[tilespmem:$0x9C48] =	vst v1  }
0x2a: {  	[tilespmem:$0x9C60] =	vst v1  }
0x2b: {  	[tilespmem:$0x9C78] =	vst v1  }
0x2c: {  	[tilespmem:$0x9C90] =	vst v1  }
0x2d: {  	[tilespmem:$0x9CA8] =	vst v1  }
0x2e: {  	[tilespmem:$0x9CC0] =	vst v1  }
0x2f: {  	[tilespmem:$0x9CD8] =	vst v1  }
0x30: {  	s19 =	simm.s32 $0x0;
	[tilespmem:$0x9CF0] =	vst v1  }
.LBB2_4:
0x31: {  	p0 =	sne.s32 s19, $0xEA00  }
.Ltmp1:
0x32: {  	_ = 	snop;
	(pc) =	sbr.rel @p0 .LBB2_4-.Ltmp1, $4  }
0x33: {  	_ = 	snop  }
0x34: {  	s29 =	sshra.s32 s19, $0x2  }
0x35: {  	s19 =	sadd.s32 $0x300, s19;
	s29 =	sadd.s32 s29, s8  }
0x36: {  	[spmem:s29] =	stream.linear.scatter [tilespmem:s12], [sflag:$0x1], $0xC0, $0x38;
	[tilespmem:$0x11380] =	vst v63  }
0x37: {  	_ =	swait.ge [sflag:s13], $0xC0  }
0x38: {  	s19 =	simm.s32 $0x4E;
	[sflag:s13] =	ssyncset.done $0x0  }
.LBB2_6:
0x39: {  	p0 =	sne.s32 s19, $0x1;
	s19 =	sadd.s32 $0xFFFFFFFF, s19;
	[sflag:s13] =	ssyncadd.s32 $0xFFFFFF40  }
.Ltmp2:
0x3a: {  	(pc) =	sbr.rel @p0 .LBB2_6-.Ltmp2, $3  }
0x3b: {  	_ =	sdelay $0x1  }
0x3c: {  	_ =	swait.ge [sflag:s13], $0xC0  }
0x3d: {  	[sflag:s13] =	ssyncset.done $0x0  }
0x3e: {  	[sflag:s13] =	ssyncadd.s32 $0xFFFFFF40  }
0x3f: {  	s19 =	simm.s32 $0x0;
	[bflag:$0x0] =	sbarrier.arrive $0xFFFF  }
0x40: {  	[tilespmem:s12], [sflag:$0x2] =	stream.indirect.gather [hbm4b:s4+s14], $0x18, s19, s14, $0xb8;
	[tilespmem:$0x11380] =	vst v63  }
0x41: {  	_ = 	snop  }
0x42: {  	[tilespmem:s15], [sflag:$0x3] =	stream.indirect.gather [hbm4b:s4+s14], $0x18, s14, s14, $0xb8;
	[tilespmem:$0x11380] =	vst v63  }
0x43: {  	s30 =	simm.s32 $0x140  }
0x44: {  	[tilespmem:s17], [sflag:$0x4] =	stream.indirect.gather [hbm4b:s4+s14], $0x18, s30, s14, $0xb8;
	[tilespmem:$0x11380] =	vst v63  }
0x45: {  	_ =	swait.ge [sflag:s18], $0xF00  }
0x46: {  	[sflag:s18] =	ssyncset.done $0x0  }
0x47: {  	[sflag:s18] =	ssyncadd.s32 $0xFFFFF100  }
0x48: {  	[spmem:s2] =	stream.indirect.scatter.add.f32 [tilespmem:s12], [sflag:$0x6], $0x18, s11, s14, $0xb8;
	[tilespmem:$0x11380] =	vst v63  }
0x49: {  	s30 =	simm.s32 $0x1E0  }
0x4a: {  	[tilespmem:s20], [sflag:$0x5] =	stream.indirect.gather [hbm4b:s4+s14], $0x18, s30, s14, $0xb8;
	[tilespmem:$0x11380] =	vst v63  }
0x4b: {  	_ =	swait.ge [sflag:s21], $0xF00  }
0x4c: {  	[sflag:s21] =	ssyncset.done $0x0  }
0x4d: {  	s30 =	simm.s32 $0x4EC0;
	[sflag:s21] =	ssyncadd.s32 $0xFFFFF100  }
0x4e: {  	[spmem:s2] =	stream.indirect.scatter.add.f32 [tilespmem:s15], [sflag:$0x7], $0x18, s30, s14, $0xb8;
	[tilespmem:$0x11380] =	vst v63  }
0x4f: {  	_ =	swait.ge [sflag:s22], $0xF00  }
0x50: {  	[sflag:s22] =	ssyncset.done $0x0  }
0x51: {  	s30 =	simm.s32 $0x280;
	[sflag:s22] =	ssyncadd.s32 $0xFFFFF100  }
0x52: {  	[tilespmem:s12], [sflag:$0x2] =	stream.indirect.gather [hbm4b:s4+s14], $0x18, s30, s14, $0xb8;
	[tilespmem:$0x11380] =	vst v63  }
0x53: {  	_ =	swait.ge [sflag:s23], $0xF00  }
0x54: {  	[sflag:s23] =	ssyncset.done $0x0  }
0x55: {  	s30 =	simm.s32 $0x4F60;
	[sflag:s23] =	ssyncadd.s32 $0xFFFFF100  }
0x56: {  	[spmem:s2] =	stream.indirect.scatter.add.f32 [tilespmem:s17], [sflag:$0x8], $0x18, s30, s14, $0xb8;
	[tilespmem:$0x11380] =	vst v63  }
0x57: {  	_ =	swait.ge [sflag:s24], $0xF00  }
0x58: {  	[sflag:s24] =	ssyncset.done $0x0  }
0x59: {  	s30 =	simm.s32 $0x320;
	[sflag:s24] =	ssyncadd.s32 $0xFFFFF100  }
0x5a: {  	[tilespmem:s15], [sflag:$0x3] =	stream.indirect.gather [hbm4b:s4+s14], $0x18, s30, s14, $0xb8;
	[tilespmem:$0x11380] =	vst v63  }
0x5b: {  	_ =	swait.ge [sflag:s25], $0xF00  }
0x5c: {  	[sflag:s25] =	ssyncset.done $0x0  }
0x5d: {  	s30 =	simm.s32 $0x5000;
	[sflag:s25] =	ssyncadd.s32 $0xFFFFF100  }
0x5e: {  	[spmem:s2] =	stream.indirect.scatter.add.f32 [tilespmem:s20], [sflag:$0x9], $0x18, s30, s14, $0xb8;
	[tilespmem:$0x11380] =	vst v63  }
0x5f: {  	_ =	swait.ge [sflag:s26], $0xF00  }
0x60: {  	[sflag:s26] =	ssyncset.done $0x0  }
0x61: {  	s30 =	simm.s32 $0x3C0;
	[sflag:s26] =	ssyncadd.s32 $0xFFFFF100  }
0x62: {  	[tilespmem:s17], [sflag:$0x4] =	stream.indirect.gather [hbm4b:s4+s14], $0x18, s30, s14, $0xb8;
	[tilespmem:$0x11380] =	vst v63  }
0x63: {  	_ =	swait.ge [sflag:s18], $0xF00  }
0x64: {  	[sflag:s18] =	ssyncset.done $0x0  }
0x65: {  	s30 =	simm.s32 $0x50A0;
	[sflag:s18] =	ssyncadd.s32 $0xFFFFF100  }
0x66: {  	[spmem:s2] =	stream.indirect.scatter.add.f32 [tilespmem:s12], [sflag:$0x6], $0x18, s30, s14, $0xb8;
	[tilespmem:$0x11380] =	vst v63  }
0x67: {  	_ =	swait.ge [sflag:s28], $0xF00  }
0x68: {  	[sflag:s28] =	ssyncset.done $0x0  }
0x69: {  	s29 =	simm.s32 $0x460;
	s19 =	simm.s32 $0xA00;
	[sflag:s28] =	ssyncadd.s32 $0xFFFFF100  }
.LBB2_8:
0x6a: {  	[tilespmem:s20], [sflag:$0x5] =	stream.indirect.gather [hbm4b:s4+s14], $0x18, s29, s14, $0xb8;
	[tilespmem:$0x11380] =	vst v63  }
0x6b: {  	s29 =	smov.u32 s19  }
0x6c: {  	p0 =	sne.s32 s19, $0x12200;
	s19 =	sadd.s32 $0xA00, s19;
	_ =	swait.ge [sflag:s21], $0xF00  }
0x6d: {  	s29 =	sshra.s32 s29, $0x2;
	[sflag:s21] =	ssyncset.done $0x0  }
0x6e: {  	s30 =	sadd.s32 $0x4EC0, s29;
	[sflag:s21] =	ssyncadd.s32 $0xFFFFF100  }
0x6f: {  	[spmem:s2] =	stream.indirect.scatter.add.f32 [tilespmem:s15], [sflag:$0x7], $0x18, s30, s14, $0xb8;
	[tilespmem:$0x11380] =	vst v63  }
0x70: {  	_ =	swait.ge [sflag:s22], $0xF00  }
0x71: {  	[sflag:s22] =	ssyncset.done $0x0  }
0x72: {  	s30 =	sadd.s32 $0x280, s29;
	[sflag:s22] =	ssyncadd.s32 $0xFFFFF100  }
0x73: {  	[tilespmem:s12], [sflag:$0x2] =	stream.indirect.gather [hbm4b:s4+s14], $0x18, s30, s14, $0xb8;
	[tilespmem:$0x11380] =	vst v63  }
0x74: {  	_ =	swait.ge [sflag:s23], $0xF00  }
0x75: {  	[sflag:s23] =	ssyncset.done $0x0  }
0x76: {  	s30 =	sadd.s32 $0x4F60, s29;
	[sflag:s23] =	ssyncadd.s32 $0xFFFFF100  }
0x77: {  	[spmem:s2] =	stream.indirect.scatter.add.f32 [tilespmem:s17], [sflag:$0x8], $0x18, s30, s14, $0xb8;
	[tilespmem:$0x11380] =	vst v63  }
0x78: {  	_ =	swait.ge [sflag:s24], $0xF00  }
0x79: {  	[sflag:s24] =	ssyncset.done $0x0  }
0x7a: {  	s30 =	sadd.s32 $0x320, s29;
	[sflag:s24] =	ssyncadd.s32 $0xFFFFF100  }
0x7b: {  	[tilespmem:s15], [sflag:$0x3] =	stream.indirect.gather [hbm4b:s4+s14], $0x18, s30, s14, $0xb8;
	[tilespmem:$0x11380] =	vst v63  }
0x7c: {  	_ =	swait.ge [sflag:s25], $0xF00  }
0x7d: {  	[sflag:s25] =	ssyncset.done $0x0  }
0x7e: {  	s30 =	sadd.s32 $0x5000, s29;
	[sflag:s25] =	ssyncadd.s32 $0xFFFFF100  }
0x7f: {  	[spmem:s2] =	stream.indirect.scatter.add.f32 [tilespmem:s20], [sflag:$0x9], $0x18, s30, s14, $0xb8;
	[tilespmem:$0x11380] =	vst v63  }
0x80: {  	_ =	swait.ge [sflag:s26], $0xF00  }
0x81: {  	[sflag:s26] =	ssyncset.done $0x0  }
0x82: {  	s30 =	sadd.s32 $0x3C0, s29;
	[sflag:s26] =	ssyncadd.s32 $0xFFFFF100  }
0x83: {  	[tilespmem:s17], [sflag:$0x4] =	stream.indirect.gather [hbm4b:s4+s14], $0x18, s30, s14, $0xb8;
	[tilespmem:$0x11380] =	vst v63  }
0x84: {  	_ =	swait.ge [sflag:s18], $0xF00  }
0x85: {  	[sflag:s18] =	ssyncset.done $0x0  }
.Ltmp3:
0x86: {  	s30 =	sadd.s32 $0x50A0, s29;
	[sflag:s18] =	ssyncadd.s32 $0xFFFFF100;
	(pc) =	sbr.rel @p0 .LBB2_8-.Ltmp3, $4  }
0x87: {  	[spmem:s2] =	stream.indirect.scatter.add.f32 [tilespmem:s12], [sflag:$0x6], $0x18, s30, s14, $0xb8;
	[tilespmem:$0x11380] =	vst v63  }
0x88: {  	_ =	swait.ge [sflag:s28], $0xF00  }
0x89: {  	[sflag:s28] =	ssyncset.done $0x0  }
0x8a: {  	s29 =	sadd.s32 $0x460, s29;
	[sflag:s28] =	ssyncadd.s32 $0xFFFFF100  }
0x8b: {  	[tilespmem:s20], [sflag:$0x5] =	stream.indirect.gather [hbm4b:s4+s14], $0x18, s29, s14, $0xb8;
	[tilespmem:$0x11380] =	vst v63  }
0x8c: {  	_ =	swait.ge [sflag:s21], $0xF00  }
0x8d: {  	[sflag:s21] =	ssyncset.done $0x0  }
0x8e: {  	s19 =	simm.s32 $0x99C0;
	[sflag:s21] =	ssyncadd.s32 $0xFFFFF100  }
0x8f: {  	[spmem:s2] =	stream.indirect.scatter.add.f32 [tilespmem:s15], [sflag:$0x7], $0x18, s19, s14, $0xb8;
	[tilespmem:$0x11380] =	vst v63  }
0x90: {  	_ =	swait.ge [sflag:s22], $0xF00  }
0x91: {  	[sflag:s22] =	ssyncset.done $0x0  }
0x92: {  	s30 =	simm.s32 $0x4D80;
	[sflag:s22] =	ssyncadd.s32 $0xFFFFF100  }
0x93: {  	[tilespmem:s12], [sflag:$0x2] =	stream.indirect.gather [hbm4b:s4+s14], $0x18, s30, s14, $0xb8;
	[tilespmem:$0x11380] =	vst v63  }
0x94: {  	_ =	swait.ge [sflag:s23], $0xF00  }
0x95: {  	[sflag:s23] =	ssyncset.done $0x0  }
0x96: {  	[sflag:s23] =	ssyncadd.s32 $0xFFFFF100  }
0x97: {  	[spmem:s2] =	stream.indirect.scatter.add.f32 [tilespmem:s17], [sflag:$0x8], $0x18, s31, s14, $0xb8;
	[tilespmem:$0x11380] =	vst v63  }
0x98: {  	_ =	swait.ge [sflag:s24], $0xF00  }
0x99: {  	[sflag:s24] =	ssyncset.done $0x0  }
0x9a: {  	[sflag:s24] =	ssyncadd.s32 $0xFFFFF100  }
0x9b: {  	_ =	swait.ge [sflag:s25], $0xF00  }
0x9c: {  	[sflag:s25] =	ssyncset.done $0x0  }
0x9d: {  	[sflag:s25] =	ssyncadd.s32 $0xFFFFF100  }
0x9e: {  	[spmem:s2] =	stream.indirect.scatter.add.f32 [tilespmem:s20], [sflag:$0x9], $0x18, s0, s14, $0xb8;
	[tilespmem:$0x11380] =	vst v63  }
0x9f: {  	_ =	swait.ge [sflag:s26], $0xF00  }
0xa0: {  	[sflag:s26] =	ssyncset.done $0x0  }
0xa1: {  	[sflag:s26] =	ssyncadd.s32 $0xFFFFF100  }
0xa2: {  	_ =	swait.ge [sflag:s18], $0xF00  }
0xa3: {  	[sflag:s18] =	ssyncset.done $0x0  }
0xa4: {  	[sflag:s18] =	ssyncadd.s32 $0xFFFFF100  }
0xa5: {  	[spmem:s2] =	stream.indirect.scatter.add.f32 [tilespmem:s12], [sflag:$0x6], $0x18, s16, s14, $0xb8;
	[tilespmem:$0x11380] =	vst v63  }
0xa6: {  	_ =	swait.ge [sflag:s28], $0xF00  }
0xa7: {  	[sflag:s28] =	ssyncset.done $0x0  }
0xa8: {  	[sflag:s28] =	ssyncadd.s32 $0xFFFFF100  }
0xa9: {  	s29 =	stileid.u32;
	_ =	swait.ge [sflag:s22], $0xF00  }
0xaa: {  	s1 =	sadd.s32 $0x1, s1;
	s19 =	sshll.u32 s29, $0x6;
	[sflag:s22] =	ssyncset.done $0x0  }
0xab: {  	p0 =	sne.s32 s1, s9;
	s19 =	sor.u32 $0x1C0A, s19;
	[sflag:s22] =	ssyncadd.s32 $0xFFFFF100  }
.Ltmp4:
0xac: {  	s30 =	sshrl.u32 s8, $0x3;
	[bflag:$0x0] =	sbarrier.arrive $0xFFFF;
	(pc) =	sbr.rel @p0 .LBB2_1-.Ltmp4, $4  }
0xad: {  	[hbm:s7], [sflag:s19] =	dma.local [spmem:s30], $0x768  }
0xae: {  	_ =	swait.ge [sflag:s10], $0x768  }
0xaf: {  	[sflag:s10] =	ssyncset.done $0x0  }
0xb0: {  	[sflag:s10] =	ssyncadd.s32 $0xFFFFF898  }
0xb1: {  	_ =	sfence.sel $0x180000  }
0xb2: {  	[bflag:$0x0] =	sbarrier.arrive $0xFFFF  }
0xb3: {  	_ =	strace $0x9000004D  }
0xb4: {  	s0 =	stileid.u32;
	[bflag:$0x2] =	sbarrier.arrive $0xFFFF  }
0xb5: {  	p0 =	sne.s32 s0, $0x0;
	s0 =	rddreg [dreg:$0x2]  }
0xb6: {  	s0 =	sadd.s32 @!p0 $0x100000, s0  }
0xb7: {  	[sflag:s0] =	ssyncadd.tile.s32 @!p0 $0x1;
	_ =	shalt  }
.Lfunc_end2:
_tile_overlayer_lowered:
.L_overlay_start_2:
0xb8: {  	(tag) =	ssettag $0x2  }
0xb9: {  	s0 =	rddreg [dreg:$0x0];
	s2 =	stileid.u32  }
0xba: {  	s1 =	rddreg [dreg:$0x1];
	p0 =	sne.s32 s2, $0x0  }
0xbb: {  	s3 =	rddreg [dreg:$0x2];
	[bflag:$0x3] =	sbarrier.arrive $0xFFFF;
	s2 =	simm.s32 @!p0 $0x1C0A  }
0xbc: {  	[timem:s3], [sflag:s2] =	dma.local @!p0 [hbm:s0], s1  }
0xbd: {  	s0 =	simm.s32 @!p0 $0xA  }
0xbe: {  	_ =	swait.ge @!p0 [sflag:s0], s1  }
0xbf: {  	s1 =	ssub.s32 @!p0 $0x0, s1;
	[sflag:s0] =	ssyncset.done @!p0 $0x0  }
0xc0: {  	[sflag:s0] =	ssyncadd.s32 @!p0 s1  }
0xc1: {  	[bflag:$0x3] =	sbarrier.arrive $0xFFFF  }
0xc2: {  	_ =	shalt  }

// kernel: kernel.8.cloned.1.call-start
scs
__scs_entry_jumppad:
0x0: {  	(pc) =	sbr.rel $0x88, $3  }
0x1: {  	(tag) =	ssettag $0x0;
	lr =	simm.s32 $0x1  }
0x2: {  	[smem:$0x3F99] =	sst lr;
	_ =	strace $0xD0000000  }
0x3: {  	_ = 	snop  }
0x4: {  	_ = 	snop  }
0x5: {  	_ = 	snop  }
0x6: {  	_ = 	snop  }
0x7: {  	_ = 	snop  }
__scs_overlays_trampoline_lowered:
0x8: {  	[smem:$0x3FA8] =	sst s0  }
0x9: {  	[smem:$0x3FA9] =	sst s1  }
0xa: {  	[smem:$0x3FAA] =	sst s2  }
0xb: {  	[smem:$0x3FAB] =	sst s3  }
0xc: {  	[smem:$0x3FAC] =	sst s4  }
0xd: {  	[smem:$0x3FAD] =	sst s5  }
0xe: {  	[smem:$0x3FAE] =	sst s6  }
0xf: {  	[smem:$0x3FAF] =	sst s7  }
0x10: {  	[smem:$0x3FB0] =	sst s8  }
0x11: {  	[smem:$0x3FB1] =	sst s9;
	s0 =	simm.s32 @!p0 $0x0  }
0x12: {  	s1 =	sld [smem:$0x3F97];
	s0 =	simm.s32 @p0 $0x1  }
0x13: {  	[smem:$0x3FB2] =	sst s0;
	s0 =	simm.s32 @!p1 $0x0  }
0x14: {  	s2 =	sld [smem:$0x3F96];
	s0 =	simm.s32 @p1 $0x1  }
0x15: {  	[smem:$0x3FB3] =	sst s0;
	s0 =	simm.s32 @!p2 $0x0  }
0x16: {  	s3 =	sld [smem:$0x3FDB];
	s0 =	simm.s32 @p2 $0x1  }
0x17: {  	s4 =	simm.s32 $0x1BF5;
	[smem:$0x3FB5] =	sst s0  }
0x18: {  	s0 =	sld [smem:$0x3F98];
	_ =	swait.ge [sflag:s4], $0x0  }
0x19: {  	s7 =	sld [smem:$0x3F99]  }
0x1a: {  	s8 =	sadd.s32 $0xFFFFE003, lr  }
0x1b: {  	s9 =	sadd.s32 $0xFFFFFEF7, lr;
	s5 =	simm.s32 $0xFFFFFFFF;
	p2 =	slt.u32 s8, $0xFFFFF086  }
0x1c: {  	p1 =	slt.u32 s9, $0xF7A;
	s5 =	simm.s32 @!p2 $0x0  }
0x1d: {  	s5 =	simm.s32 @p1 $0x1;
	p0 =	seq.s32 s7, s2  }
0x1e: {  	s7 =	smul.u32 @!p0 $0xF7A, s2;
	p2 =	seq.s32 @!p0 s5, $0x0  }
0x1f: {  	s9 =	smul.u32 $0xF7A, s1;
	s8 =	simm.s32 @!p0 $0x1BF5;
	p2 =	por !p2, p0  }
0x20: {  	[sflag:s8] =	ssyncset.s32 @!p0 $0xFFFFF086;
	s6 =	sadd.s32 @!p0 s3, s7;
	s7 =	simm.s32 @!p0 $0x108  }
0x21: {  	s3 =	sadd.s32 s3, s9;
	s6 =	sadd.s32 @!p0 $0x88, s6;
	s7 =	simm.s32 @p2 $0x1082  }
0x22: {  	[simem:s7], [sflag:s8] =	dma.local @!p0 [hbm:s6], $0xF7A  }
0x23: {  	s9 =	sor.u32 $0xD0000000, s2;
	s6 =	simm.s32 $0x108;
	_ =	swait.ge @!p0 [sflag:s8], $0x0  }
0x24: {  	s3 =	sadd.s32 $0x88, s3;
	s6 =	simm.s32 @!p1 $0x1082;
	[sflag:s4] =	ssyncset.s32 $0xFFFFF086  }
0x25: {  	[simem:s6], [sflag:s4] =	dma.local [hbm:s3], $0xF7A  }
0x26: {  	[smem:$0x3F99] =	sst s1;
	(tag) =	ssettag s2;
	_ =	strace s9  }
0x27: {  	s1 =	sld [smem:$0x3FA9]  }
0x28: {  	s2 =	sld [smem:$0x3FAA]  }
0x29: {  	s4 =	sld [smem:$0x3FAC]  }
0x2a: {  	p0 =	seq.s32 s5, $0x0;
	s5 =	sld [smem:$0x3FAD]  }
0x2b: {  	s6 =	sld [smem:$0x3FAE]  }
0x2c: {  	s7 =	sld [smem:$0x3FAF]  }
0x2d: {  	s3 =	simm.s32 $0x108;
	s8 =	sld [smem:$0x3FB0]  }
0x2e: {  	s3 =	simm.s32 @!p0 $0x1082;
	s9 =	sld [smem:$0x3FB1]  }
0x2f: {  	lr =	sadd.s32 s0, s3;
	s0 =	sld [smem:$0x3FA8]  }
0x30: {  	s3 =	sld [smem:$0x3FAB]  }
0x31: {  	[smem:$0x3FB4] =	sst s10  }
0x32: {  	s10 =	sld [smem:$0x3FB2];
	_ =	sdelay $0x3  }
0x33: {  	p0 =	seq.s32 s10, $0x1;
	s10 =	sld [smem:$0x3FB4];
	_ =	sdelay $0x3  }
0x34: {  	[smem:$0x3FB4] =	sst s10  }
0x35: {  	s10 =	sld [smem:$0x3FB3];
	_ =	sdelay $0x3  }
0x36: {  	p1 =	seq.s32 s10, $0x1;
	s10 =	sld [smem:$0x3FB4];
	_ =	sdelay $0x3  }
0x37: {  	[smem:$0x3FB4] =	sst s10  }
0x38: {  	s10 =	sld [smem:$0x3FB5]  }
0x39: {  	_ = 	snop;
	(pc) =	sbr.ind lr, $3  }
0x3a: {  	_ = 	snop  }
0x3b: {  	_ = 	snop  }
0x3c: {  	p2 =	seq.s32 s10, $0x1;
	s10 =	sld [smem:$0x3FB4]  }
0x3d: {  	_ =	shalt  }
0x3e: {  	_ =	shalt  }
0x3f: {  	_ =	shalt  }
0x40: {  	_ =	shalt  }
0x41: {  	_ =	shalt  }
0x42: {  	_ =	shalt  }
0x43: {  	_ =	shalt  }
0x44: {  	_ =	shalt  }
0x45: {  	_ =	shalt  }
0x46: {  	_ =	shalt  }
0x47: {  	_ =	shalt  }
0x48: {  	_ =	shalt  }
0x49: {  	_ =	shalt  }
0x4a: {  	_ =	shalt  }
0x4b: {  	_ =	shalt  }
0x4c: {  	_ =	shalt  }
0x4d: {  	_ =	shalt  }
0x4e: {  	_ =	shalt  }
0x4f: {  	_ =	shalt  }
0x50: {  	_ =	shalt  }
0x51: {  	_ =	shalt  }
0x52: {  	_ =	shalt  }
0x53: {  	_ =	shalt  }
0x54: {  	_ =	shalt  }
0x55: {  	_ =	shalt  }
0x56: {  	_ =	shalt  }
0x57: {  	_ =	shalt  }
0x58: {  	_ =	shalt  }
0x59: {  	_ =	shalt  }
0x5a: {  	_ =	shalt  }
0x5b: {  	_ =	shalt  }
0x5c: {  	_ =	shalt  }
0x5d: {  	_ =	shalt  }
0x5e: {  	_ =	shalt  }
0x5f: {  	_ =	shalt  }
0x60: {  	_ =	shalt  }
0x61: {  	_ =	shalt  }
0x62: {  	_ =	shalt  }
0x63: {  	_ =	shalt  }
0x64: {  	_ =	shalt  }
0x65: {  	_ =	shalt  }
0x66: {  	_ =	shalt  }
0x67: {  	_ =	shalt  }
0x68: {  	_ =	shalt  }
0x69: {  	_ =	shalt  }
0x6a: {  	_ =	shalt  }
0x6b: {  	_ =	shalt  }
0x6c: {  	_ =	shalt  }
0x6d: {  	_ =	shalt  }
0x6e: {  	_ =	shalt  }
0x6f: {  	_ =	shalt  }
0x70: {  	_ =	shalt  }
0x71: {  	_ =	shalt  }
0x72: {  	_ =	shalt  }
0x73: {  	_ =	shalt  }
0x74: {  	_ =	shalt  }
0x75: {  	_ =	shalt  }
0x76: {  	_ =	shalt  }
0x77: {  	_ =	shalt  }
0x78: {  	_ =	shalt  }
0x79: {  	_ =	shalt  }
0x7a: {  	_ =	shalt  }
0x7b: {  	_ =	shalt  }
0x7c: {  	_ =	shalt  }
0x7d: {  	_ =	shalt  }
0x7e: {  	_ =	shalt  }
0x7f: {  	_ =	shalt  }
0x80: {  	_ =	shalt  }
0x81: {  	_ =	shalt  }
0x82: {  	_ =	shalt  }
0x83: {  	_ =	shalt  }
0x84: {  	_ =	shalt  }
0x85: {  	_ =	shalt  }
0x86: {  	_ =	shalt  }
0x87: {  	_ =	shalt  }
.Lfunc_end0:
.L_simem_size_0:
called_computation_lowered:
.L_overlay_start_0:
0x88: {  	s2 =	sld [smem:$0x3FD9]  }
0x89: {  	s3 =	sld [smem:$0x3FFE];
	_ =	sdelay $0x1  }
0x8a: {  	s1 =	srdreg.scid  }
0x8b: {  	s0 =	sand.u32 $0x1, s1  }
0x8c: {  	s17 =	sshll.u32 s0, $0xA;
	s2 =	sadd.s32 s3, s2  }
0x8d: {  	s2 =	sadd.s32 s2, s17  }
0x8e: {  	[smem:$0x3FC0] =	sst s2  }
0x8f: {  	_ = 	snop  }
0x90: {  	s2 =	sld [smem:$0x3FD0];
	(tm) =	ssettm $0x1  }
0x91: {  	s18 =	sld [smem:$0x3FFB];
	_ =	sdelay $0x3  }
0x92: {  	_ =	strace s18  }
0x93: {  	s3 =	sld [smem:$0x3FFC];
	_ =	sdelay $0x3  }
0x94: {  	_ =	strace s3  }
0x95: {  	s3 =	sld [smem:$0x3FFD];
	_ =	sdelay $0x3  }
0x96: {  	_ =	strace s3  }
0x97: {  	_ =	strace $0x8FFFFFFF  }
0x98: {  	s19 =	sld [smem:$0x3FDB];
	_ =	sdelay $0x1  }
0x99: {  	s4 =	simm.s32 $_scs_section_size  }
0x9a: {  	s5 =	simm.s32 $_size__tile_overlayer_lowered;
	s6 =	simm.s32 $_tile_overlayer_lowered  }
0x9b: {  	s22 =	simm.s32 $0x1BFF;
	s21 =	sshll.u32 s6, $0x1;
	s3 =	sadd.s32 s4, s19  }
0x9c: {  	s7 =	simm.s32 $0x0;
	s20 =	sshll.u32 s5, $0x1;
	s5 =	sadd.s32 s21, s3  }
0x9d: {  	[timem:s7], [sflag:s22] =	dma.local [hbm:s5], s20  }
0x9e: {  	_ =	swait.ge [sflag:s22], s20  }
0x9f: {  	s4 =	ssub.s32 $0x0, s20;
	[sflag:s22] =	ssyncset.done $0x0  }
0xa0: {  	[sflag:s22] =	ssyncadd.s32 s4;
	_ =	sdelay $0x1  }
0xa1: {  	s23 =	simm.s32 $0x1B8B  }
0xa2: {  	_ =	swait.ge [sflag:s23], $0x1  }
0xa3: {  	[sflag:s23] =	ssyncset.done $0x0  }
0xa4: {  	s25 =	simm.s32 $0x1B8E;
	s24 =	sld [smem:$0x3FFE];
	[sflag:s23] =	ssyncadd.s32 $0xFFFFFFFF  }
0xa5: {  	s26 =	simm.s32 $execute0_lowered;
	[smem:$0x3FD2] =	sst s25  }
0xa6: {  	s5 =	sshll.u32 s26, $0x1;
	_ =	strace $0x80000046;
	[dreg:$0x1] =	wrdreg $0xFFFFFFFF  }
0xa7: {  	s28 =	simm.s32 $_size_execute0_lowered;
	s3 =	sadd.s32 s3, s5;
	[dreg:$0x0] =	wrdreg $0x0  }
0xa8: {  	s5 =	sshll.u32 s28, $0x1;
	[dreg:$0x2] =	wrdreg s3  }
0xa9: {  	[dreg:$0x3] =	wrdreg s5  }
0xaa: {  	[dreg:$0x4] =	wrdreg $0xC0  }
0xab: {  	_ =	task [dreg:s7], $0x5FFFF  }
0xac: {  	[dreg:$0x1] =	wrdreg $0xFFFFFFFF  }
0xad: {  	[dreg:$0x0] =	wrdreg $0x60  }
0xae: {  	[dreg:$0x2] =	wrdreg s2  }
0xaf: {  	[dreg:$0x3] =	wrdreg s24  }
0xb0: {  	[dreg:$0x4] =	wrdreg $0x2B000  }
0xb1: {  	[dreg:$0x5] =	wrdreg $0x9  }
0xb2: {  	_ =	task.clear_ibuf [dreg:s7], $0x6FFFF;
	_ =	strace $0x90000046  }
0xb3: {  	s29 =	simm.s32 $0x9;
	_ =	strace $0x80000048  }
0xb4: {  	_ =	swait.ge [sflag:s29], $0x1  }
0xb5: {  	[sflag:s29] =	ssyncadd.s32 $0xFFFFFFFF  }
0xb6: {  	_ =	strace $0x90000048  }
0xb7: {  	_ =	sfence  }
0xb8: {  	s30 =	sld [smem:$0x0];
	_ =	sdelay $0x2  }
0xb9: {  	s31 =	sshll.u32 s1, $0xD;
	s1 =	sshrl.u32 s1, $0x2  }
0xba: {  	s3 =	sand.u32 $0x4000, s31;
	s1 =	sadd.s32 s1, s30  }
0xbb: {  	s0 =	sor.u32 s3, s0;
	s1 =	sshll.u32 s1, $0x11  }
0xbc: {  	s0 =	sor.u32 s1, s0  }
0xbd: {  	s0 =	sadd.s32 $0x8F2B, s0  }
0xbe: {  	[sflag:s0] =	ssyncadd.remote.s32 $0x1  }
0xbf: {  	_ =	sfence.sel $0xFFFF  }
0xc0: {  	[dreg:$0x0] =	wrdreg $0xFFFFFFFF;
	(pc) =	sbr.abs _section_cstart, $3  }
0xc1: {  	[dreg:$0x1] =	wrdreg $0xFFFFFFFF  }
0xc2: {  	_ =	task.clear_ibuf [dreg:s7], $0x2FFFF;
	_ =	strace $0x9FFFFFFF  }
0xc3: {  	(tm) =	ssettm $0x7FFFFFFF  }
tec
execute0_lowered:
.L_overlay_start_1:
0x0: {  	(tag) =	ssettag $0x1  }
0x1: {  	s4 =	rddreg [dreg:$0x0]  }
0x2: {  	s5 =	rddreg [dreg:$0x1]  }
0x3: {  	s2 =	rddreg [dreg:$0x2];
	s3 =	srdreg.scid  }
0x4: {  	s1 =	stileid.u32;
	s0 =	rddreg [dreg:$0x3];
	s11 =	simm.s32 $0x2800  }
0x5: {  	s12 =	simm.s32 $0x1;
	s6 =	sand.u32 $0x1, s3;
	s7 =	smul.u32 $0x278, s1  }
0x6: {  	s3 =	simm.s32 $0x0;
	s8 =	smul.u32 $0x2780, s6;
	s9 =	sshll.u32 s6, $0x4  }
0x7: {  	s13 =	simm.s32 $0x0;
	[smem:$0x7FF] =	sst s3;
	s9 =	sor.u32 s1, s9  }
0x8: {  	s6 =	ssub.s32 $0x2, s6;
	s8 =	sadd.s32 s7, s8;
	s9 =	smul.u32 $0x500, s9  }
0x9: {  	_ =	strace $0x80000047;
	s10 =	sshrl.u32 s6, $0x1;
	s8 =	sshrl.u32 s8, $0x3  }
0xa: {  	s10 =	ssub.s32 s6, s10;
	s8 =	sadd.s32 s8, s5;
	s4 =	sadd.s32 s4, s9  }
0xb: {  	s5 =	sadd.s32 s7, s2;
	s7 =	smax.u32 s10, $0x1;
	s9 =	simm.s32 $0x2880  }
0xc: {  	v0 =	vimm.f32 $1.000000000e+00;
	v1 =	vimm.f32 $0.0e+00;
	s10 =	simm.s32 $0x80;
	s6 =	sadd.s32 $0x2800, s8;
	s8 =	simm.s32 $0x2  }
.LBB2_1:
0xd: {  	[tilespmem:s3], [sflag:$0x2] =	stream.linear.gather [hbm4b:s4+s3], $0x2800, $0x38;
	[tilespmem:$0x2D78] =	vst v63  }
0xe: {  	_ =	swait.ge [sflag:s8], $0x2800  }
0xf: {  	[sflag:s8] =	ssyncset.done $0x0  }
0x10: {  	[sflag:s8] =	ssyncadd.s32 $0xFFFFD800  }
0x11: {  	[tilespmem:$0x2800] =	vst v0  }
0x12: {  	[tilespmem:$0x2810] =	vst v0  }
0x13: {  	[tilespmem:$0x2820] =	vst v0  }
0x14: {  	[tilespmem:$0x2830] =	vst v0  }
0x15: {  	[tilespmem:$0x2840] =	vst v0  }
0x16: {  	[tilespmem:$0x2850] =	vst v0  }
0x17: {  	[tilespmem:$0x2860] =	vst v0  }
0x18: {  	[tilespmem:$0x2870] =	vst v0  }
0x19: {  	[tilespmem:$0x2880] =	vst v1  }
0x1a: {  	[tilespmem:$0x2890] =	vst v1  }
0x1b: {  	[tilespmem:$0x28A0] =	vst v1  }
0x1c: {  	[tilespmem:$0x28B0] =	vst v1  }
0x1d: {  	[tilespmem:$0x28C0] =	vst v1  }
0x1e: {  	[tilespmem:$0x28D0] =	vst v1  }
0x1f: {  	[tilespmem:$0x28E0] =	vst v1  }
0x20: {  	[tilespmem:$0x28F0] =	vst v1  }
0x21: {  	[tilespmem:$0x2900] =	vst v1  }
0x22: {  	[tilespmem:$0x2910] =	vst v1  }
0x23: {  	[tilespmem:$0x2920] =	vst v1  }
0x24: {  	[tilespmem:$0x2930] =	vst v1  }
0x25: {  	[tilespmem:$0x2940] =	vst v1  }
0x26: {  	[tilespmem:$0x2950] =	vst v1  }
0x27: {  	[tilespmem:$0x2960] =	vst v1  }
0x28: {  	[tilespmem:$0x2970] =	vst v1  }
0x29: {  	[tilespmem:$0x2980] =	vst v1  }
0x2a: {  	[tilespmem:$0x2990] =	vst v1  }
0x2b: {  	[tilespmem:$0x29A0] =	vst v1  }
0x2c: {  	[tilespmem:$0x29B0] =	vst v1  }
0x2d: {  	[tilespmem:$0x29C0] =	vst v1  }
0x2e: {  	[tilespmem:$0x29D0] =	vst v1  }
0x2f: {  	[tilespmem:$0x29E0] =	vst v1  }
0x30: {  	[tilespmem:$0x29F0] =	vst v1  }
0x31: {  	[tilespmem:$0x2A00] =	vst v1  }
0x32: {  	[tilespmem:$0x2A10] =	vst v1  }
0x33: {  	[tilespmem:$0x2A20] =	vst v1  }
0x34: {  	[tilespmem:$0x2A30] =	vst v1  }
0x35: {  	[tilespmem:$0x2A40] =	vst v1  }
0x36: {  	[tilespmem:$0x2A50] =	vst v1  }
0x37: {  	[tilespmem:$0x2A60] =	vst v1  }
0x38: {  	[tilespmem:$0x2A70] =	vst v1  }
0x39: {  	[tilespmem:$0x2A80] =	vst v1  }
0x3a: {  	[tilespmem:$0x2A90] =	vst v1  }
0x3b: {  	[tilespmem:$0x2AA0] =	vst v1  }
0x3c: {  	[tilespmem:$0x2AB0] =	vst v1  }
0x3d: {  	[tilespmem:$0x2AC0] =	vst v1  }
0x3e: {  	[tilespmem:$0x2AD0] =	vst v1  }
0x3f: {  	[tilespmem:$0x2AE0] =	vst v1  }
0x40: {  	[tilespmem:$0x2AE8] =	vst v1  }
0x41: {  	[spmem:s5] =	stream.linear.scatter [tilespmem:s9], [sflag:$0x2], $0x278, $0x38;
	[tilespmem:$0x2D78] =	vst v63  }
0x42: {  	_ =	swait.ge [sflag:s8], $0x278  }
0x43: {  	[sflag:s8] =	ssyncset.done $0x0  }
0x44: {  	[sflag:s8] =	ssyncadd.s32 $0xFFFFFD88  }
0x45: {  	s14 =	simm.s32 $0x0;
	[bflag:$0x0] =	sbarrier.arrive $0xFFFF  }
0x46: {  	[spmem:s2] =	stream.indirect.scatter.add.f32 [tilespmem:s11], [sflag:$0x1], $0x1, s14, s10, $0xb8;
	[tilespmem:$0x2D78] =	vst v63  }
0x47: {  	s24 =	simm.s32 $0x80  }
0x48: {  	[spmem:s2] =	stream.indirect.scatter.add.f32 [tilespmem:s11], [sflag:$0x1], $0x1, s24, s10, $0xb8;
	[tilespmem:$0x2D78] =	vst v63  }
0x49: {  	s25 =	simm.s32 $0x100  }
0x4a: {  	[spmem:s2] =	stream.indirect.scatter.add.f32 [tilespmem:s11], [sflag:$0x1], $0x1, s25, s10, $0xb8;
	[tilespmem:$0x2D78] =	vst v63  }
0x4b: {  	s26 =	simm.s32 $0x180  }
0x4c: {  	[spmem:s2] =	stream.indirect.scatter.add.f32 [tilespmem:s11], [sflag:$0x1], $0x1, s26, s10, $0xb8;
	[tilespmem:$0x2D78] =	vst v63  }
0x4d: {  	s28 =	simm.s32 $0x200  }
0x4e: {  	[spmem:s2] =	stream.indirect.scatter.add.f32 [tilespmem:s11], [sflag:$0x1], $0x1, s28, s10, $0xb8;
	[tilespmem:$0x2D78] =	vst v63  }
0x4f: {  	s29 =	simm.s32 $0x280  }
0x50: {  	[spmem:s2] =	stream.indirect.scatter.add.f32 [tilespmem:s11], [sflag:$0x1], $0x1, s29, s10, $0xb8;
	[tilespmem:$0x2D78] =	vst v63  }
0x51: {  	s30 =	simm.s32 $0x300  }
0x52: {  	[spmem:s2] =	stream.indirect.scatter.add.f32 [tilespmem:s11], [sflag:$0x1], $0x1, s30, s10, $0xb8;
	[tilespmem:$0x2D78] =	vst v63  }
0x53: {  	s31 =	simm.s32 $0x380  }
0x54: {  	[spmem:s2] =	stream.indirect.scatter.add.f32 [tilespmem:s11], [sflag:$0x1], $0x1, s31, s10, $0xb8;
	[tilespmem:$0x2D78] =	vst v63  }
0x55: {  	_ =	swait.ge [sflag:s12], $0x80  }
0x56: {  	[sflag:s12] =	ssyncset.done $0x0  }
0x57: {  	[sflag:s12] =	ssyncadd.s32 $0xFFFFFF80  }
0x58: {  	_ =	swait.ge [sflag:s12], $0x80  }
0x59: {  	[sflag:s12] =	ssyncset.done $0x0  }
0x5a: {  	[sflag:s12] =	ssyncadd.s32 $0xFFFFFF80  }
0x5b: {  	_ =	swait.ge [sflag:s12], $0x80  }
0x5c: {  	[sflag:s12] =	ssyncset.done $0x0  }
0x5d: {  	[sflag:s12] =	ssyncadd.s32 $0xFFFFFF80  }
0x5e: {  	_ =	swait.ge [sflag:s12], $0x80  }
0x5f: {  	[sflag:s12] =	ssyncset.done $0x0  }
0x60: {  	[sflag:s12] =	ssyncadd.s32 $0xFFFFFF80  }
0x61: {  	_ =	swait.ge [sflag:s12], $0x80  }
0x62: {  	[sflag:s12] =	ssyncset.done $0x0  }
0x63: {  	[sflag:s12] =	ssyncadd.s32 $0xFFFFFF80  }
0x64: {  	_ =	swait.ge [sflag:s12], $0x80  }
0x65: {  	[sflag:s12] =	ssyncset.done $0x0  }
0x66: {  	[sflag:s12] =	ssyncadd.s32 $0xFFFFFF80  }
0x67: {  	_ =	swait.ge [sflag:s12], $0x80  }
0x68: {  	[sflag:s12] =	ssyncset.done $0x0  }
0x69: {  	[sflag:s12] =	ssyncadd.s32 $0xFFFFFF80  }
0x6a: {  	_ =	swait.ge [sflag:s12], $0x80  }
0x6b: {  	s16 =	simm.s32 $0x2000;
	s14 =	simm.s32 $0x1000;
	[sflag:s12] =	ssyncset.done $0x0  }
.LBB2_2:
0x6c: {  	s17 =	sshra.s32 s14, $0x2  }
0x6d: {  	[sflag:s12] =	ssyncadd.s32 $0xFFFFFF80;
	s14 =	smov.u32 s16;
	s15 =	sadd.s32 $0x1000, s16  }
0x6e: {  	[spmem:s2] =	stream.indirect.scatter.add.f32 [tilespmem:s11], [sflag:$0x1], $0x1, s17, s10, $0xb8;
	[tilespmem:$0x2D78] =	vst v63  }
0x6f: {  	p0 =	sne.s32 s16, $0x9000;
	s16 =	sadd.s32 $0x80, s17  }
0x70: {  	[spmem:s2] =	stream.indirect.scatter.add.f32 [tilespmem:s11], [sflag:$0x1], $0x1, s16, s10, $0xb8;
	[tilespmem:$0x2D78] =	vst v63  }
0x71: {  	s16 =	sadd.s32 $0x100, s17  }
0x72: {  	[spmem:s2] =	stream.indirect.scatter.add.f32 [tilespmem:s11], [sflag:$0x1], $0x1, s16, s10, $0xb8;
	[tilespmem:$0x2D78] =	vst v63  }
0x73: {  	s16 =	sadd.s32 $0x180, s17  }
0x74: {  	[spmem:s2] =	stream.indirect.scatter.add.f32 [tilespmem:s11], [sflag:$0x1], $0x1, s16, s10, $0xb8;
	[tilespmem:$0x2D78] =	vst v63  }
0x75: {  	s16 =	sadd.s32 $0x200, s17  }
0x76: {  	[spmem:s2] =	stream.indirect.scatter.add.f32 [tilespmem:s11], [sflag:$0x1], $0x1, s16, s10, $0xb8;
	[tilespmem:$0x2D78] =	vst v63  }
0x77: {  	s16 =	sadd.s32 $0x280, s17  }
0x78: {  	[spmem:s2] =	stream.indirect.scatter.add.f32 [tilespmem:s11], [sflag:$0x1], $0x1, s16, s10, $0xb8;
	[tilespmem:$0x2D78] =	vst v63  }
0x79: {  	s16 =	sadd.s32 $0x300, s17  }
0x7a: {  	[spmem:s2] =	stream.indirect.scatter.add.f32 [tilespmem:s11], [sflag:$0x1], $0x1, s16, s10, $0xb8;
	[tilespmem:$0x2D78] =	vst v63  }
0x7b: {  	s16 =	sadd.s32 $0x380, s17  }
0x7c: {  	[spmem:s2] =	stream.indirect.scatter.add.f32 [tilespmem:s11], [sflag:$0x1], $0x1, s16, s10, $0xb8;
	[tilespmem:$0x2D78] =	vst v63  }
0x7d: {  	_ =	swait.ge [sflag:s12], $0x80  }
0x7e: {  	[sflag:s12] =	ssyncset.done $0x0  }
0x7f: {  	[sflag:s12] =	ssyncadd.s32 $0xFFFFFF80  }
0x80: {  	_ =	swait.ge [sflag:s12], $0x80  }
0x81: {  	[sflag:s12] =	ssyncset.done $0x0  }
0x82: {  	[sflag:s12] =	ssyncadd.s32 $0xFFFFFF80  }
0x83: {  	_ =	swait.ge [sflag:s12], $0x80  }
0x84: {  	[sflag:s12] =	ssyncset.done $0x0  }
0x85: {  	[sflag:s12] =	ssyncadd.s32 $0xFFFFFF80  }
0x86: {  	_ =	swait.ge [sflag:s12], $0x80  }
0x87: {  	[sflag:s12] =	ssyncset.done $0x0  }
0x88: {  	[sflag:s12] =	ssyncadd.s32 $0xFFFFFF80  }
0x89: {  	_ =	swait.ge [sflag:s12], $0x80  }
0x8a: {  	[sflag:s12] =	ssyncset.done $0x0  }
0x8b: {  	[sflag:s12] =	ssyncadd.s32 $0xFFFFFF80  }
0x8c: {  	_ =	swait.ge [sflag:s12], $0x80  }
0x8d: {  	[sflag:s12] =	ssyncset.done $0x0  }
0x8e: {  	[sflag:s12] =	ssyncadd.s32 $0xFFFFFF80  }
.Ltmp0:
0x8f: {  	_ =	swait.ge [sflag:s12], $0x80;
	(pc) =	sbr.rel @p0 .LBB2_2-.Ltmp0, $4  }
0x90: {  	[sflag:s12] =	ssyncset.done $0x0  }
0x91: {  	[sflag:s12] =	ssyncadd.s32 $0xFFFFFF80  }
0x92: {  	_ =	swait.ge [sflag:s12], $0x80  }
0x93: {  	s16 =	smov.u32 s15;
	[sflag:s12] =	ssyncset.done $0x0  }
0x94: {  	s14 =	sshra.s32 s14, $0x2;
	[sflag:s12] =	ssyncadd.s32 $0xFFFFFF80  }
0x95: {  	[spmem:s2] =	stream.indirect.scatter.add.f32 [tilespmem:s11], [sflag:$0x1], $0x1, s14, s10, $0xb8;
	[tilespmem:$0x2D78] =	vst v63  }
0x96: {  	s15 =	sadd.s32 $0x80, s14  }
0x97: {  	[spmem:s2] =	stream.indirect.scatter.add.f32 [tilespmem:s11], [sflag:$0x1], $0x1, s15, s10, $0xb8;
	[tilespmem:$0x2D78] =	vst v63  }
0x98: {  	s26 =	sadd.s32 $0x100, s14  }
0x99: {  	[spmem:s2] =	stream.indirect.scatter.add.f32 [tilespmem:s11], [sflag:$0x1], $0x1, s26, s10, $0xb8;
	[tilespmem:$0x2D78] =	vst v63  }
0x9a: {  	s28 =	sadd.s32 $0x180, s14  }
0x9b: {  	[spmem:s2] =	stream.indirect.scatter.add.f32 [tilespmem:s11], [sflag:$0x1], $0x1, s28, s10, $0xb8;
	[tilespmem:$0x2D78] =	vst v63  }
0x9c: {  	s29 =	sadd.s32 $0x200, s14  }
0x9d: {  	[spmem:s2] =	stream.indirect.scatter.add.f32 [tilespmem:s11], [sflag:$0x1], $0x1, s29, s10, $0xb8;
	[tilespmem:$0x2D78] =	vst v63  }
0x9e: {  	s30 =	sadd.s32 $0x280, s14  }
0x9f: {  	[spmem:s2] =	stream.indirect.scatter.add.f32 [tilespmem:s11], [sflag:$0x1], $0x1, s30, s10, $0xb8;
	[tilespmem:$0x2D78] =	vst v63  }
0xa0: {  	s31 =	sadd.s32 $0x300, s14  }
0xa1: {  	[spmem:s2] =	stream.indirect.scatter.add.f32 [tilespmem:s11], [sflag:$0x1], $0x1, s31, s10, $0xb8;
	[tilespmem:$0x2D78] =	vst v63  }
0xa2: {  	s14 =	sadd.s32 $0x380, s14  }
0xa3: {  	[spmem:s2] =	stream.indirect.scatter.add.f32 [tilespmem:s11], [sflag:$0x1], $0x1, s14, s10, $0xb8;
	[tilespmem:$0x2D78] =	vst v63  }
0xa4: {  	_ =	swait.ge [sflag:s12], $0x80  }
0xa5: {  	[sflag:s12] =	ssyncset.done $0x0  }
0xa6: {  	[sflag:s12] =	ssyncadd.s32 $0xFFFFFF80  }
0xa7: {  	_ =	swait.ge [sflag:s12], $0x80  }
0xa8: {  	[sflag:s12] =	ssyncset.done $0x0  }
0xa9: {  	[sflag:s12] =	ssyncadd.s32 $0xFFFFFF80  }
0xaa: {  	_ =	swait.ge [sflag:s12], $0x80  }
0xab: {  	[sflag:s12] =	ssyncset.done $0x0  }
0xac: {  	[sflag:s12] =	ssyncadd.s32 $0xFFFFFF80  }
0xad: {  	_ =	swait.ge [sflag:s12], $0x80  }
0xae: {  	[sflag:s12] =	ssyncset.done $0x0  }
0xaf: {  	[sflag:s12] =	ssyncadd.s32 $0xFFFFFF80  }
0xb0: {  	_ =	swait.ge [sflag:s12], $0x80  }
0xb1: {  	[sflag:s12] =	ssyncset.done $0x0  }
0xb2: {  	[sflag:s12] =	ssyncadd.s32 $0xFFFFFF80  }
0xb3: {  	_ =	swait.ge [sflag:s12], $0x80  }
0xb4: {  	[sflag:s12] =	ssyncset.done $0x0  }
0xb5: {  	[sflag:s12] =	ssyncadd.s32 $0xFFFFFF80  }
0xb6: {  	_ =	swait.ge [sflag:s12], $0x80  }
0xb7: {  	[sflag:s12] =	ssyncset.done $0x0  }
0xb8: {  	[sflag:s12] =	ssyncadd.s32 $0xFFFFFF80  }
0xb9: {  	_ =	swait.ge [sflag:s12], $0x80  }
0xba: {  	[sflag:s12] =	ssyncset.done $0x0  }
0xbb: {  	[sflag:s12] =	ssyncadd.s32 $0xFFFFFF80  }
0xbc: {  	[bflag:$0x0] =	sbarrier.arrive $0xFFFF  }
0xbd: {  	[tilespmem:s9], [sflag:$0x2] =	stream.linear.gather [spmem:s5], $0x278, $0x38;
	[tilespmem:$0x2D78] =	vst v63  }
0xbe: {  	s13 =	sadd.s32 $0x1, s13;
	_ =	swait.ge [sflag:s8], $0x278  }
0xbf: {  	p0 =	sne.s32 s13, s7;
	[sflag:s8] =	ssyncset.done $0x0  }
.Ltmp1:
0xc0: {  	[sflag:s8] =	ssyncadd.s32 $0xFFFFFD88;
	(pc) =	sbr.rel @p0 .LBB2_1-.Ltmp1, $4  }
0xc1: {  	[hbm4b:s6+s3] =	stream.linear.scatter [tilespmem:s9], [sflag:$0x2], $0x278, $0x38;
	[tilespmem:$0x2D78] =	vst v63  }
0xc2: {  	_ =	swait.ge [sflag:s8], $0x278  }
0xc3: {  	[sflag:s8] =	ssyncset.done $0x0  }
0xc4: {  	[sflag:s8] =	ssyncadd.s32 $0xFFFFFD88  }
0xc5: {  	_ =	sfence.sel $0x180000  }
0xc6: {  	[bflag:$0x0] =	sbarrier.arrive $0xFFFF  }
0xc7: {  	p0 =	sne.s32 s1, $0x0;
	_ =	strace $0x90000047  }
0xc8: {  	s0 =	sadd.s32 @!p0 $0x100000, s0;
	[bflag:$0x2] =	sbarrier.arrive $0xFFFF  }
0xc9: {  	[sflag:s0] =	ssyncadd.tile.s32 @!p0 $0x1;
	_ =	shalt  }
.Lfunc_end2:
_tile_overlayer_lowered:
.L_overlay_start_2:
0xca: {  	(tag) =	ssettag $0x2  }
0xcb: {  	s0 =	rddreg [dreg:$0x0];
	s2 =	stileid.u32  }
0xcc: {  	s1 =	rddreg [dreg:$0x1];
	p0 =	sne.s32 s2, $0x0  }
0xcd: {  	s3 =	rddreg [dreg:$0x2];
	[bflag:$0x3] =	sbarrier.arrive $0xFFFF;
	s2 =	simm.s32 @!p0 $0x1C02  }
0xce: {  	[timem:s3], [sflag:s2] =	dma.local @!p0 [hbm:s0], s1  }
0xcf: {  	s0 =	simm.s32 @!p0 $0x2  }
0xd0: {  	_ =	swait.ge @!p0 [sflag:s0], s1  }
0xd1: {  	s1 =	ssub.s32 @!p0 $0x0, s1;
	[sflag:s0] =	ssyncset.done @!p0 $0x0  }
0xd2: {  	[sflag:s0] =	ssyncadd.s32 @!p0 s1  }
0xd3: {  	[bflag:$0x3] =	sbarrier.arrive $0xFFFF  }
0xd4: {  	_ =	shalt  }

</sc_bundles>
